<compile_context>
chip_gen: v7x
topology: tpu7x:2x2x1
jax: 0.10.2.dev20260603
libtpu: 0.0.44.dev20260713+nightly
codegen_flags: <defaults>
</compile_context>

<pallas_src>
import functools

import jax
import jax.numpy as jnp
from jax import lax
from jax.experimental import pallas as pl
from jax.experimental.pallas import tpu as pltpu
from jax.experimental.pallas import tpu_sc as plsc

N = 100000
E = 6400000
R = 80
NC, NS = 2, 16
NW = NC * NS
EPW = E // NW
KD = 20
CD = KD * R
TD = EPW // CD
K = 10
C = K * R
T = EPW // C
D = 16
NPAD = 100352
SL = NPAD // NS
FCH = SL // 4

_mesh = plsc.VectorSubcoreMesh(
    core_axis_name="c", subcore_axis_name="s", num_cores=NC, num_subcores=NS)
_sc_params = pltpu.CompilerParams(use_tc_tiling_on_sc=False)


@functools.partial(
    pl.kernel,
    out_type=jax.ShapeDtypeStruct((NC, NPAD), jnp.float32),
    mesh=_mesh,
    compiler_params=_sc_params,
    scratch_types=[
        pltpu.VMEM((2, CD), jnp.int32),
        pltpu.VMEM((R,), jnp.float32),
        pltpu.VMEM((SL,), jnp.float32),
        pltpu.VMEM_SHARED((NPAD,), jnp.float32),
        pltpu.SemaphoreType.DMA,
        pltpu.SemaphoreType.DMA,
    ],
)
def _deg_kernel(edges_hbm, deg_out, ibuf, ones, tbuf, deg_sp, sem_i, sem_s):
    c = lax.axis_index("c")
    s = lax.axis_index("s")
    w = s * NC + c
    z = jnp.zeros((16,), jnp.float32)
    o = jnp.ones((16,), jnp.float32)
    for i in range(R // 16):
        ones[pl.ds(i * 16, 16)] = o

    def zb(i, _):
        tbuf[pl.ds(i * 16, 16)] = z
        return _
    lax.fori_loop(0, SL // 16, zb, 0)
    pltpu.sync_copy(tbuf, deg_sp.at[pl.ds(s * SL, SL)])
    plsc.subcore_barrier()

    pltpu.sync_copy(edges_hbm.at[pl.ds(E + w * EPW, CD)], ibuf.at[0])

    def step(t, _):
        p = lax.rem(t, 2)

        @pl.when(t + 1 < TD)
        def _prefetch():
            pltpu.async_copy(
                edges_hbm.at[pl.ds(E + w * EPW + (t + 1) * CD, CD)],
                ibuf.at[1 - p], sem_i)

        def fire(j, _):
            pltpu.async_copy(ones, deg_sp.at[ibuf.at[p, pl.ds(j * R, R)]],
                             sem_s, add=True)
            return _
        lax.fori_loop(0, KD, fire, 0)

        pltpu.make_async_copy(tbuf.at[pl.ds(0, CD)],
                              deg_sp.at[ibuf.at[p]], sem_s).wait()

        @pl.when(t + 1 < TD)
        def _wait_prefetch():
            pltpu.make_async_copy(edges_hbm.at[pl.ds(0, CD)],
                                  ibuf.at[1 - p], sem_i).wait()
        return _
    lax.fori_loop(0, TD, step, 0)

    plsc.subcore_barrier()
    pltpu.sync_copy(deg_sp.at[pl.ds(s * SL, SL)], tbuf)
    pltpu.sync_copy(tbuf, deg_out.at[c, pl.ds(s * SL, SL)])


@functools.partial(
    pl.kernel,
    out_type=[jax.ShapeDtypeStruct((NPAD, D), jnp.float32),
              jax.ShapeDtypeStruct((NPAD, D), jnp.float32)],
    mesh=_mesh,
    compiler_params=_sc_params,
    scratch_types=[
        pltpu.VMEM((2, C), jnp.int32),
        pltpu.VMEM((2, C), jnp.int32),
        pltpu.VMEM((2 * C, D), jnp.float32),
        pltpu.VMEM_SHARED((NPAD, D), jnp.float32),
        pltpu.SemaphoreType.DMA,
        pltpu.SemaphoreType.DMA,
        pltpu.SemaphoreType.DMA,
    ],
)
def _msg_kernel(edges_hbm, g_hbm, acc0_out, acc1_out,
                isrc, idst, rows, acc_sp, sem_i, sem_g, sem_s):
    c = lax.axis_index("c")
    s = lax.axis_index("s")
    w = s * NC + c
    z = jnp.zeros((16,), jnp.float32)

    def zb(i, _):
        rows[i, :] = z
        return _
    lax.fori_loop(0, FCH, zb, 0)
    for q in range(4):
        pltpu.sync_copy(rows.at[pl.ds(0, FCH)],
                        acc_sp.at[pl.ds(s * SL + q * FCH, FCH)])
    plsc.subcore_barrier()

    def fire_gathers(p, t):
        def fire_g(j, _):
            pltpu.async_copy(g_hbm.at[isrc.at[p, pl.ds(j * R, R)]],
                             rows.at[pl.ds(p * C + j * R, R)], sem_g)
            return _
        lax.fori_loop(0, K, fire_g, 0)

    pltpu.sync_copy(edges_hbm.at[pl.ds(w * EPW, C)], isrc.at[0])
    pltpu.sync_copy(edges_hbm.at[pl.ds(E + w * EPW, C)], idst.at[0])
    fire_gathers(0, 0)

    def step(t, _):
        p = lax.rem(t, 2)

        @pl.when(t + 1 < T)
        def _prefetch_idx():
            base = w * EPW + (t + 1) * C
            pltpu.async_copy(edges_hbm.at[pl.ds(base, C)], isrc.at[1 - p],
                             sem_i)
            pltpu.async_copy(edges_hbm.at[pl.ds(E + base, C)],
                             idst.at[1 - p], sem_i)

        def fire_s(j, _):
            pltpu.make_async_copy(g_hbm.at[isrc.at[p, pl.ds(j * R, R)]],
                                  rows.at[pl.ds(p * C + j * R, R)],
                                  sem_g).wait()
            pltpu.async_copy(rows.at[pl.ds(p * C + j * R, R)],
                             acc_sp.at[idst.at[p, pl.ds(j * R, R)]],
                             sem_s, add=True)
            return _
        lax.fori_loop(0, K, fire_s, 0)

        @pl.when(t + 1 < T)
        def _next_gathers():
            pltpu.make_async_copy(edges_hbm.at[pl.ds(0, C)], isrc.at[1 - p],
                                  sem_i).wait()
            pltpu.make_async_copy(edges_hbm.at[pl.ds(0, C)], idst.at[1 - p],
                                  sem_i).wait()
            fire_gathers(1 - p, t + 1)

        pltpu.make_async_copy(rows.at[pl.ds(p * C, C)],
                              acc_sp.at[idst.at[p]], sem_s).wait()
        return _
    lax.fori_loop(0, T, step, 0)

    plsc.subcore_barrier()
    for q in range(4):
        pltpu.sync_copy(acc_sp.at[pl.ds(s * SL + q * FCH, FCH)],
                        rows.at[pl.ds(0, FCH)])

        @pl.when(c == 0)
        def _flush0():
            pltpu.sync_copy(rows.at[pl.ds(0, FCH)],
                            acc0_out.at[pl.ds(s * SL + q * FCH, FCH)])

        @pl.when(c == 1)
        def _flush1():
            pltpu.sync_copy(rows.at[pl.ds(0, FCH)],
                            acc1_out.at[pl.ds(s * SL + q * FCH, FCH)])


BNW = 1024
_GRID = (N // 8 + BNW - 1) // BNW


def _lift(xw, wl8, bl8, wc8):
    def body(x_ref, wl_ref, bl_ref, wc_ref, h2_ref):
        h = jnp.tanh(jnp.dot(x_ref[...], wl_ref[...],
                             preferred_element_type=jnp.float32,
                        precision=lax.Precision.HIGHEST) + bl_ref[...])
        h2_ref[...] = jnp.dot(h, wc_ref[...],
                              preferred_element_type=jnp.float32,
                        precision=lax.Precision.HIGHEST)
    return pl.pallas_call(
        body,
        grid=(_GRID,),
        in_specs=[
            pl.BlockSpec((BNW, 40), lambda i: (i, 0)),
            pl.BlockSpec((40, 128), lambda i: (0, 0)),
            pl.BlockSpec((1, 128), lambda i: (0, 0)),
            pl.BlockSpec((128, 128), lambda i: (0, 0)),
        ],
        out_specs=pl.BlockSpec((BNW, 128), lambda i: (i, 0)),
        out_shape=jax.ShapeDtypeStruct((N // 8, 128), jnp.float32),
    )(xw, wl8, bl8, wc8)


def _normalize(h2w, deg8, expand):
    def body(h2_ref, d8_ref, ex_ref, g_ref):
        deg = d8_ref[0] + d8_ref[1] + 1.0
        dis8 = lax.rsqrt(deg)
        dis16 = jnp.dot(dis8, ex_ref[...],
                        preferred_element_type=jnp.float32,
                        precision=lax.Precision.HIGHEST)
        g_ref[...] = h2_ref[...] * dis16
    return pl.pallas_call(
        body,
        grid=(_GRID,),
        in_specs=[
            pl.BlockSpec((BNW, 128), lambda i: (i, 0)),
            pl.BlockSpec((2, BNW, 8), lambda i: (0, i, 0)),
            pl.BlockSpec((8, 128), lambda i: (0, 0)),
        ],
        out_specs=pl.BlockSpec((BNW, 128), lambda i: (i, 0)),
        out_shape=jax.ShapeDtypeStruct((N // 8, 128), jnp.float32),
    )(h2w, deg8, expand)


def _head(acc0w, acc1w, gw, deg8, expand, wo8, bc8, bo8):
    def body(a0_ref, a1_ref, g_ref, d8_ref, ex_ref, wo_ref, bc_ref, bo_ref,
             y_ref):
        a = a0_ref[...] + a1_ref[...] + g_ref[...]
        dis16 = jnp.dot(lax.rsqrt(d8_ref[0] + d8_ref[1] + 1.0), ex_ref[...],
                        preferred_element_type=jnp.float32,
                        precision=lax.Precision.HIGHEST)
        pre = a * dis16 + bc_ref[...]
        y_ref[...] = jnp.dot(jnp.tanh(pre), wo_ref[...],
                             preferred_element_type=jnp.float32,
                        precision=lax.Precision.HIGHEST) + bo_ref[...]
    return pl.pallas_call(
        body,
        grid=(_GRID,),
        in_specs=[
            pl.BlockSpec((BNW, 128), lambda i: (i, 0)),
            pl.BlockSpec((BNW, 128), lambda i: (i, 0)),
            pl.BlockSpec((BNW, 128), lambda i: (i, 0)),
            pl.BlockSpec((2, BNW, 8), lambda i: (0, i, 0)),
            pl.BlockSpec((8, 128), lambda i: (0, 0)),
            pl.BlockSpec((128, 8), lambda i: (0, 0)),
            pl.BlockSpec((1, 128), lambda i: (0, 0)),
            pl.BlockSpec((1, 8), lambda i: (0, 0)),
        ],
        out_specs=pl.BlockSpec((BNW, 8), lambda i: (i, 0)),
        out_shape=jax.ShapeDtypeStruct((N // 8, 8), jnp.float32),
    )(acc0w, acc1w, gw, deg8, expand, wo8, bc8, bo8)


def kernel(x, edge_index, W_lift, b_lift, W_conv, b_conv, W_out, b_out):
    eflat = edge_index.reshape(2 * E)

    z = jnp.zeros
    wl8 = z((40, 128), jnp.float32)
    bl8 = z((1, 128), jnp.float32)
    wc8 = z((128, 128), jnp.float32)
    bc8 = z((1, 128), jnp.float32)
    wo8 = z((128, 8), jnp.float32)
    expand = z((8, 128), jnp.float32)
    for b in range(8):
        wl8 = wl8.at[5 * b:5 * b + 5, 16 * b:16 * b + 10].set(W_lift.T)
        bl8 = bl8.at[0, 16 * b:16 * b + 10].set(b_lift)
        wc8 = wc8.at[16 * b:16 * b + 10, 16 * b:16 * b + 10].set(W_conv.T)
        bc8 = bc8.at[0, 16 * b:16 * b + 10].set(b_conv)
        wo8 = wo8.at[16 * b:16 * b + 10, b].set(W_out[0])
        expand = expand.at[b, 16 * b:16 * b + 16].set(1.0)
    bo8 = jnp.broadcast_to(b_out.reshape(1, 1), (1, 8))

    xw = x.reshape(N // 8, 40)
    h2w = _lift(xw, wl8, bl8, wc8)
    deg_parts = _deg_kernel(eflat)
    deg8 = deg_parts.reshape(2, NPAD // 8, 8)
    gw = _normalize(h2w, deg8, expand)
    acc0, acc1 = _msg_kernel(eflat, gw.reshape(N, D))
    y8 = _head(acc0.reshape(NPAD // 8, 128), acc1.reshape(NPAD // 8, 128),
               gw, deg8, expand, wo8, bc8, bo8)
    return y8.reshape(N, 1)

# --- scband reference (transcript-rebuilt; emitter-appended) ---
"""Pipeline reference for scband-models-43413529428319 (READ-ONLY COPY).

The authoritative reference and input builder live on the scoring server;
editing this copy changes nothing except your own understanding.
"""

import jax, jax.numpy as jnp
import numpy as np

N = 100000
E = 6400000

def setup_inputs(seed: int = 0) -> dict:
    key = jax.random.key(seed)
    k1, k2, k3, k4, k5, k6, k7, k8 = jax.random.split(key, 8)
    x = jax.random.normal(k1, (N, 5), dtype=jnp.float32)
    edge_index = jax.random.randint(k2, (2, E), 0, N, dtype=jnp.int32)
    W_lift = jax.random.normal(k3, (10, 5), dtype=jnp.float32) * 0.3
    b_lift = jax.random.normal(k4, (10,), dtype=jnp.float32) * 0.1
    W_conv = jax.random.normal(k5, (10, 10), dtype=jnp.float32) * 0.3
    b_conv = jax.random.normal(k6, (10,), dtype=jnp.float32) * 0.1
    W_out = jax.random.normal(k7, (1, 10), dtype=jnp.float32) * 0.3
    b_out = jax.random.normal(k8, (1,), dtype=jnp.float32) * 0.1
    return {"x": x, "edge_index": edge_index, "W_lift": W_lift, "b_lift": b_lift,
            "W_conv": W_conv, "b_conv": b_conv, "W_out": W_out, "b_out": b_out}

def _gcn_conv(h, edge_index, W, b):
    # PyG GCNConv: linear transform, add self-loops, symmetric normalization, scatter-add, bias
    h = h @ W.T
    src = edge_index[0]
    dst = edge_index[1]
    loop = jnp.arange(N, dtype=src.dtype)
    src = jnp.concatenate([src, loop])
    dst = jnp.concatenate([dst, loop])
    ew = jnp.ones(src.shape[0], dtype=h.dtype)
    deg = jax.ops.segment_sum(ew, dst, num_segments=N)
    deg_inv_sqrt = jnp.where(deg > 0, 1.0 / jnp.sqrt(deg), 0.0)
    norm = deg_inv_sqrt[src] * deg_inv_sqrt[dst]
    msgs = h[src] * norm[:, None]
    out = jax.ops.segment_sum(msgs, dst, num_segments=N)
    return out + b

def reference(x, edge_index, W_lift, b_lift, W_conv, b_conv, W_out, b_out):
    y = x @ W_lift.T + b_lift
    y = jnp.tanh(y)
    y = _gcn_conv(y, edge_index, W_conv, b_conv)
    y = jnp.tanh(y)
    y = y @ W_out.T + b_out
    return y

if __name__ == "__main__":
    import jax
    _d = setup_inputs()
    print(jax.jit(kernel)(*tuple(_d.values())))

</pallas_src>

<mosaic_0001>
#map = affine_map<(d0, d1) -> (0)>
#map1 = affine_map<(d0, d1) -> (0, 0)>
module attributes {stable_mosaic.version = 14 : i64} {
  func.func @_deg_kernel(%arg0: i32, %arg1: i32, %arg2: memref<12800000xi32, #tpu.memory_space<hbm>>, %arg3: memref<2x100352xf32, #tpu.memory_space<hbm>>, %arg4: memref<2x1600xi32, #tpu.memory_space<vmem>>, %arg5: memref<80xf32, #tpu.memory_space<vmem>>, %arg6: memref<6272xf32, #tpu.memory_space<vmem>>, %arg7: memref<100352xf32, #tpu.memory_space<vmem_shared>>, %arg8: memref<!tpu.dma_semaphore, #tpu.memory_space<semaphore_mem>>, %arg9: memref<!tpu.dma_semaphore, #tpu.memory_space<semaphore_mem>>) attributes {dimension_semantics = [#tpu.dimension_semantics<core_parallel>, #tpu.dimension_semantics<subcore_parallel>], iteration_bounds = array<i64: 2, 16>, scalar_prefetch = 0 : i64, scratch_operands = 6 : i64, tpu.core_type = #tpu.core_type<sc_vector_subcore>, window_params = [{transform_indices = #map}, {transform_indices = #map1}]} {
    %mul3A = arith.constant 2 : i32
    %mul3A_0 = arith.muli %arg1, %mul3A : i32
    %add3A = arith.addi %mul3A_0, %arg0 : i32
    %broadcast_in_dim3A = arith.constant 0.000000e+00 : f32
    %broadcast_in_dim3A_1 = vector.broadcast %broadcast_in_dim3A : f32 to vector<16xf32>
    %broadcast_in_dim3A_2 = arith.constant 1.000000e+00 : f32
    %broadcast_in_dim3A_3 = vector.broadcast %broadcast_in_dim3A_2 : f32 to vector<16xf32>
    %swap3A = arith.constant 0 : index
    %swap3A_4 = tpu.vector_load %arg5[%swap3A] {strides = array<i32>} : memref<80xf32, #tpu.memory_space<vmem>>, vector<16xf32>,
    %swap3A_5 = vector.shape_cast %swap3A_4 : vector<16xf32> to vector<16xf32>
    %swap3A_6 = vector.shape_cast %broadcast_in_dim3A_3 : vector<16xf32> to vector<16xf32>
    tpu.vector_store %arg5[%swap3A], %swap3A_6 {strides = array<i32>} : memref<80xf32, #tpu.memory_space<vmem>>, vector<16xf32>,
    %swap3A_7 = arith.constant 16 : index
    %swap3A_8 = tpu.vector_load %arg5[%swap3A_7] {strides = array<i32>} : memref<80xf32, #tpu.memory_space<vmem>>, vector<16xf32>,
    %swap3A_9 = vector.shape_cast %swap3A_8 : vector<16xf32> to vector<16xf32>
    %swap3A_10 = vector.shape_cast %broadcast_in_dim3A_3 : vector<16xf32> to vector<16xf32>
    tpu.vector_store %arg5[%swap3A_7], %swap3A_10 {strides = array<i32>} : memref<80xf32, #tpu.memory_space<vmem>>, vector<16xf32>,
    %swap3A_11 = arith.constant 32 : index
    %swap3A_12 = tpu.vector_load %arg5[%swap3A_11] {strides = array<i32>} : memref<80xf32, #tpu.memory_space<vmem>>, vector<16xf32>,
    %swap3A_13 = vector.shape_cast %swap3A_12 : vector<16xf32> to vector<16xf32>
    %swap3A_14 = vector.shape_cast %broadcast_in_dim3A_3 : vector<16xf32> to vector<16xf32>
    tpu.vector_store %arg5[%swap3A_11], %swap3A_14 {strides = array<i32>} : memref<80xf32, #tpu.memory_space<vmem>>, vector<16xf32>,
    %swap3A_15 = arith.constant 48 : index
    %swap3A_16 = tpu.vector_load %arg5[%swap3A_15] {strides = array<i32>} : memref<80xf32, #tpu.memory_space<vmem>>, vector<16xf32>,
    %swap3A_17 = vector.shape_cast %swap3A_16 : vector<16xf32> to vector<16xf32>
    %swap3A_18 = vector.shape_cast %broadcast_in_dim3A_3 : vector<16xf32> to vector<16xf32>
    tpu.vector_store %arg5[%swap3A_15], %swap3A_18 {strides = array<i32>} : memref<80xf32, #tpu.memory_space<vmem>>, vector<16xf32>,
    %swap3A_19 = arith.constant 64 : index
    %swap3A_20 = tpu.vector_load %arg5[%swap3A_19] {strides = array<i32>} : memref<80xf32, #tpu.memory_space<vmem>>, vector<16xf32>,
    %swap3A_21 = vector.shape_cast %swap3A_20 : vector<16xf32> to vector<16xf32>
    %swap3A_22 = vector.shape_cast %broadcast_in_dim3A_3 : vector<16xf32> to vector<16xf32>
    tpu.vector_store %arg5[%swap3A_19], %swap3A_22 {strides = array<i32>} : memref<80xf32, #tpu.memory_space<vmem>>, vector<16xf32>,
    %scan3A = arith.constant 0 : i32
    %scan3A_23 = arith.constant 0 : i32
    %scan3A_24 = arith.constant 392 : i32
    %scan3A_25 = arith.addi %scan3A_23, %scan3A_24 : i32
    %scan3A_26 = arith.constant 1 : i32
    scf.for %scan3A_45 = %scan3A_23 to %scan3A_25 step %scan3A_26  : i32 {
      %mul3A_46 = arith.constant 16 : i32
      %mul3A_47 = arith.muli %scan3A_45, %mul3A_46 : i32
      %swap3A_48 = arith.index_cast %mul3A_47 : i32 to index
      %swap3A_49 = tpu.vector_load %arg6[%swap3A_48] {strides = array<i32>} : memref<6272xf32, #tpu.memory_space<vmem>>, vector<16xf32>,
      %swap3A_50 = vector.shape_cast %swap3A_49 : vector<16xf32> to vector<16xf32>
      %swap3A_51 = vector.shape_cast %broadcast_in_dim3A_1 : vector<16xf32> to vector<16xf32>
      tpu.vector_store %arg6[%swap3A_48], %swap3A_51 {strides = array<i32>} : memref<6272xf32, #tpu.memory_space<vmem>>, vector<16xf32>,
    }
    %scan3A_27 = arith.constant 392 : i32
    %mul3A_28 = arith.constant 6272 : i32
    %mul3A_29 = arith.muli %arg1, %mul3A_28 : i32
    "tpu.region"() ({
      %run_scoped3A_45 = tpu.sem_alloc : memref<!tpu.dma_semaphore, #tpu.memory_space<semaphore_mem>>
      %dma_start3A = tpu.memref_slice %arg7[%mul3A_29] : memref<100352xf32, #tpu.memory_space<vmem_shared>> -> memref<6272xf32, #tpu.memory_space<vmem_shared>>
      %dma_start3A_46 = tpu.memref_slice %arg7[%mul3A_29] : memref<100352xf32, #tpu.memory_space<vmem_shared>> -> memref<6272xf32, #tpu.memory_space<vmem_shared>>
      tpu.enqueue_dma source(%arg6 : memref<6272xf32, #tpu.memory_space<vmem>>) target(%dma_start3A_46 : memref<6272xf32, #tpu.memory_space<vmem_shared>>) target_semaphore(%run_scoped3A_45 : memref<!tpu.dma_semaphore, #tpu.memory_space<semaphore_mem>>)
      %dma_wait3A = tpu.memref_slice %arg7[%mul3A_29] : memref<100352xf32, #tpu.memory_space<vmem_shared>> -> memref<6272xf32, #tpu.memory_space<vmem_shared>>
      %dma_wait3A_47 = tpu.memref_slice %arg7[%mul3A_29] : memref<100352xf32, #tpu.memory_space<vmem_shared>> -> memref<6272xf32, #tpu.memory_space<vmem_shared>>
      tpu.wait_dma2 semaphore(%run_scoped3A_45 : memref<!tpu.dma_semaphore, #tpu.memory_space<semaphore_mem>>) src(%arg6 : memref<6272xf32, #tpu.memory_space<vmem>>) dst(%dma_wait3A_47 : memref<6272xf32, #tpu.memory_space<vmem_shared>>)
      tpu.yield
    }) : () -> ()
    %barrier3A = arith.constant 0 : index
    tpu.barrier barrier_id(%barrier3A)
    %mul3A_30 = arith.constant 200000 : i32
    %mul3A_31 = arith.muli %add3A, %mul3A_30 : i32
    %add3A_32 = arith.constant 6400000 : i32
    %add3A_33 = arith.addi %add3A_32, %mul3A_31 : i32
    %run_scoped3A = arith.constant 0 : i32
    "tpu.region"() ({
      %run_scoped3A_45 = tpu.sem_alloc : memref<!tpu.dma_semaphore, #tpu.memory_space<semaphore_mem>>
      %dma_start3A = arith.constant 0 : i32
      %dma_start3A_46 = tpu.memref_slice %arg4[%run_scoped3A, %dma_start3A] : memref<2x1600xi32, #tpu.memory_space<vmem>> -> memref<1x1600xi32, #tpu.memory_space<vmem>>
      %dma_start3A_47 = tpu.memref_squeeze %dma_start3A_46 : memref<1x1600xi32, #tpu.memory_space<vmem>> -> memref<1600xi32, #tpu.memory_space<vmem>>
      %dma_start3A_48 = tpu.memref_slice %arg2[%add3A_33] : memref<12800000xi32, #tpu.memory_space<hbm>> -> memref<1600xi32, #tpu.memory_space<hbm>>
      %dma_start3A_49 = arith.constant 0 : i32
      %dma_start3A_50 = tpu.memref_slice %arg4[%run_scoped3A, %dma_start3A_49] : memref<2x1600xi32, #tpu.memory_space<vmem>> -> memref<1x1600xi32, #tpu.memory_space<vmem>>
      %dma_start3A_51 = tpu.memref_squeeze %dma_start3A_50 : memref<1x1600xi32, #tpu.memory_space<vmem>> -> memref<1600xi32, #tpu.memory_space<vmem>>
      %dma_start3A_52 = tpu.memref_slice %arg2[%add3A_33] : memref<12800000xi32, #tpu.memory_space<hbm>> -> memref<1600xi32, #tpu.memory_space<hbm>>
      tpu.enqueue_dma source(%dma_start3A_52 : memref<1600xi32, #tpu.memory_space<hbm>>) target(%dma_start3A_51 : memref<1600xi32, #tpu.memory_space<vmem>>) target_semaphore(%run_scoped3A_45 : memref<!tpu.dma_semaphore, #tpu.memory_space<semaphore_mem>>)
      %dma_wait3A = arith.constant 0 : i32
      %dma_wait3A_53 = tpu.memref_slice %arg4[%run_scoped3A, %dma_wait3A] : memref<2x1600xi32, #tpu.memory_space<vmem>> -> memref<1x1600xi32, #tpu.memory_space<vmem>>
      %dma_wait3A_54 = tpu.memref_squeeze %dma_wait3A_53 : memref<1x1600xi32, #tpu.memory_space<vmem>> -> memref<1600xi32, #tpu.memory_space<vmem>>
      %dma_wait3A_55 = tpu.memref_slice %arg2[%add3A_33] : memref<12800000xi32, #tpu.memory_space<hbm>> -> memref<1600xi32, #tpu.memory_space<hbm>>
      %dma_wait3A_56 = arith.constant 0 : i32
      %dma_wait3A_57 = tpu.memref_slice %arg4[%run_scoped3A, %dma_wait3A_56] : memref<2x1600xi32, #tpu.memory_space<vmem>> -> memref<1x1600xi32, #tpu.memory_space<vmem>>
      %dma_wait3A_58 = tpu.memref_squeeze %dma_wait3A_57 : memref<1x1600xi32, #tpu.memory_space<vmem>> -> memref<1600xi32, #tpu.memory_space<vmem>>
      %dma_wait3A_59 = tpu.memref_slice %arg2[%add3A_33] : memref<12800000xi32, #tpu.memory_space<hbm>> -> memref<1600xi32, #tpu.memory_space<hbm>>
      tpu.wait_dma2 semaphore(%run_scoped3A_45 : memref<!tpu.dma_semaphore, #tpu.memory_space<semaphore_mem>>) src(%dma_wait3A_59 : memref<1600xi32, #tpu.memory_space<hbm>>) dst(%dma_wait3A_58 : memref<1600xi32, #tpu.memory_space<vmem>>)
      tpu.yield
    }) : () -> ()
    %scan3A_34 = arith.constant 0 : i32
    %scan3A_35 = arith.constant 0 : i32
    %scan3A_36 = arith.constant 125 : i32
    %scan3A_37 = arith.addi %scan3A_35, %scan3A_36 : i32
    %scan3A_38 = arith.constant 1 : i32
    scf.for %scan3A_45 = %scan3A_35 to %scan3A_37 step %scan3A_38  : i32 {
      %rem3A = arith.constant 2 : i32
      %rem3A_46 = arith.remsi %scan3A_45, %rem3A : i32
      %add3A_47 = arith.constant 1 : i32
      %add3A_48 = arith.addi %scan3A_45, %add3A_47 : i32
      %lt3A = arith.constant 125 : i32
      %lt3A_49 = arith.cmpi slt, %add3A_48, %lt3A : i32
      %convert_element_type3A = arith.extui %lt3A_49 : i1 to i32
      %cond3A = arith.constant 0 : i32
      %cond3A_50 = arith.cmpi ne, %convert_element_type3A, %cond3A : i32
      scf.if %cond3A_50 {
        %mul3A_70 = arith.constant 200000 : i32
        %mul3A_71 = arith.muli %add3A, %mul3A_70 : i32
        %add3A_72 = arith.constant 6400000 : i32
        %add3A_73 = arith.addi %add3A_72, %mul3A_71 : i32
        %add3A_74 = arith.constant 1 : i32
        %add3A_75 = arith.addi %scan3A_45, %add3A_74 : i32
        %mul3A_76 = arith.constant 1600 : i32
        %mul3A_77 = arith.muli %add3A_75, %mul3A_76 : i32
        %add3A_78 = arith.addi %add3A_73, %mul3A_77 : i32
        %sub3A = arith.constant 1 : i32
        %sub3A_79 = arith.subi %sub3A, %rem3A_46 : i32
        %dma_start3A = arith.constant 0 : i32
        %dma_start3A_80 = tpu.memref_slice %arg4[%sub3A_79, %dma_start3A] : memref<2x1600xi32, #tpu.memory_space<vmem>> -> memref<1x1600xi32, #tpu.memory_space<vmem>>
        %dma_start3A_81 = tpu.memref_squeeze %dma_start3A_80 : memref<1x1600xi32, #tpu.memory_space<vmem>> -> memref<1600xi32, #tpu.memory_space<vmem>>
        %dma_start3A_82 = tpu.memref_slice %arg2[%add3A_78] : memref<12800000xi32, #tpu.memory_space<hbm>> -> memref<1600xi32, #tpu.memory_space<hbm>>
        %dma_start3A_83 = arith.constant 0 : i32
        %dma_start3A_84 = tpu.memref_slice %arg4[%sub3A_79, %dma_start3A_83] : memref<2x1600xi32, #tpu.memory_space<vmem>> -> memref<1x1600xi32, #tpu.memory_space<vmem>>
        %dma_start3A_85 = tpu.memref_squeeze %dma_start3A_84 : memref<1x1600xi32, #tpu.memory_space<vmem>> -> memref<1600xi32, #tpu.memory_space<vmem>>
        %dma_start3A_86 = tpu.memref_slice %arg2[%add3A_78] : memref<12800000xi32, #tpu.memory_space<hbm>> -> memref<1600xi32, #tpu.memory_space<hbm>>
        tpu.enqueue_dma source(%dma_start3A_86 : memref<1600xi32, #tpu.memory_space<hbm>>) target(%dma_start3A_85 : memref<1600xi32, #tpu.memory_space<vmem>>) target_semaphore(%arg8 : memref<!tpu.dma_semaphore, #tpu.memory_space<semaphore_mem>>)
      } else {
      }
      %scan3A_51 = arith.constant 0 : i32
      %scan3A_52 = arith.constant 0 : i32
      %scan3A_53 = arith.constant 20 : i32
      %scan3A_54 = arith.addi %scan3A_52, %scan3A_53 : i32
      %scan3A_55 = arith.constant 1 : i32
      scf.for %scan3A_70 = %scan3A_52 to %scan3A_54 step %scan3A_55  : i32 {
        %mul3A_71 = arith.constant 80 : i32
        %mul3A_72 = arith.muli %scan3A_70, %mul3A_71 : i32
        %dma_start3A = tpu.memref_slice %arg4[%rem3A_46, %mul3A_72] : memref<2x1600xi32, #tpu.memory_space<vmem>> -> memref<1x80xi32, #tpu.memory_space<vmem>>
        %dma_start3A_73 = tpu.memref_squeeze %dma_start3A : memref<1x80xi32, #tpu.memory_space<vmem>> -> memref<80xi32, #tpu.memory_space<vmem>>
        %dma_start3A_74 = arith.constant 0 : i32
        %dma_start3A_75 = tpu.memref_slice %arg7[%dma_start3A_74] : memref<100352xf32, #tpu.memory_space<vmem_shared>> -> memref<100352xf32, #tpu.memory_space<vmem_shared>>
        tpu.enqueue_indirect_dma source(%arg5 : memref<80xf32, #tpu.memory_space<vmem>>) target(%dma_start3A_75 : memref<100352xf32, #tpu.memory_space<vmem_shared>>) offsets(%dma_start3A_73 : memref<80xi32, #tpu.memory_space<vmem>>) semaphore(%arg9 : memref<!tpu.dma_semaphore, #tpu.memory_space<semaphore_mem>>) {add = true}
      }
      %scan3A_56 = arith.constant 20 : i32
      %dma_wait3A = arith.constant 0 : i32
      %dma_wait3A_57 = tpu.memref_slice %arg6[%dma_wait3A] : memref<6272xf32, #tpu.memory_space<vmem>> -> memref<1600xf32, #tpu.memory_space<vmem>>
      %dma_wait3A_58 = arith.constant 0 : i32
      %dma_wait3A_59 = tpu.memref_slice %arg4[%rem3A_46, %dma_wait3A_58] : memref<2x1600xi32, #tpu.memory_space<vmem>> -> memref<1x1600xi32, #tpu.memory_space<vmem>>
      %dma_wait3A_60 = tpu.memref_squeeze %dma_wait3A_59 : memref<1x1600xi32, #tpu.memory_space<vmem>> -> memref<1600xi32, #tpu.memory_space<vmem>>
      %dma_wait3A_61 = arith.constant 0 : i32
      %dma_wait3A_62 = tpu.memref_slice %arg7[%dma_wait3A_61] : memref<100352xf32, #tpu.memory_space<vmem_shared>> -> memref<100352xf32, #tpu.memory_space<vmem_shared>>
      tpu.wait_indirect_dma semaphore(%arg9 : memref<!tpu.dma_semaphore, #tpu.memory_space<semaphore_mem>>) src(%dma_wait3A_57 : memref<1600xf32, #tpu.memory_space<vmem>>) dst(%dma_wait3A_62 : memref<100352xf32, #tpu.memory_space<vmem_shared>>)
      %add3A_63 = arith.constant 1 : i32
      %add3A_64 = arith.addi %scan3A_45, %add3A_63 : i32
      %lt3A_65 = arith.constant 125 : i32
      %lt3A_66 = arith.cmpi slt, %add3A_64, %lt3A_65 : i32
      %convert_element_type3A_67 = arith.extui %lt3A_66 : i1 to i32
      %cond3A_68 = arith.constant 0 : i32
      %cond3A_69 = arith.cmpi ne, %convert_element_type3A_67, %cond3A_68 : i32
      scf.if %cond3A_69 {
        %sub3A = arith.constant 1 : i32
        %sub3A_70 = arith.subi %sub3A, %rem3A_46 : i32
        %dma_wait3A_71 = arith.constant 0 : i32
        %dma_wait3A_72 = tpu.memref_slice %arg4[%sub3A_70, %dma_wait3A_71] : memref<2x1600xi32, #tpu.memory_space<vmem>> -> memref<1x1600xi32, #tpu.memory_space<vmem>>
        %dma_wait3A_73 = tpu.memref_squeeze %dma_wait3A_72 : memref<1x1600xi32, #tpu.memory_space<vmem>> -> memref<1600xi32, #tpu.memory_space<vmem>>
        %dma_wait3A_74 = arith.constant 0 : i32
        %dma_wait3A_75 = tpu.memref_slice %arg2[%dma_wait3A_74] : memref<12800000xi32, #tpu.memory_space<hbm>> -> memref<1600xi32, #tpu.memory_space<hbm>>
        %dma_wait3A_76 = arith.constant 0 : i32
        %dma_wait3A_77 = tpu.memref_slice %arg4[%sub3A_70, %dma_wait3A_76] : memref<2x1600xi32, #tpu.memory_space<vmem>> -> memref<1x1600xi32, #tpu.memory_space<vmem>>
        %dma_wait3A_78 = tpu.memref_squeeze %dma_wait3A_77 : memref<1x1600xi32, #tpu.memory_space<vmem>> -> memref<1600xi32, #tpu.memory_space<vmem>>
        %dma_wait3A_79 = arith.constant 0 : i32
        %dma_wait3A_80 = tpu.memref_slice %arg2[%dma_wait3A_79] : memref<12800000xi32, #tpu.memory_space<hbm>> -> memref<1600xi32, #tpu.memory_space<hbm>>
        tpu.wait_dma2 semaphore(%arg8 : memref<!tpu.dma_semaphore, #tpu.memory_space<semaphore_mem>>) src(%dma_wait3A_80 : memref<1600xi32, #tpu.memory_space<hbm>>) dst(%dma_wait3A_78 : memref<1600xi32, #tpu.memory_space<vmem>>)
      } else {
      }
    }
    %scan3A_39 = arith.constant 125 : i32
    %barrier3A_40 = arith.constant 0 : index
    tpu.barrier barrier_id(%barrier3A_40)
    %mul3A_41 = arith.constant 6272 : i32
    %mul3A_42 = arith.muli %arg1, %mul3A_41 : i32
    "tpu.region"() ({
      %run_scoped3A_45 = tpu.sem_alloc : memref<!tpu.dma_semaphore, #tpu.memory_space<semaphore_mem>>
      %dma_start3A = tpu.memref_slice %arg7[%mul3A_42] : memref<100352xf32, #tpu.memory_space<vmem_shared>> -> memref<6272xf32, #tpu.memory_space<vmem_shared>>
      %dma_start3A_46 = tpu.memref_slice %arg7[%mul3A_42] : memref<100352xf32, #tpu.memory_space<vmem_shared>> -> memref<6272xf32, #tpu.memory_space<vmem_shared>>
      tpu.enqueue_dma source(%dma_start3A_46 : memref<6272xf32, #tpu.memory_space<vmem_shared>>) target(%arg6 : memref<6272xf32, #tpu.memory_space<vmem>>) target_semaphore(%run_scoped3A_45 : memref<!tpu.dma_semaphore, #tpu.memory_space<semaphore_mem>>)
      %dma_wait3A = tpu.memref_slice %arg7[%mul3A_42] : memref<100352xf32, #tpu.memory_space<vmem_shared>> -> memref<6272xf32, #tpu.memory_space<vmem_shared>>
      %dma_wait3A_47 = tpu.memref_slice %arg7[%mul3A_42] : memref<100352xf32, #tpu.memory_space<vmem_shared>> -> memref<6272xf32, #tpu.memory_space<vmem_shared>>
      tpu.wait_dma2 semaphore(%run_scoped3A_45 : memref<!tpu.dma_semaphore, #tpu.memory_space<semaphore_mem>>) src(%dma_wait3A_47 : memref<6272xf32, #tpu.memory_space<vmem_shared>>) dst(%arg6 : memref<6272xf32, #tpu.memory_space<vmem>>)
      tpu.yield
    }) : () -> ()
    %mul3A_43 = arith.constant 6272 : i32
    %mul3A_44 = arith.muli %arg1, %mul3A_43 : i32
    "tpu.region"() ({
      %run_scoped3A_45 = tpu.sem_alloc : memref<!tpu.dma_semaphore, #tpu.memory_space<semaphore_mem>>
      %dma_start3A = tpu.memref_slice %arg3[%arg0, %mul3A_44] : memref<2x100352xf32, #tpu.memory_space<hbm>> -> memref<1x6272xf32, #tpu.memory_space<hbm>>
      %dma_start3A_46 = tpu.memref_squeeze %dma_start3A : memref<1x6272xf32, #tpu.memory_space<hbm>> -> memref<6272xf32, #tpu.memory_space<hbm>>
      %dma_start3A_47 = tpu.memref_slice %arg3[%arg0, %mul3A_44] : memref<2x100352xf32, #tpu.memory_space<hbm>> -> memref<1x6272xf32, #tpu.memory_space<hbm>>
      %dma_start3A_48 = tpu.memref_squeeze %dma_start3A_47 : memref<1x6272xf32, #tpu.memory_space<hbm>> -> memref<6272xf32, #tpu.memory_space<hbm>>
      tpu.enqueue_dma source(%arg6 : memref<6272xf32, #tpu.memory_space<vmem>>) target(%dma_start3A_48 : memref<6272xf32, #tpu.memory_space<hbm>>) target_semaphore(%run_scoped3A_45 : memref<!tpu.dma_semaphore, #tpu.memory_space<semaphore_mem>>)
      %dma_wait3A = tpu.memref_slice %arg3[%arg0, %mul3A_44] : memref<2x100352xf32, #tpu.memory_space<hbm>> -> memref<1x6272xf32, #tpu.memory_space<hbm>>
      %dma_wait3A_49 = tpu.memref_squeeze %dma_wait3A : memref<1x6272xf32, #tpu.memory_space<hbm>> -> memref<6272xf32, #tpu.memory_space<hbm>>
      %dma_wait3A_50 = tpu.memref_slice %arg3[%arg0, %mul3A_44] : memref<2x100352xf32, #tpu.memory_space<hbm>> -> memref<1x6272xf32, #tpu.memory_space<hbm>>
      %dma_wait3A_51 = tpu.memref_squeeze %dma_wait3A_50 : memref<1x6272xf32, #tpu.memory_space<hbm>> -> memref<6272xf32, #tpu.memory_space<hbm>>
      tpu.wait_dma2 semaphore(%run_scoped3A_45 : memref<!tpu.dma_semaphore, #tpu.memory_space<semaphore_mem>>) src(%arg6 : memref<6272xf32, #tpu.memory_space<vmem>>) dst(%dma_wait3A_51 : memref<6272xf32, #tpu.memory_space<hbm>>)
      tpu.yield
    }) : () -> ()
    return
  }
}

#map = affine_map<(d0, d1) -> (0)>
#map1 = affine_map<(d0, d1) -> (0, 0)>
module attributes {stable_mosaic.version = 14 : i64} {
  func.func @_msg_kernel(%arg0: i32, %arg1: i32, %arg2: memref<12800000xi32, #tpu.memory_space<hbm>>, %arg3: memref<100000x16xf32, #tpu.memory_space<hbm>>, %arg4: memref<100352x16xf32, #tpu.memory_space<hbm>>, %arg5: memref<100352x16xf32, #tpu.memory_space<hbm>>, %arg6: memref<2x800xi32, #tpu.memory_space<vmem>>, %arg7: memref<2x800xi32, #tpu.memory_space<vmem>>, %arg8: memref<1600x16xf32, #tpu.memory_space<vmem>>, %arg9: memref<100352x16xf32, #tpu.memory_space<vmem_shared>>, %arg10: memref<!tpu.dma_semaphore, #tpu.memory_space<semaphore_mem>>, %arg11: memref<!tpu.dma_semaphore, #tpu.memory_space<semaphore_mem>>, %arg12: memref<!tpu.dma_semaphore, #tpu.memory_space<semaphore_mem>>) attributes {dimension_semantics = [#tpu.dimension_semantics<core_parallel>, #tpu.dimension_semantics<subcore_parallel>], iteration_bounds = array<i64: 2, 16>, scalar_prefetch = 0 : i64, scratch_operands = 7 : i64, tpu.core_type = #tpu.core_type<sc_vector_subcore>, window_params = [{transform_indices = #map}, {transform_indices = #map1}, {transform_indices = #map1}, {transform_indices = #map1}]} {
    %mul3A = arith.constant 2 : i32
    %mul3A_0 = arith.muli %arg1, %mul3A : i32
    %add3A = arith.addi %mul3A_0, %arg0 : i32
    %broadcast_in_dim3A = arith.constant 0.000000e+00 : f32
    %broadcast_in_dim3A_1 = vector.broadcast %broadcast_in_dim3A : f32 to vector<16xf32>
    %scan3A = arith.constant 0 : i32
    %scan3A_2 = arith.constant 0 : i32
    %scan3A_3 = arith.constant 1568 : i32
    %scan3A_4 = arith.addi %scan3A_2, %scan3A_3 : i32
    %scan3A_5 = arith.constant 1 : i32
    scf.for %scan3A_96 = %scan3A_2 to %scan3A_4 step %scan3A_5  : i32 {
      %swap3A = arith.index_cast %scan3A_96 : i32 to index
      %swap3A_97 = arith.constant 0 : index
      %swap3A_98 = tpu.vector_load %arg8[%swap3A, %swap3A_97] {strides = array<i32>} : memref<1600x16xf32, #tpu.memory_space<vmem>>, vector<1x16xf32>,
      %swap3A_99 = vector.shape_cast %swap3A_98 : vector<1x16xf32> to vector<16xf32>
      %swap3A_100 = vector.shape_cast %broadcast_in_dim3A_1 : vector<16xf32> to vector<1x16xf32>
      tpu.vector_store %arg8[%swap3A, %swap3A_97], %swap3A_100 {strides = array<i32>} : memref<1600x16xf32, #tpu.memory_space<vmem>>, vector<1x16xf32>,
    }
    %scan3A_6 = arith.constant 1568 : i32
    %mul3A_7 = arith.constant 6272 : i32
    %mul3A_8 = arith.muli %arg1, %mul3A_7 : i32
    %add3A_9 = arith.constant 0 : i32
    %add3A_10 = arith.addi %mul3A_8, %add3A_9 : i32
    "tpu.region"() ({
      %run_scoped3A_96 = tpu.sem_alloc : memref<!tpu.dma_semaphore, #tpu.memory_space<semaphore_mem>>
      %dma_start3A = arith.constant 0 : i32
      %dma_start3A_97 = arith.constant 0 : i32
      %dma_start3A_98 = tpu.memref_slice %arg8[%dma_start3A, %dma_start3A_97] : memref<1600x16xf32, #tpu.memory_space<vmem>> -> memref<1568x16xf32, #tpu.memory_space<vmem>>
      %dma_start3A_99 = arith.constant 0 : i32
      %dma_start3A_100 = tpu.memref_slice %arg9[%add3A_10, %dma_start3A_99] : memref<100352x16xf32, #tpu.memory_space<vmem_shared>> -> memref<1568x16xf32, #tpu.memory_space<vmem_shared>>
      %dma_start3A_101 = arith.constant 0 : i32
      %dma_start3A_102 = tpu.memref_slice %arg9[%add3A_10, %dma_start3A_101] : memref<100352x16xf32, #tpu.memory_space<vmem_shared>> -> memref<1568x16xf32, #tpu.memory_space<vmem_shared>>
      %dma_start3A_103 = arith.constant 0 : i32
      %dma_start3A_104 = arith.constant 0 : i32
      %dma_start3A_105 = tpu.memref_slice %arg8[%dma_start3A_103, %dma_start3A_104] : memref<1600x16xf32, #tpu.memory_space<vmem>> -> memref<1568x16xf32, #tpu.memory_space<vmem>>
      tpu.enqueue_dma source(%dma_start3A_105 : memref<1568x16xf32, #tpu.memory_space<vmem>>) target(%dma_start3A_102 : memref<1568x16xf32, #tpu.memory_space<vmem_shared>>) target_semaphore(%run_scoped3A_96 : memref<!tpu.dma_semaphore, #tpu.memory_space<semaphore_mem>>)
      %dma_wait3A = arith.constant 0 : i32
      %dma_wait3A_106 = arith.constant 0 : i32
      %dma_wait3A_107 = tpu.memref_slice %arg8[%dma_wait3A, %dma_wait3A_106] : memref<1600x16xf32, #tpu.memory_space<vmem>> -> memref<1568x16xf32, #tpu.memory_space<vmem>>
      %dma_wait3A_108 = arith.constant 0 : i32
      %dma_wait3A_109 = tpu.memref_slice %arg9[%add3A_10, %dma_wait3A_108] : memref<100352x16xf32, #tpu.memory_space<vmem_shared>> -> memref<1568x16xf32, #tpu.memory_space<vmem_shared>>
      %dma_wait3A_110 = arith.constant 0 : i32
      %dma_wait3A_111 = tpu.memref_slice %arg9[%add3A_10, %dma_wait3A_110] : memref<100352x16xf32, #tpu.memory_space<vmem_shared>> -> memref<1568x16xf32, #tpu.memory_space<vmem_shared>>
      %dma_wait3A_112 = arith.constant 0 : i32
      %dma_wait3A_113 = arith.constant 0 : i32
      %dma_wait3A_114 = tpu.memref_slice %arg8[%dma_wait3A_112, %dma_wait3A_113] : memref<1600x16xf32, #tpu.memory_space<vmem>> -> memref<1568x16xf32, #tpu.memory_space<vmem>>
      tpu.wait_dma2 semaphore(%run_scoped3A_96 : memref<!tpu.dma_semaphore, #tpu.memory_space<semaphore_mem>>) src(%dma_wait3A_114 : memref<1568x16xf32, #tpu.memory_space<vmem>>) dst(%dma_wait3A_111 : memref<1568x16xf32, #tpu.memory_space<vmem_shared>>)
      tpu.yield
    }) : () -> ()
    %mul3A_11 = arith.constant 6272 : i32
    %mul3A_12 = arith.muli %arg1, %mul3A_11 : i32
    %add3A_13 = arith.constant 1568 : i32
    %add3A_14 = arith.addi %mul3A_12, %add3A_13 : i32
    "tpu.region"() ({
      %run_scoped3A_96 = tpu.sem_alloc : memref<!tpu.dma_semaphore, #tpu.memory_space<semaphore_mem>>
      %dma_start3A = arith.constant 0 : i32
      %dma_start3A_97 = arith.constant 0 : i32
      %dma_start3A_98 = tpu.memref_slice %arg8[%dma_start3A, %dma_start3A_97] : memref<1600x16xf32, #tpu.memory_space<vmem>> -> memref<1568x16xf32, #tpu.memory_space<vmem>>
      %dma_start3A_99 = arith.constant 0 : i32
      %dma_start3A_100 = tpu.memref_slice %arg9[%add3A_14, %dma_start3A_99] : memref<100352x16xf32, #tpu.memory_space<vmem_shared>> -> memref<1568x16xf32, #tpu.memory_space<vmem_shared>>
      %dma_start3A_101 = arith.constant 0 : i32
      %dma_start3A_102 = tpu.memref_slice %arg9[%add3A_14, %dma_start3A_101] : memref<100352x16xf32, #tpu.memory_space<vmem_shared>> -> memref<1568x16xf32, #tpu.memory_space<vmem_shared>>
      %dma_start3A_103 = arith.constant 0 : i32
      %dma_start3A_104 = arith.constant 0 : i32
      %dma_start3A_105 = tpu.memref_slice %arg8[%dma_start3A_103, %dma_start3A_104] : memref<1600x16xf32, #tpu.memory_space<vmem>> -> memref<1568x16xf32, #tpu.memory_space<vmem>>
      tpu.enqueue_dma source(%dma_start3A_105 : memref<1568x16xf32, #tpu.memory_space<vmem>>) target(%dma_start3A_102 : memref<1568x16xf32, #tpu.memory_space<vmem_shared>>) target_semaphore(%run_scoped3A_96 : memref<!tpu.dma_semaphore, #tpu.memory_space<semaphore_mem>>)
      %dma_wait3A = arith.constant 0 : i32
      %dma_wait3A_106 = arith.constant 0 : i32
      %dma_wait3A_107 = tpu.memref_slice %arg8[%dma_wait3A, %dma_wait3A_106] : memref<1600x16xf32, #tpu.memory_space<vmem>> -> memref<1568x16xf32, #tpu.memory_space<vmem>>
      %dma_wait3A_108 = arith.constant 0 : i32
      %dma_wait3A_109 = tpu.memref_slice %arg9[%add3A_14, %dma_wait3A_108] : memref<100352x16xf32, #tpu.memory_space<vmem_shared>> -> memref<1568x16xf32, #tpu.memory_space<vmem_shared>>
      %dma_wait3A_110 = arith.constant 0 : i32
      %dma_wait3A_111 = tpu.memref_slice %arg9[%add3A_14, %dma_wait3A_110] : memref<100352x16xf32, #tpu.memory_space<vmem_shared>> -> memref<1568x16xf32, #tpu.memory_space<vmem_shared>>
      %dma_wait3A_112 = arith.constant 0 : i32
      %dma_wait3A_113 = arith.constant 0 : i32
      %dma_wait3A_114 = tpu.memref_slice %arg8[%dma_wait3A_112, %dma_wait3A_113] : memref<1600x16xf32, #tpu.memory_space<vmem>> -> memref<1568x16xf32, #tpu.memory_space<vmem>>
      tpu.wait_dma2 semaphore(%run_scoped3A_96 : memref<!tpu.dma_semaphore, #tpu.memory_space<semaphore_mem>>) src(%dma_wait3A_114 : memref<1568x16xf32, #tpu.memory_space<vmem>>) dst(%dma_wait3A_111 : memref<1568x16xf32, #tpu.memory_space<vmem_shared>>)
      tpu.yield
    }) : () -> ()
    %mul3A_15 = arith.constant 6272 : i32
    %mul3A_16 = arith.muli %arg1, %mul3A_15 : i32
    %add3A_17 = arith.constant 3136 : i32
    %add3A_18 = arith.addi %mul3A_16, %add3A_17 : i32
    "tpu.region"() ({
      %run_scoped3A_96 = tpu.sem_alloc : memref<!tpu.dma_semaphore, #tpu.memory_space<semaphore_mem>>
      %dma_start3A = arith.constant 0 : i32
      %dma_start3A_97 = arith.constant 0 : i32
      %dma_start3A_98 = tpu.memref_slice %arg8[%dma_start3A, %dma_start3A_97] : memref<1600x16xf32, #tpu.memory_space<vmem>> -> memref<1568x16xf32, #tpu.memory_space<vmem>>
      %dma_start3A_99 = arith.constant 0 : i32
      %dma_start3A_100 = tpu.memref_slice %arg9[%add3A_18, %dma_start3A_99] : memref<100352x16xf32, #tpu.memory_space<vmem_shared>> -> memref<1568x16xf32, #tpu.memory_space<vmem_shared>>
      %dma_start3A_101 = arith.constant 0 : i32
      %dma_start3A_102 = tpu.memref_slice %arg9[%add3A_18, %dma_start3A_101] : memref<100352x16xf32, #tpu.memory_space<vmem_shared>> -> memref<1568x16xf32, #tpu.memory_space<vmem_shared>>
      %dma_start3A_103 = arith.constant 0 : i32
      %dma_start3A_104 = arith.constant 0 : i32
      %dma_start3A_105 = tpu.memref_slice %arg8[%dma_start3A_103, %dma_start3A_104] : memref<1600x16xf32, #tpu.memory_space<vmem>> -> memref<1568x16xf32, #tpu.memory_space<vmem>>
      tpu.enqueue_dma source(%dma_start3A_105 : memref<1568x16xf32, #tpu.memory_space<vmem>>) target(%dma_start3A_102 : memref<1568x16xf32, #tpu.memory_space<vmem_shared>>) target_semaphore(%run_scoped3A_96 : memref<!tpu.dma_semaphore, #tpu.memory_space<semaphore_mem>>)
      %dma_wait3A = arith.constant 0 : i32
      %dma_wait3A_106 = arith.constant 0 : i32
      %dma_wait3A_107 = tpu.memref_slice %arg8[%dma_wait3A, %dma_wait3A_106] : memref<1600x16xf32, #tpu.memory_space<vmem>> -> memref<1568x16xf32, #tpu.memory_space<vmem>>
      %dma_wait3A_108 = arith.constant 0 : i32
      %dma_wait3A_109 = tpu.memref_slice %arg9[%add3A_18, %dma_wait3A_108] : memref<100352x16xf32, #tpu.memory_space<vmem_shared>> -> memref<1568x16xf32, #tpu.memory_space<vmem_shared>>
      %dma_wait3A_110 = arith.constant 0 : i32
      %dma_wait3A_111 = tpu.memref_slice %arg9[%add3A_18, %dma_wait3A_110] : memref<100352x16xf32, #tpu.memory_space<vmem_shared>> -> memref<1568x16xf32, #tpu.memory_space<vmem_shared>>
      %dma_wait3A_112 = arith.constant 0 : i32
      %dma_wait3A_113 = arith.constant 0 : i32
      %dma_wait3A_114 = tpu.memref_slice %arg8[%dma_wait3A_112, %dma_wait3A_113] : memref<1600x16xf32, #tpu.memory_space<vmem>> -> memref<1568x16xf32, #tpu.memory_space<vmem>>
      tpu.wait_dma2 semaphore(%run_scoped3A_96 : memref<!tpu.dma_semaphore, #tpu.memory_space<semaphore_mem>>) src(%dma_wait3A_114 : memref<1568x16xf32, #tpu.memory_space<vmem>>) dst(%dma_wait3A_111 : memref<1568x16xf32, #tpu.memory_space<vmem_shared>>)
      tpu.yield
    }) : () -> ()
    %mul3A_19 = arith.constant 6272 : i32
    %mul3A_20 = arith.muli %arg1, %mul3A_19 : i32
    %add3A_21 = arith.constant 4704 : i32
    %add3A_22 = arith.addi %mul3A_20, %add3A_21 : i32
    "tpu.region"() ({
      %run_scoped3A_96 = tpu.sem_alloc : memref<!tpu.dma_semaphore, #tpu.memory_space<semaphore_mem>>
      %dma_start3A = arith.constant 0 : i32
      %dma_start3A_97 = arith.constant 0 : i32
      %dma_start3A_98 = tpu.memref_slice %arg8[%dma_start3A, %dma_start3A_97] : memref<1600x16xf32, #tpu.memory_space<vmem>> -> memref<1568x16xf32, #tpu.memory_space<vmem>>
      %dma_start3A_99 = arith.constant 0 : i32
      %dma_start3A_100 = tpu.memref_slice %arg9[%add3A_22, %dma_start3A_99] : memref<100352x16xf32, #tpu.memory_space<vmem_shared>> -> memref<1568x16xf32, #tpu.memory_space<vmem_shared>>
      %dma_start3A_101 = arith.constant 0 : i32
      %dma_start3A_102 = tpu.memref_slice %arg9[%add3A_22, %dma_start3A_101] : memref<100352x16xf32, #tpu.memory_space<vmem_shared>> -> memref<1568x16xf32, #tpu.memory_space<vmem_shared>>
      %dma_start3A_103 = arith.constant 0 : i32
      %dma_start3A_104 = arith.constant 0 : i32
      %dma_start3A_105 = tpu.memref_slice %arg8[%dma_start3A_103, %dma_start3A_104] : memref<1600x16xf32, #tpu.memory_space<vmem>> -> memref<1568x16xf32, #tpu.memory_space<vmem>>
      tpu.enqueue_dma source(%dma_start3A_105 : memref<1568x16xf32, #tpu.memory_space<vmem>>) target(%dma_start3A_102 : memref<1568x16xf32, #tpu.memory_space<vmem_shared>>) target_semaphore(%run_scoped3A_96 : memref<!tpu.dma_semaphore, #tpu.memory_space<semaphore_mem>>)
      %dma_wait3A = arith.constant 0 : i32
      %dma_wait3A_106 = arith.constant 0 : i32
      %dma_wait3A_107 = tpu.memref_slice %arg8[%dma_wait3A, %dma_wait3A_106] : memref<1600x16xf32, #tpu.memory_space<vmem>> -> memref<1568x16xf32, #tpu.memory_space<vmem>>
      %dma_wait3A_108 = arith.constant 0 : i32
      %dma_wait3A_109 = tpu.memref_slice %arg9[%add3A_22, %dma_wait3A_108] : memref<100352x16xf32, #tpu.memory_space<vmem_shared>> -> memref<1568x16xf32, #tpu.memory_space<vmem_shared>>
      %dma_wait3A_110 = arith.constant 0 : i32
      %dma_wait3A_111 = tpu.memref_slice %arg9[%add3A_22, %dma_wait3A_110] : memref<100352x16xf32, #tpu.memory_space<vmem_shared>> -> memref<1568x16xf32, #tpu.memory_space<vmem_shared>>
      %dma_wait3A_112 = arith.constant 0 : i32
      %dma_wait3A_113 = arith.constant 0 : i32
      %dma_wait3A_114 = tpu.memref_slice %arg8[%dma_wait3A_112, %dma_wait3A_113] : memref<1600x16xf32, #tpu.memory_space<vmem>> -> memref<1568x16xf32, #tpu.memory_space<vmem>>
      tpu.wait_dma2 semaphore(%run_scoped3A_96 : memref<!tpu.dma_semaphore, #tpu.memory_space<semaphore_mem>>) src(%dma_wait3A_114 : memref<1568x16xf32, #tpu.memory_space<vmem>>) dst(%dma_wait3A_111 : memref<1568x16xf32, #tpu.memory_space<vmem_shared>>)
      tpu.yield
    }) : () -> ()
    %barrier3A = arith.constant 0 : index
    tpu.barrier barrier_id(%barrier3A)
    %mul3A_23 = arith.constant 200000 : i32
    %mul3A_24 = arith.muli %add3A, %mul3A_23 : i32
    %run_scoped3A = arith.constant 0 : i32
    "tpu.region"() ({
      %run_scoped3A_96 = tpu.sem_alloc : memref<!tpu.dma_semaphore, #tpu.memory_space<semaphore_mem>>
      %dma_start3A = arith.constant 0 : i32
      %dma_start3A_97 = tpu.memref_slice %arg6[%run_scoped3A, %dma_start3A] : memref<2x800xi32, #tpu.memory_space<vmem>> -> memref<1x800xi32, #tpu.memory_space<vmem>>
      %dma_start3A_98 = tpu.memref_squeeze %dma_start3A_97 : memref<1x800xi32, #tpu.memory_space<vmem>> -> memref<800xi32, #tpu.memory_space<vmem>>
      %dma_start3A_99 = tpu.memref_slice %arg2[%mul3A_24] : memref<12800000xi32, #tpu.memory_space<hbm>> -> memref<800xi32, #tpu.memory_space<hbm>>
      %dma_start3A_100 = arith.constant 0 : i32
      %dma_start3A_101 = tpu.memref_slice %arg6[%run_scoped3A, %dma_start3A_100] : memref<2x800xi32, #tpu.memory_space<vmem>> -> memref<1x800xi32, #tpu.memory_space<vmem>>
      %dma_start3A_102 = tpu.memref_squeeze %dma_start3A_101 : memref<1x800xi32, #tpu.memory_space<vmem>> -> memref<800xi32, #tpu.memory_space<vmem>>
      %dma_start3A_103 = tpu.memref_slice %arg2[%mul3A_24] : memref<12800000xi32, #tpu.memory_space<hbm>> -> memref<800xi32, #tpu.memory_space<hbm>>
      tpu.enqueue_dma source(%dma_start3A_103 : memref<800xi32, #tpu.memory_space<hbm>>) target(%dma_start3A_102 : memref<800xi32, #tpu.memory_space<vmem>>) target_semaphore(%run_scoped3A_96 : memref<!tpu.dma_semaphore, #tpu.memory_space<semaphore_mem>>)
      %dma_wait3A = arith.constant 0 : i32
      %dma_wait3A_104 = tpu.memref_slice %arg6[%run_scoped3A, %dma_wait3A] : memref<2x800xi32, #tpu.memory_space<vmem>> -> memref<1x800xi32, #tpu.memory_space<vmem>>
      %dma_wait3A_105 = tpu.memref_squeeze %dma_wait3A_104 : memref<1x800xi32, #tpu.memory_space<vmem>> -> memref<800xi32, #tpu.memory_space<vmem>>
      %dma_wait3A_106 = tpu.memref_slice %arg2[%mul3A_24] : memref<12800000xi32, #tpu.memory_space<hbm>> -> memref<800xi32, #tpu.memory_space<hbm>>
      %dma_wait3A_107 = arith.constant 0 : i32
      %dma_wait3A_108 = tpu.memref_slice %arg6[%run_scoped3A, %dma_wait3A_107] : memref<2x800xi32, #tpu.memory_space<vmem>> -> memref<1x800xi32, #tpu.memory_space<vmem>>
      %dma_wait3A_109 = tpu.memref_squeeze %dma_wait3A_108 : memref<1x800xi32, #tpu.memory_space<vmem>> -> memref<800xi32, #tpu.memory_space<vmem>>
      %dma_wait3A_110 = tpu.memref_slice %arg2[%mul3A_24] : memref<12800000xi32, #tpu.memory_space<hbm>> -> memref<800xi32, #tpu.memory_space<hbm>>
      tpu.wait_dma2 semaphore(%run_scoped3A_96 : memref<!tpu.dma_semaphore, #tpu.memory_space<semaphore_mem>>) src(%dma_wait3A_110 : memref<800xi32, #tpu.memory_space<hbm>>) dst(%dma_wait3A_109 : memref<800xi32, #tpu.memory_space<vmem>>)
      tpu.yield
    }) : () -> ()
    %mul3A_25 = arith.constant 200000 : i32
    %mul3A_26 = arith.muli %add3A, %mul3A_25 : i32
    %add3A_27 = arith.constant 6400000 : i32
    %add3A_28 = arith.addi %add3A_27, %mul3A_26 : i32
    %run_scoped3A_29 = arith.constant 0 : i32
    "tpu.region"() ({
      %run_scoped3A_96 = tpu.sem_alloc : memref<!tpu.dma_semaphore, #tpu.memory_space<semaphore_mem>>
      %dma_start3A = arith.constant 0 : i32
      %dma_start3A_97 = tpu.memref_slice %arg7[%run_scoped3A_29, %dma_start3A] : memref<2x800xi32, #tpu.memory_space<vmem>> -> memref<1x800xi32, #tpu.memory_space<vmem>>
      %dma_start3A_98 = tpu.memref_squeeze %dma_start3A_97 : memref<1x800xi32, #tpu.memory_space<vmem>> -> memref<800xi32, #tpu.memory_space<vmem>>
      %dma_start3A_99 = tpu.memref_slice %arg2[%add3A_28] : memref<12800000xi32, #tpu.memory_space<hbm>> -> memref<800xi32, #tpu.memory_space<hbm>>
      %dma_start3A_100 = arith.constant 0 : i32
      %dma_start3A_101 = tpu.memref_slice %arg7[%run_scoped3A_29, %dma_start3A_100] : memref<2x800xi32, #tpu.memory_space<vmem>> -> memref<1x800xi32, #tpu.memory_space<vmem>>
      %dma_start3A_102 = tpu.memref_squeeze %dma_start3A_101 : memref<1x800xi32, #tpu.memory_space<vmem>> -> memref<800xi32, #tpu.memory_space<vmem>>
      %dma_start3A_103 = tpu.memref_slice %arg2[%add3A_28] : memref<12800000xi32, #tpu.memory_space<hbm>> -> memref<800xi32, #tpu.memory_space<hbm>>
      tpu.enqueue_dma source(%dma_start3A_103 : memref<800xi32, #tpu.memory_space<hbm>>) target(%dma_start3A_102 : memref<800xi32, #tpu.memory_space<vmem>>) target_semaphore(%run_scoped3A_96 : memref<!tpu.dma_semaphore, #tpu.memory_space<semaphore_mem>>)
      %dma_wait3A = arith.constant 0 : i32
      %dma_wait3A_104 = tpu.memref_slice %arg7[%run_scoped3A_29, %dma_wait3A] : memref<2x800xi32, #tpu.memory_space<vmem>> -> memref<1x800xi32, #tpu.memory_space<vmem>>
      %dma_wait3A_105 = tpu.memref_squeeze %dma_wait3A_104 : memref<1x800xi32, #tpu.memory_space<vmem>> -> memref<800xi32, #tpu.memory_space<vmem>>
      %dma_wait3A_106 = tpu.memref_slice %arg2[%add3A_28] : memref<12800000xi32, #tpu.memory_space<hbm>> -> memref<800xi32, #tpu.memory_space<hbm>>
      %dma_wait3A_107 = arith.constant 0 : i32
      %dma_wait3A_108 = tpu.memref_slice %arg7[%run_scoped3A_29, %dma_wait3A_107] : memref<2x800xi32, #tpu.memory_space<vmem>> -> memref<1x800xi32, #tpu.memory_space<vmem>>
      %dma_wait3A_109 = tpu.memref_squeeze %dma_wait3A_108 : memref<1x800xi32, #tpu.memory_space<vmem>> -> memref<800xi32, #tpu.memory_space<vmem>>
      %dma_wait3A_110 = tpu.memref_slice %arg2[%add3A_28] : memref<12800000xi32, #tpu.memory_space<hbm>> -> memref<800xi32, #tpu.memory_space<hbm>>
      tpu.wait_dma2 semaphore(%run_scoped3A_96 : memref<!tpu.dma_semaphore, #tpu.memory_space<semaphore_mem>>) src(%dma_wait3A_110 : memref<800xi32, #tpu.memory_space<hbm>>) dst(%dma_wait3A_109 : memref<800xi32, #tpu.memory_space<vmem>>)
      tpu.yield
    }) : () -> ()
    %scan3A_30 = arith.constant 0 : i32
    %scan3A_31 = arith.constant 0 : i32
    %scan3A_32 = arith.constant 10 : i32
    %scan3A_33 = arith.addi %scan3A_31, %scan3A_32 : i32
    %scan3A_34 = arith.constant 1 : i32
    scf.for %scan3A_96 = %scan3A_31 to %scan3A_33 step %scan3A_34  : i32 {
      %mul3A_97 = arith.constant 80 : i32
      %mul3A_98 = arith.muli %scan3A_96, %mul3A_97 : i32
      %mul3A_99 = arith.constant 80 : i32
      %mul3A_100 = arith.muli %scan3A_96, %mul3A_99 : i32
      %add3A_101 = arith.constant 0 : i32
      %add3A_102 = arith.addi %add3A_101, %mul3A_100 : i32
      %dma_start3A = arith.constant 0 : i32
      %dma_start3A_103 = arith.constant 0 : i32
      %dma_start3A_104 = tpu.memref_slice %arg8[%add3A_102, %dma_start3A_103] : memref<1600x16xf32, #tpu.memory_space<vmem>> -> memref<80x16xf32, #tpu.memory_space<vmem>>
      %dma_start3A_105 = tpu.memref_slice %arg6[%dma_start3A, %mul3A_98] : memref<2x800xi32, #tpu.memory_space<vmem>> -> memref<1x80xi32, #tpu.memory_space<vmem>>
      %dma_start3A_106 = tpu.memref_squeeze %dma_start3A_105 : memref<1x80xi32, #tpu.memory_space<vmem>> -> memref<80xi32, #tpu.memory_space<vmem>>
      %dma_start3A_107 = arith.constant 0 : i32
      %dma_start3A_108 = arith.constant 0 : i32
      %dma_start3A_109 = tpu.memref_slice %arg3[%dma_start3A_107, %dma_start3A_108] : memref<100000x16xf32, #tpu.memory_space<hbm>> -> memref<100000x16xf32, #tpu.memory_space<hbm>>
      tpu.enqueue_indirect_dma source(%dma_start3A_109 : memref<100000x16xf32, #tpu.memory_space<hbm>>) target(%dma_start3A_104 : memref<80x16xf32, #tpu.memory_space<vmem>>) offsets(%dma_start3A_106 : memref<80xi32, #tpu.memory_space<vmem>>) semaphore(%arg11 : memref<!tpu.dma_semaphore, #tpu.memory_space<semaphore_mem>>)
    }
    %scan3A_35 = arith.constant 10 : i32
    %scan3A_36 = arith.constant 0 : i32
    %scan3A_37 = arith.constant 0 : i32
    %scan3A_38 = arith.constant 250 : i32
    %scan3A_39 = arith.addi %scan3A_37, %scan3A_38 : i32
    %scan3A_40 = arith.constant 1 : i32
    scf.for %scan3A_96 = %scan3A_37 to %scan3A_39 step %scan3A_40  : i32 {
      %rem3A = arith.constant 2 : i32
      %rem3A_97 = arith.remsi %scan3A_96, %rem3A : i32
      %add3A_98 = arith.constant 1 : i32
      %add3A_99 = arith.addi %scan3A_96, %add3A_98 : i32
      %lt3A = arith.constant 250 : i32
      %lt3A_100 = arith.cmpi slt, %add3A_99, %lt3A : i32
      %convert_element_type3A_101 = arith.extui %lt3A_100 : i1 to i32
      %cond3A_102 = arith.constant 0 : i32
      %cond3A_103 = arith.cmpi ne, %convert_element_type3A_101, %cond3A_102 : i32
      scf.if %cond3A_103 {
        %mul3A_126 = arith.constant 200000 : i32
        %mul3A_127 = arith.muli %add3A, %mul3A_126 : i32
        %add3A_128 = arith.constant 1 : i32
        %add3A_129 = arith.addi %scan3A_96, %add3A_128 : i32
        %mul3A_130 = arith.constant 800 : i32
        %mul3A_131 = arith.muli %add3A_129, %mul3A_130 : i32
        %add3A_132 = arith.addi %mul3A_127, %mul3A_131 : i32
        %sub3A = arith.constant 1 : i32
        %sub3A_133 = arith.subi %sub3A, %rem3A_97 : i32
        %dma_start3A = arith.constant 0 : i32
        %dma_start3A_134 = tpu.memref_slice %arg6[%sub3A_133, %dma_start3A] : memref<2x800xi32, #tpu.memory_space<vmem>> -> memref<1x800xi32, #tpu.memory_space<vmem>>
        %dma_start3A_135 = tpu.memref_squeeze %dma_start3A_134 : memref<1x800xi32, #tpu.memory_space<vmem>> -> memref<800xi32, #tpu.memory_space<vmem>>
        %dma_start3A_136 = tpu.memref_slice %arg2[%add3A_132] : memref<12800000xi32, #tpu.memory_space<hbm>> -> memref<800xi32, #tpu.memory_space<hbm>>
        %dma_start3A_137 = arith.constant 0 : i32
        %dma_start3A_138 = tpu.memref_slice %arg6[%sub3A_133, %dma_start3A_137] : memref<2x800xi32, #tpu.memory_space<vmem>> -> memref<1x800xi32, #tpu.memory_space<vmem>>
        %dma_start3A_139 = tpu.memref_squeeze %dma_start3A_138 : memref<1x800xi32, #tpu.memory_space<vmem>> -> memref<800xi32, #tpu.memory_space<vmem>>
        %dma_start3A_140 = tpu.memref_slice %arg2[%add3A_132] : memref<12800000xi32, #tpu.memory_space<hbm>> -> memref<800xi32, #tpu.memory_space<hbm>>
        tpu.enqueue_dma source(%dma_start3A_140 : memref<800xi32, #tpu.memory_space<hbm>>) target(%dma_start3A_139 : memref<800xi32, #tpu.memory_space<vmem>>) target_semaphore(%arg10 : memref<!tpu.dma_semaphore, #tpu.memory_space<semaphore_mem>>)
        %add3A_141 = arith.constant 6400000 : i32
        %add3A_142 = arith.addi %add3A_141, %add3A_132 : i32
        %sub3A_143 = arith.constant 1 : i32
        %sub3A_144 = arith.subi %sub3A_143, %rem3A_97 : i32
        %dma_start3A_145 = arith.constant 0 : i32
        %dma_start3A_146 = tpu.memref_slice %arg7[%sub3A_144, %dma_start3A_145] : memref<2x800xi32, #tpu.memory_space<vmem>> -> memref<1x800xi32, #tpu.memory_space<vmem>>
        %dma_start3A_147 = tpu.memref_squeeze %dma_start3A_146 : memref<1x800xi32, #tpu.memory_space<vmem>> -> memref<800xi32, #tpu.memory_space<vmem>>
        %dma_start3A_148 = tpu.memref_slice %arg2[%add3A_142] : memref<12800000xi32, #tpu.memory_space<hbm>> -> memref<800xi32, #tpu.memory_space<hbm>>
        %dma_start3A_149 = arith.constant 0 : i32
        %dma_start3A_150 = tpu.memref_slice %arg7[%sub3A_144, %dma_start3A_149] : memref<2x800xi32, #tpu.memory_space<vmem>> -> memref<1x800xi32, #tpu.memory_space<vmem>>
        %dma_start3A_151 = tpu.memref_squeeze %dma_start3A_150 : memref<1x800xi32, #tpu.memory_space<vmem>> -> memref<800xi32, #tpu.memory_space<vmem>>
        %dma_start3A_152 = tpu.memref_slice %arg2[%add3A_142] : memref<12800000xi32, #tpu.memory_space<hbm>> -> memref<800xi32, #tpu.memory_space<hbm>>
        tpu.enqueue_dma source(%dma_start3A_152 : memref<800xi32, #tpu.memory_space<hbm>>) target(%dma_start3A_151 : memref<800xi32, #tpu.memory_space<vmem>>) target_semaphore(%arg10 : memref<!tpu.dma_semaphore, #tpu.memory_space<semaphore_mem>>)
      } else {
      }
      %scan3A_104 = arith.constant 0 : i32
      %scan3A_105 = arith.constant 0 : i32
      %scan3A_106 = arith.constant 10 : i32
      %scan3A_107 = arith.addi %scan3A_105, %scan3A_106 : i32
      %scan3A_108 = arith.constant 1 : i32
      scf.for %scan3A_126 = %scan3A_105 to %scan3A_107 step %scan3A_108  : i32 {
        %mul3A_127 = arith.constant 80 : i32
        %mul3A_128 = arith.muli %scan3A_126, %mul3A_127 : i32
        %mul3A_129 = arith.constant 800 : i32
        %mul3A_130 = arith.muli %rem3A_97, %mul3A_129 : i32
        %mul3A_131 = arith.constant 80 : i32
        %mul3A_132 = arith.muli %scan3A_126, %mul3A_131 : i32
        %add3A_133 = arith.addi %mul3A_130, %mul3A_132 : i32
        %dma_wait3A_134 = arith.constant 0 : i32
        %dma_wait3A_135 = tpu.memref_slice %arg8[%add3A_133, %dma_wait3A_134] : memref<1600x16xf32, #tpu.memory_space<vmem>> -> memref<80x16xf32, #tpu.memory_space<vmem>>
        %dma_wait3A_136 = tpu.memref_slice %arg6[%rem3A_97, %mul3A_128] : memref<2x800xi32, #tpu.memory_space<vmem>> -> memref<1x80xi32, #tpu.memory_space<vmem>>
        %dma_wait3A_137 = tpu.memref_squeeze %dma_wait3A_136 : memref<1x80xi32, #tpu.memory_space<vmem>> -> memref<80xi32, #tpu.memory_space<vmem>>
        %dma_wait3A_138 = arith.constant 0 : i32
        %dma_wait3A_139 = arith.constant 0 : i32
        %dma_wait3A_140 = tpu.memref_slice %arg3[%dma_wait3A_138, %dma_wait3A_139] : memref<100000x16xf32, #tpu.memory_space<hbm>> -> memref<100000x16xf32, #tpu.memory_space<hbm>>
        tpu.wait_indirect_dma semaphore(%arg11 : memref<!tpu.dma_semaphore, #tpu.memory_space<semaphore_mem>>) src(%dma_wait3A_140 : memref<100000x16xf32, #tpu.memory_space<hbm>>) dst(%dma_wait3A_135 : memref<80x16xf32, #tpu.memory_space<vmem>>)
        %mul3A_141 = arith.constant 800 : i32
        %mul3A_142 = arith.muli %rem3A_97, %mul3A_141 : i32
        %mul3A_143 = arith.constant 80 : i32
        %mul3A_144 = arith.muli %scan3A_126, %mul3A_143 : i32
        %add3A_145 = arith.addi %mul3A_142, %mul3A_144 : i32
        %mul3A_146 = arith.constant 80 : i32
        %mul3A_147 = arith.muli %scan3A_126, %mul3A_146 : i32
        %dma_start3A = arith.constant 0 : i32
        %dma_start3A_148 = tpu.memref_slice %arg8[%add3A_145, %dma_start3A] : memref<1600x16xf32, #tpu.memory_space<vmem>> -> memref<80x16xf32, #tpu.memory_space<vmem>>
        %dma_start3A_149 = tpu.memref_slice %arg7[%rem3A_97, %mul3A_147] : memref<2x800xi32, #tpu.memory_space<vmem>> -> memref<1x80xi32, #tpu.memory_space<vmem>>
        %dma_start3A_150 = tpu.memref_squeeze %dma_start3A_149 : memref<1x80xi32, #tpu.memory_space<vmem>> -> memref<80xi32, #tpu.memory_space<vmem>>
        %dma_start3A_151 = arith.constant 0 : i32
        %dma_start3A_152 = arith.constant 0 : i32
        %dma_start3A_153 = tpu.memref_slice %arg9[%dma_start3A_151, %dma_start3A_152] : memref<100352x16xf32, #tpu.memory_space<vmem_shared>> -> memref<100352x16xf32, #tpu.memory_space<vmem_shared>>
        tpu.enqueue_indirect_dma source(%dma_start3A_148 : memref<80x16xf32, #tpu.memory_space<vmem>>) target(%dma_start3A_153 : memref<100352x16xf32, #tpu.memory_space<vmem_shared>>) offsets(%dma_start3A_150 : memref<80xi32, #tpu.memory_space<vmem>>) semaphore(%arg12 : memref<!tpu.dma_semaphore, #tpu.memory_space<semaphore_mem>>) {add = true}
      }
      %scan3A_109 = arith.constant 10 : i32
      %add3A_110 = arith.constant 1 : i32
      %add3A_111 = arith.addi %scan3A_96, %add3A_110 : i32
      %lt3A_112 = arith.constant 250 : i32
      %lt3A_113 = arith.cmpi slt, %add3A_111, %lt3A_112 : i32
      %convert_element_type3A_114 = arith.extui %lt3A_113 : i1 to i32
      %cond3A_115 = arith.constant 0 : i32
      %cond3A_116 = arith.cmpi ne, %convert_element_type3A_114, %cond3A_115 : i32
      scf.if %cond3A_116 {
        %sub3A = arith.constant 1 : i32
        %sub3A_126 = arith.subi %sub3A, %rem3A_97 : i32
        %dma_wait3A_127 = arith.constant 0 : i32
        %dma_wait3A_128 = tpu.memref_slice %arg6[%sub3A_126, %dma_wait3A_127] : memref<2x800xi32, #tpu.memory_space<vmem>> -> memref<1x800xi32, #tpu.memory_space<vmem>>
        %dma_wait3A_129 = tpu.memref_squeeze %dma_wait3A_128 : memref<1x800xi32, #tpu.memory_space<vmem>> -> memref<800xi32, #tpu.memory_space<vmem>>
        %dma_wait3A_130 = arith.constant 0 : i32
        %dma_wait3A_131 = tpu.memref_slice %arg2[%dma_wait3A_130] : memref<12800000xi32, #tpu.memory_space<hbm>> -> memref<800xi32, #tpu.memory_space<hbm>>
        %dma_wait3A_132 = arith.constant 0 : i32
        %dma_wait3A_133 = tpu.memref_slice %arg6[%sub3A_126, %dma_wait3A_132] : memref<2x800xi32, #tpu.memory_space<vmem>> -> memref<1x800xi32, #tpu.memory_space<vmem>>
        %dma_wait3A_134 = tpu.memref_squeeze %dma_wait3A_133 : memref<1x800xi32, #tpu.memory_space<vmem>> -> memref<800xi32, #tpu.memory_space<vmem>>
        %dma_wait3A_135 = arith.constant 0 : i32
        %dma_wait3A_136 = tpu.memref_slice %arg2[%dma_wait3A_135] : memref<12800000xi32, #tpu.memory_space<hbm>> -> memref<800xi32, #tpu.memory_space<hbm>>
        tpu.wait_dma2 semaphore(%arg10 : memref<!tpu.dma_semaphore, #tpu.memory_space<semaphore_mem>>) src(%dma_wait3A_136 : memref<800xi32, #tpu.memory_space<hbm>>) dst(%dma_wait3A_134 : memref<800xi32, #tpu.memory_space<vmem>>)
        %sub3A_137 = arith.constant 1 : i32
        %sub3A_138 = arith.subi %sub3A_137, %rem3A_97 : i32
        %dma_wait3A_139 = arith.constant 0 : i32
        %dma_wait3A_140 = tpu.memref_slice %arg7[%sub3A_138, %dma_wait3A_139] : memref<2x800xi32, #tpu.memory_space<vmem>> -> memref<1x800xi32, #tpu.memory_space<vmem>>
        %dma_wait3A_141 = tpu.memref_squeeze %dma_wait3A_140 : memref<1x800xi32, #tpu.memory_space<vmem>> -> memref<800xi32, #tpu.memory_space<vmem>>
        %dma_wait3A_142 = arith.constant 0 : i32
        %dma_wait3A_143 = tpu.memref_slice %arg2[%dma_wait3A_142] : memref<12800000xi32, #tpu.memory_space<hbm>> -> memref<800xi32, #tpu.memory_space<hbm>>
        %dma_wait3A_144 = arith.constant 0 : i32
        %dma_wait3A_145 = tpu.memref_slice %arg7[%sub3A_138, %dma_wait3A_144] : memref<2x800xi32, #tpu.memory_space<vmem>> -> memref<1x800xi32, #tpu.memory_space<vmem>>
        %dma_wait3A_146 = tpu.memref_squeeze %dma_wait3A_145 : memref<1x800xi32, #tpu.memory_space<vmem>> -> memref<800xi32, #tpu.memory_space<vmem>>
        %dma_wait3A_147 = arith.constant 0 : i32
        %dma_wait3A_148 = tpu.memref_slice %arg2[%dma_wait3A_147] : memref<12800000xi32, #tpu.memory_space<hbm>> -> memref<800xi32, #tpu.memory_space<hbm>>
        tpu.wait_dma2 semaphore(%arg10 : memref<!tpu.dma_semaphore, #tpu.memory_space<semaphore_mem>>) src(%dma_wait3A_148 : memref<800xi32, #tpu.memory_space<hbm>>) dst(%dma_wait3A_146 : memref<800xi32, #tpu.memory_space<vmem>>)
        %sub3A_149 = arith.constant 1 : i32
        %sub3A_150 = arith.subi %sub3A_149, %rem3A_97 : i32
        %add3A_151 = arith.constant 1 : i32
        %add3A_152 = arith.addi %scan3A_96, %add3A_151 : i32
        %scan3A_153 = arith.constant 0 : i32
        %scan3A_154 = arith.constant 0 : i32
        %scan3A_155 = arith.constant 10 : i32
        %scan3A_156 = arith.addi %scan3A_154, %scan3A_155 : i32
        %scan3A_157 = arith.constant 1 : i32
        scf.for %scan3A_159 = %scan3A_154 to %scan3A_156 step %scan3A_157  : i32 {
          %mul3A_160 = arith.constant 80 : i32
          %mul3A_161 = arith.muli %scan3A_159, %mul3A_160 : i32
          %mul3A_162 = arith.constant 800 : i32
          %mul3A_163 = arith.muli %sub3A_150, %mul3A_162 : i32
          %mul3A_164 = arith.constant 80 : i32
          %mul3A_165 = arith.muli %scan3A_159, %mul3A_164 : i32
          %add3A_166 = arith.addi %mul3A_163, %mul3A_165 : i32
          %dma_start3A = arith.constant 0 : i32
          %dma_start3A_167 = tpu.memref_slice %arg8[%add3A_166, %dma_start3A] : memref<1600x16xf32, #tpu.memory_space<vmem>> -> memref<80x16xf32, #tpu.memory_space<vmem>>
          %dma_start3A_168 = tpu.memref_slice %arg6[%sub3A_150, %mul3A_161] : memref<2x800xi32, #tpu.memory_space<vmem>> -> memref<1x80xi32, #tpu.memory_space<vmem>>
          %dma_start3A_169 = tpu.memref_squeeze %dma_start3A_168 : memref<1x80xi32, #tpu.memory_space<vmem>> -> memref<80xi32, #tpu.memory_space<vmem>>
          %dma_start3A_170 = arith.constant 0 : i32
          %dma_start3A_171 = arith.constant 0 : i32
          %dma_start3A_172 = tpu.memref_slice %arg3[%dma_start3A_170, %dma_start3A_171] : memref<100000x16xf32, #tpu.memory_space<hbm>> -> memref<100000x16xf32, #tpu.memory_space<hbm>>
          tpu.enqueue_indirect_dma source(%dma_start3A_172 : memref<100000x16xf32, #tpu.memory_space<hbm>>) target(%dma_start3A_167 : memref<80x16xf32, #tpu.memory_space<vmem>>) offsets(%dma_start3A_169 : memref<80xi32, #tpu.memory_space<vmem>>) semaphore(%arg11 : memref<!tpu.dma_semaphore, #tpu.memory_space<semaphore_mem>>)
        }
        %scan3A_158 = arith.constant 10 : i32
      } else {
      }
      %mul3A_117 = arith.constant 800 : i32
      %mul3A_118 = arith.muli %rem3A_97, %mul3A_117 : i32
      %dma_wait3A = arith.constant 0 : i32
      %dma_wait3A_119 = tpu.memref_slice %arg8[%mul3A_118, %dma_wait3A] : memref<1600x16xf32, #tpu.memory_space<vmem>> -> memref<800x16xf32, #tpu.memory_space<vmem>>
      %dma_wait3A_120 = arith.constant 0 : i32
      %dma_wait3A_121 = tpu.memref_slice %arg7[%rem3A_97, %dma_wait3A_120] : memref<2x800xi32, #tpu.memory_space<vmem>> -> memref<1x800xi32, #tpu.memory_space<vmem>>
      %dma_wait3A_122 = tpu.memref_squeeze %dma_wait3A_121 : memref<1x800xi32, #tpu.memory_space<vmem>> -> memref<800xi32, #tpu.memory_space<vmem>>
      %dma_wait3A_123 = arith.constant 0 : i32
      %dma_wait3A_124 = arith.constant 0 : i32
      %dma_wait3A_125 = tpu.memref_slice %arg9[%dma_wait3A_123, %dma_wait3A_124] : memref<100352x16xf32, #tpu.memory_space<vmem_shared>> -> memref<100352x16xf32, #tpu.memory_space<vmem_shared>>
      tpu.wait_indirect_dma semaphore(%arg12 : memref<!tpu.dma_semaphore, #tpu.memory_space<semaphore_mem>>) src(%dma_wait3A_119 : memref<800x16xf32, #tpu.memory_space<vmem>>) dst(%dma_wait3A_125 : memref<100352x16xf32, #tpu.memory_space<vmem_shared>>)
    }
    %scan3A_41 = arith.constant 250 : i32
    %barrier3A_42 = arith.constant 0 : index
    tpu.barrier barrier_id(%barrier3A_42)
    %mul3A_43 = arith.constant 6272 : i32
    %mul3A_44 = arith.muli %arg1, %mul3A_43 : i32
    %add3A_45 = arith.constant 0 : i32
    %add3A_46 = arith.addi %mul3A_44, %add3A_45 : i32
    "tpu.region"() ({
      %run_scoped3A_96 = tpu.sem_alloc : memref<!tpu.dma_semaphore, #tpu.memory_space<semaphore_mem>>
      %dma_start3A = arith.constant 0 : i32
      %dma_start3A_97 = arith.constant 0 : i32
      %dma_start3A_98 = tpu.memref_slice %arg8[%dma_start3A, %dma_start3A_97] : memref<1600x16xf32, #tpu.memory_space<vmem>> -> memref<1568x16xf32, #tpu.memory_space<vmem>>
      %dma_start3A_99 = arith.constant 0 : i32
      %dma_start3A_100 = tpu.memref_slice %arg9[%add3A_46, %dma_start3A_99] : memref<100352x16xf32, #tpu.memory_space<vmem_shared>> -> memref<1568x16xf32, #tpu.memory_space<vmem_shared>>
      %dma_start3A_101 = arith.constant 0 : i32
      %dma_start3A_102 = arith.constant 0 : i32
      %dma_start3A_103 = tpu.memref_slice %arg8[%dma_start3A_101, %dma_start3A_102] : memref<1600x16xf32, #tpu.memory_space<vmem>> -> memref<1568x16xf32, #tpu.memory_space<vmem>>
      %dma_start3A_104 = arith.constant 0 : i32
      %dma_start3A_105 = tpu.memref_slice %arg9[%add3A_46, %dma_start3A_104] : memref<100352x16xf32, #tpu.memory_space<vmem_shared>> -> memref<1568x16xf32, #tpu.memory_space<vmem_shared>>
      tpu.enqueue_dma source(%dma_start3A_105 : memref<1568x16xf32, #tpu.memory_space<vmem_shared>>) target(%dma_start3A_103 : memref<1568x16xf32, #tpu.memory_space<vmem>>) target_semaphore(%run_scoped3A_96 : memref<!tpu.dma_semaphore, #tpu.memory_space<semaphore_mem>>)
      %dma_wait3A = arith.constant 0 : i32
      %dma_wait3A_106 = arith.constant 0 : i32
      %dma_wait3A_107 = tpu.memref_slice %arg8[%dma_wait3A, %dma_wait3A_106] : memref<1600x16xf32, #tpu.memory_space<vmem>> -> memref<1568x16xf32, #tpu.memory_space<vmem>>
      %dma_wait3A_108 = arith.constant 0 : i32
      %dma_wait3A_109 = tpu.memref_slice %arg9[%add3A_46, %dma_wait3A_108] : memref<100352x16xf32, #tpu.memory_space<vmem_shared>> -> memref<1568x16xf32, #tpu.memory_space<vmem_shared>>
      %dma_wait3A_110 = arith.constant 0 : i32
      %dma_wait3A_111 = arith.constant 0 : i32
      %dma_wait3A_112 = tpu.memref_slice %arg8[%dma_wait3A_110, %dma_wait3A_111] : memref<1600x16xf32, #tpu.memory_space<vmem>> -> memref<1568x16xf32, #tpu.memory_space<vmem>>
      %dma_wait3A_113 = arith.constant 0 : i32
      %dma_wait3A_114 = tpu.memref_slice %arg9[%add3A_46, %dma_wait3A_113] : memref<100352x16xf32, #tpu.memory_space<vmem_shared>> -> memref<1568x16xf32, #tpu.memory_space<vmem_shared>>
      tpu.wait_dma2 semaphore(%run_scoped3A_96 : memref<!tpu.dma_semaphore, #tpu.memory_space<semaphore_mem>>) src(%dma_wait3A_114 : memref<1568x16xf32, #tpu.memory_space<vmem_shared>>) dst(%dma_wait3A_112 : memref<1568x16xf32, #tpu.memory_space<vmem>>)
      tpu.yield
    }) : () -> ()
    %eq3A = arith.constant 0 : i32
    %eq3A_47 = arith.cmpi eq, %arg0, %eq3A : i32
    %convert_element_type3A = arith.extui %eq3A_47 : i1 to i32
    %cond3A = arith.constant 0 : i32
    %cond3A_48 = arith.cmpi ne, %convert_element_type3A, %cond3A : i32
    scf.if %cond3A_48 {
      %mul3A_96 = arith.constant 6272 : i32
      %mul3A_97 = arith.muli %arg1, %mul3A_96 : i32
      %add3A_98 = arith.constant 0 : i32
      %add3A_99 = arith.addi %mul3A_97, %add3A_98 : i32
      "tpu.region"() ({
        %run_scoped3A_100 = tpu.sem_alloc : memref<!tpu.dma_semaphore, #tpu.memory_space<semaphore_mem>>
        %dma_start3A = arith.constant 0 : i32
        %dma_start3A_101 = arith.constant 0 : i32
        %dma_start3A_102 = tpu.memref_slice %arg8[%dma_start3A, %dma_start3A_101] : memref<1600x16xf32, #tpu.memory_space<vmem>> -> memref<1568x16xf32, #tpu.memory_space<vmem>>
        %dma_start3A_103 = arith.constant 0 : i32
        %dma_start3A_104 = tpu.memref_slice %arg4[%add3A_99, %dma_start3A_103] : memref<100352x16xf32, #tpu.memory_space<hbm>> -> memref<1568x16xf32, #tpu.memory_space<hbm>>
        %dma_start3A_105 = arith.constant 0 : i32
        %dma_start3A_106 = tpu.memref_slice %arg4[%add3A_99, %dma_start3A_105] : memref<100352x16xf32, #tpu.memory_space<hbm>> -> memref<1568x16xf32, #tpu.memory_space<hbm>>
        %dma_start3A_107 = arith.constant 0 : i32
        %dma_start3A_108 = arith.constant 0 : i32
        %dma_start3A_109 = tpu.memref_slice %arg8[%dma_start3A_107, %dma_start3A_108] : memref<1600x16xf32, #tpu.memory_space<vmem>> -> memref<1568x16xf32, #tpu.memory_space<vmem>>
        tpu.enqueue_dma source(%dma_start3A_109 : memref<1568x16xf32, #tpu.memory_space<vmem>>) target(%dma_start3A_106 : memref<1568x16xf32, #tpu.memory_space<hbm>>) target_semaphore(%run_scoped3A_100 : memref<!tpu.dma_semaphore, #tpu.memory_space<semaphore_mem>>)
        %dma_wait3A = arith.constant 0 : i32
        %dma_wait3A_110 = arith.constant 0 : i32
        %dma_wait3A_111 = tpu.memref_slice %arg8[%dma_wait3A, %dma_wait3A_110] : memref<1600x16xf32, #tpu.memory_space<vmem>> -> memref<1568x16xf32, #tpu.memory_space<vmem>>
        %dma_wait3A_112 = arith.constant 0 : i32
        %dma_wait3A_113 = tpu.memref_slice %arg4[%add3A_99, %dma_wait3A_112] : memref<100352x16xf32, #tpu.memory_space<hbm>> -> memref<1568x16xf32, #tpu.memory_space<hbm>>
        %dma_wait3A_114 = arith.constant 0 : i32
        %dma_wait3A_115 = tpu.memref_slice %arg4[%add3A_99, %dma_wait3A_114] : memref<100352x16xf32, #tpu.memory_space<hbm>> -> memref<1568x16xf32, #tpu.memory_space<hbm>>
        %dma_wait3A_116 = arith.constant 0 : i32
        %dma_wait3A_117 = arith.constant 0 : i32
        %dma_wait3A_118 = tpu.memref_slice %arg8[%dma_wait3A_116, %dma_wait3A_117] : memref<1600x16xf32, #tpu.memory_space<vmem>> -> memref<1568x16xf32, #tpu.memory_space<vmem>>
        tpu.wait_dma2 semaphore(%run_scoped3A_100 : memref<!tpu.dma_semaphore, #tpu.memory_space<semaphore_mem>>) src(%dma_wait3A_118 : memref<1568x16xf32, #tpu.memory_space<vmem>>) dst(%dma_wait3A_115 : memref<1568x16xf32, #tpu.memory_space<hbm>>)
        tpu.yield
      }) : () -> ()
    } else {
    }
    %eq3A_49 = arith.constant 1 : i32
    %eq3A_50 = arith.cmpi eq, %arg0, %eq3A_49 : i32
    %convert_element_type3A_51 = arith.extui %eq3A_50 : i1 to i32
    %cond3A_52 = arith.constant 0 : i32
    %cond3A_53 = arith.cmpi ne, %convert_element_type3A_51, %cond3A_52 : i32
    scf.if %cond3A_53 {
      %mul3A_96 = arith.constant 6272 : i32
      %mul3A_97 = arith.muli %arg1, %mul3A_96 : i32
      %add3A_98 = arith.constant 0 : i32
      %add3A_99 = arith.addi %mul3A_97, %add3A_98 : i32
      "tpu.region"() ({
        %run_scoped3A_100 = tpu.sem_alloc : memref<!tpu.dma_semaphore, #tpu.memory_space<semaphore_mem>>
        %dma_start3A = arith.constant 0 : i32
        %dma_start3A_101 = arith.constant 0 : i32
        %dma_start3A_102 = tpu.memref_slice %arg8[%dma_start3A, %dma_start3A_101] : memref<1600x16xf32, #tpu.memory_space<vmem>> -> memref<1568x16xf32, #tpu.memory_space<vmem>>
        %dma_start3A_103 = arith.constant 0 : i32
        %dma_start3A_104 = tpu.memref_slice %arg5[%add3A_99, %dma_start3A_103] : memref<100352x16xf32, #tpu.memory_space<hbm>> -> memref<1568x16xf32, #tpu.memory_space<hbm>>
        %dma_start3A_105 = arith.constant 0 : i32
        %dma_start3A_106 = tpu.memref_slice %arg5[%add3A_99, %dma_start3A_105] : memref<100352x16xf32, #tpu.memory_space<hbm>> -> memref<1568x16xf32, #tpu.memory_space<hbm>>
        %dma_start3A_107 = arith.constant 0 : i32
        %dma_start3A_108 = arith.constant 0 : i32
        %dma_start3A_109 = tpu.memref_slice %arg8[%dma_start3A_107, %dma_start3A_108] : memref<1600x16xf32, #tpu.memory_space<vmem>> -> memref<1568x16xf32, #tpu.memory_space<vmem>>
        tpu.enqueue_dma source(%dma_start3A_109 : memref<1568x16xf32, #tpu.memory_space<vmem>>) target(%dma_start3A_106 : memref<1568x16xf32, #tpu.memory_space<hbm>>) target_semaphore(%run_scoped3A_100 : memref<!tpu.dma_semaphore, #tpu.memory_space<semaphore_mem>>)
        %dma_wait3A = arith.constant 0 : i32
        %dma_wait3A_110 = arith.constant 0 : i32
        %dma_wait3A_111 = tpu.memref_slice %arg8[%dma_wait3A, %dma_wait3A_110] : memref<1600x16xf32, #tpu.memory_space<vmem>> -> memref<1568x16xf32, #tpu.memory_space<vmem>>
        %dma_wait3A_112 = arith.constant 0 : i32
        %dma_wait3A_113 = tpu.memref_slice %arg5[%add3A_99, %dma_wait3A_112] : memref<100352x16xf32, #tpu.memory_space<hbm>> -> memref<1568x16xf32, #tpu.memory_space<hbm>>
        %dma_wait3A_114 = arith.constant 0 : i32
        %dma_wait3A_115 = tpu.memref_slice %arg5[%add3A_99, %dma_wait3A_114] : memref<100352x16xf32, #tpu.memory_space<hbm>> -> memref<1568x16xf32, #tpu.memory_space<hbm>>
        %dma_wait3A_116 = arith.constant 0 : i32
        %dma_wait3A_117 = arith.constant 0 : i32
        %dma_wait3A_118 = tpu.memref_slice %arg8[%dma_wait3A_116, %dma_wait3A_117] : memref<1600x16xf32, #tpu.memory_space<vmem>> -> memref<1568x16xf32, #tpu.memory_space<vmem>>
        tpu.wait_dma2 semaphore(%run_scoped3A_100 : memref<!tpu.dma_semaphore, #tpu.memory_space<semaphore_mem>>) src(%dma_wait3A_118 : memref<1568x16xf32, #tpu.memory_space<vmem>>) dst(%dma_wait3A_115 : memref<1568x16xf32, #tpu.memory_space<hbm>>)
        tpu.yield
      }) : () -> ()
    } else {
    }
    %mul3A_54 = arith.constant 6272 : i32
    %mul3A_55 = arith.muli %arg1, %mul3A_54 : i32
    %add3A_56 = arith.constant 1568 : i32
    %add3A_57 = arith.addi %mul3A_55, %add3A_56 : i32
    "tpu.region"() ({
      %run_scoped3A_96 = tpu.sem_alloc : memref<!tpu.dma_semaphore, #tpu.memory_space<semaphore_mem>>
      %dma_start3A = arith.constant 0 : i32
      %dma_start3A_97 = arith.constant 0 : i32
      %dma_start3A_98 = tpu.memref_slice %arg8[%dma_start3A, %dma_start3A_97] : memref<1600x16xf32, #tpu.memory_space<vmem>> -> memref<1568x16xf32, #tpu.memory_space<vmem>>
      %dma_start3A_99 = arith.constant 0 : i32
      %dma_start3A_100 = tpu.memref_slice %arg9[%add3A_57, %dma_start3A_99] : memref<100352x16xf32, #tpu.memory_space<vmem_shared>> -> memref<1568x16xf32, #tpu.memory_space<vmem_shared>>
      %dma_start3A_101 = arith.constant 0 : i32
      %dma_start3A_102 = arith.constant 0 : i32
      %dma_start3A_103 = tpu.memref_slice %arg8[%dma_start3A_101, %dma_start3A_102] : memref<1600x16xf32, #tpu.memory_space<vmem>> -> memref<1568x16xf32, #tpu.memory_space<vmem>>
      %dma_start3A_104 = arith.constant 0 : i32
      %dma_start3A_105 = tpu.memref_slice %arg9[%add3A_57, %dma_start3A_104] : memref<100352x16xf32, #tpu.memory_space<vmem_shared>> -> memref<1568x16xf32, #tpu.memory_space<vmem_shared>>
      tpu.enqueue_dma source(%dma_start3A_105 : memref<1568x16xf32, #tpu.memory_space<vmem_shared>>) target(%dma_start3A_103 : memref<1568x16xf32, #tpu.memory_space<vmem>>) target_semaphore(%run_scoped3A_96 : memref<!tpu.dma_semaphore, #tpu.memory_space<semaphore_mem>>)
      %dma_wait3A = arith.constant 0 : i32
      %dma_wait3A_106 = arith.constant 0 : i32
      %dma_wait3A_107 = tpu.memref_slice %arg8[%dma_wait3A, %dma_wait3A_106] : memref<1600x16xf32, #tpu.memory_space<vmem>> -> memref<1568x16xf32, #tpu.memory_space<vmem>>
      %dma_wait3A_108 = arith.constant 0 : i32
      %dma_wait3A_109 = tpu.memref_slice %arg9[%add3A_57, %dma_wait3A_108] : memref<100352x16xf32, #tpu.memory_space<vmem_shared>> -> memref<1568x16xf32, #tpu.memory_space<vmem_shared>>
      %dma_wait3A_110 = arith.constant 0 : i32
      %dma_wait3A_111 = arith.constant 0 : i32
      %dma_wait3A_112 = tpu.memref_slice %arg8[%dma_wait3A_110, %dma_wait3A_111] : memref<1600x16xf32, #tpu.memory_space<vmem>> -> memref<1568x16xf32, #tpu.memory_space<vmem>>
      %dma_wait3A_113 = arith.constant 0 : i32
      %dma_wait3A_114 = tpu.memref_slice %arg9[%add3A_57, %dma_wait3A_113] : memref<100352x16xf32, #tpu.memory_space<vmem_shared>> -> memref<1568x16xf32, #tpu.memory_space<vmem_shared>>
      tpu.wait_dma2 semaphore(%run_scoped3A_96 : memref<!tpu.dma_semaphore, #tpu.memory_space<semaphore_mem>>) src(%dma_wait3A_114 : memref<1568x16xf32, #tpu.memory_space<vmem_shared>>) dst(%dma_wait3A_112 : memref<1568x16xf32, #tpu.memory_space<vmem>>)
      tpu.yield
    }) : () -> ()
    %eq3A_58 = arith.constant 0 : i32
    %eq3A_59 = arith.cmpi eq, %arg0, %eq3A_58 : i32
    %convert_element_type3A_60 = arith.extui %eq3A_59 : i1 to i32
    %cond3A_61 = arith.constant 0 : i32
    %cond3A_62 = arith.cmpi ne, %convert_element_type3A_60, %cond3A_61 : i32
    scf.if %cond3A_62 {
      %mul3A_96 = arith.constant 6272 : i32
      %mul3A_97 = arith.muli %arg1, %mul3A_96 : i32
      %add3A_98 = arith.constant 1568 : i32
      %add3A_99 = arith.addi %mul3A_97, %add3A_98 : i32
      "tpu.region"() ({
        %run_scoped3A_100 = tpu.sem_alloc : memref<!tpu.dma_semaphore, #tpu.memory_space<semaphore_mem>>
        %dma_start3A = arith.constant 0 : i32
        %dma_start3A_101 = arith.constant 0 : i32
        %dma_start3A_102 = tpu.memref_slice %arg8[%dma_start3A, %dma_start3A_101] : memref<1600x16xf32, #tpu.memory_space<vmem>> -> memref<1568x16xf32, #tpu.memory_space<vmem>>
        %dma_start3A_103 = arith.constant 0 : i32
        %dma_start3A_104 = tpu.memref_slice %arg4[%add3A_99, %dma_start3A_103] : memref<100352x16xf32, #tpu.memory_space<hbm>> -> memref<1568x16xf32, #tpu.memory_space<hbm>>
        %dma_start3A_105 = arith.constant 0 : i32
        %dma_start3A_106 = tpu.memref_slice %arg4[%add3A_99, %dma_start3A_105] : memref<100352x16xf32, #tpu.memory_space<hbm>> -> memref<1568x16xf32, #tpu.memory_space<hbm>>
        %dma_start3A_107 = arith.constant 0 : i32
        %dma_start3A_108 = arith.constant 0 : i32
        %dma_start3A_109 = tpu.memref_slice %arg8[%dma_start3A_107, %dma_start3A_108] : memref<1600x16xf32, #tpu.memory_space<vmem>> -> memref<1568x16xf32, #tpu.memory_space<vmem>>
        tpu.enqueue_dma source(%dma_start3A_109 : memref<1568x16xf32, #tpu.memory_space<vmem>>) target(%dma_start3A_106 : memref<1568x16xf32, #tpu.memory_space<hbm>>) target_semaphore(%run_scoped3A_100 : memref<!tpu.dma_semaphore, #tpu.memory_space<semaphore_mem>>)
        %dma_wait3A = arith.constant 0 : i32
        %dma_wait3A_110 = arith.constant 0 : i32
        %dma_wait3A_111 = tpu.memref_slice %arg8[%dma_wait3A, %dma_wait3A_110] : memref<1600x16xf32, #tpu.memory_space<vmem>> -> memref<1568x16xf32, #tpu.memory_space<vmem>>
        %dma_wait3A_112 = arith.constant 0 : i32
        %dma_wait3A_113 = tpu.memref_slice %arg4[%add3A_99, %dma_wait3A_112] : memref<100352x16xf32, #tpu.memory_space<hbm>> -> memref<1568x16xf32, #tpu.memory_space<hbm>>
        %dma_wait3A_114 = arith.constant 0 : i32
        %dma_wait3A_115 = tpu.memref_slice %arg4[%add3A_99, %dma_wait3A_114] : memref<100352x16xf32, #tpu.memory_space<hbm>> -> memref<1568x16xf32, #tpu.memory_space<hbm>>
        %dma_wait3A_116 = arith.constant 0 : i32
        %dma_wait3A_117 = arith.constant 0 : i32
        %dma_wait3A_118 = tpu.memref_slice %arg8[%dma_wait3A_116, %dma_wait3A_117] : memref<1600x16xf32, #tpu.memory_space<vmem>> -> memref<1568x16xf32, #tpu.memory_space<vmem>>
        tpu.wait_dma2 semaphore(%run_scoped3A_100 : memref<!tpu.dma_semaphore, #tpu.memory_space<semaphore_mem>>) src(%dma_wait3A_118 : memref<1568x16xf32, #tpu.memory_space<vmem>>) dst(%dma_wait3A_115 : memref<1568x16xf32, #tpu.memory_space<hbm>>)
        tpu.yield
      }) : () -> ()
    } else {
    }
    %eq3A_63 = arith.constant 1 : i32
    %eq3A_64 = arith.cmpi eq, %arg0, %eq3A_63 : i32
    %convert_element_type3A_65 = arith.extui %eq3A_64 : i1 to i32
    %cond3A_66 = arith.constant 0 : i32
    %cond3A_67 = arith.cmpi ne, %convert_element_type3A_65, %cond3A_66 : i32
    scf.if %cond3A_67 {
      %mul3A_96 = arith.constant 6272 : i32
      %mul3A_97 = arith.muli %arg1, %mul3A_96 : i32
      %add3A_98 = arith.constant 1568 : i32
      %add3A_99 = arith.addi %mul3A_97, %add3A_98 : i32
      "tpu.region"() ({
        %run_scoped3A_100 = tpu.sem_alloc : memref<!tpu.dma_semaphore, #tpu.memory_space<semaphore_mem>>
        %dma_start3A = arith.constant 0 : i32
        %dma_start3A_101 = arith.constant 0 : i32
        %dma_start3A_102 = tpu.memref_slice %arg8[%dma_start3A, %dma_start3A_101] : memref<1600x16xf32, #tpu.memory_space<vmem>> -> memref<1568x16xf32, #tpu.memory_space<vmem>>
        %dma_start3A_103 = arith.constant 0 : i32
        %dma_start3A_104 = tpu.memref_slice %arg5[%add3A_99, %dma_start3A_103] : memref<100352x16xf32, #tpu.memory_space<hbm>> -> memref<1568x16xf32, #tpu.memory_space<hbm>>
        %dma_start3A_105 = arith.constant 0 : i32
        %dma_start3A_106 = tpu.memref_slice %arg5[%add3A_99, %dma_start3A_105] : memref<100352x16xf32, #tpu.memory_space<hbm>> -> memref<1568x16xf32, #tpu.memory_space<hbm>>
        %dma_start3A_107 = arith.constant 0 : i32
        %dma_start3A_108 = arith.constant 0 : i32
        %dma_start3A_109 = tpu.memref_slice %arg8[%dma_start3A_107, %dma_start3A_108] : memref<1600x16xf32, #tpu.memory_space<vmem>> -> memref<1568x16xf32, #tpu.memory_space<vmem>>
        tpu.enqueue_dma source(%dma_start3A_109 : memref<1568x16xf32, #tpu.memory_space<vmem>>) target(%dma_start3A_106 : memref<1568x16xf32, #tpu.memory_space<hbm>>) target_semaphore(%run_scoped3A_100 : memref<!tpu.dma_semaphore, #tpu.memory_space<semaphore_mem>>)
        %dma_wait3A = arith.constant 0 : i32
        %dma_wait3A_110 = arith.constant 0 : i32
        %dma_wait3A_111 = tpu.memref_slice %arg8[%dma_wait3A, %dma_wait3A_110] : memref<1600x16xf32, #tpu.memory_space<vmem>> -> memref<1568x16xf32, #tpu.memory_space<vmem>>
        %dma_wait3A_112 = arith.constant 0 : i32
        %dma_wait3A_113 = tpu.memref_slice %arg5[%add3A_99, %dma_wait3A_112] : memref<100352x16xf32, #tpu.memory_space<hbm>> -> memref<1568x16xf32, #tpu.memory_space<hbm>>
        %dma_wait3A_114 = arith.constant 0 : i32
        %dma_wait3A_115 = tpu.memref_slice %arg5[%add3A_99, %dma_wait3A_114] : memref<100352x16xf32, #tpu.memory_space<hbm>> -> memref<1568x16xf32, #tpu.memory_space<hbm>>
        %dma_wait3A_116 = arith.constant 0 : i32
        %dma_wait3A_117 = arith.constant 0 : i32
        %dma_wait3A_118 = tpu.memref_slice %arg8[%dma_wait3A_116, %dma_wait3A_117] : memref<1600x16xf32, #tpu.memory_space<vmem>> -> memref<1568x16xf32, #tpu.memory_space<vmem>>
        tpu.wait_dma2 semaphore(%run_scoped3A_100 : memref<!tpu.dma_semaphore, #tpu.memory_space<semaphore_mem>>) src(%dma_wait3A_118 : memref<1568x16xf32, #tpu.memory_space<vmem>>) dst(%dma_wait3A_115 : memref<1568x16xf32, #tpu.memory_space<hbm>>)
        tpu.yield
      }) : () -> ()
    } else {
    }
    %mul3A_68 = arith.constant 6272 : i32
    %mul3A_69 = arith.muli %arg1, %mul3A_68 : i32
    %add3A_70 = arith.constant 3136 : i32
    %add3A_71 = arith.addi %mul3A_69, %add3A_70 : i32
    "tpu.region"() ({
      %run_scoped3A_96 = tpu.sem_alloc : memref<!tpu.dma_semaphore, #tpu.memory_space<semaphore_mem>>
      %dma_start3A = arith.constant 0 : i32
      %dma_start3A_97 = arith.constant 0 : i32
      %dma_start3A_98 = tpu.memref_slice %arg8[%dma_start3A, %dma_start3A_97] : memref<1600x16xf32, #tpu.memory_space<vmem>> -> memref<1568x16xf32, #tpu.memory_space<vmem>>
      %dma_start3A_99 = arith.constant 0 : i32
      %dma_start3A_100 = tpu.memref_slice %arg9[%add3A_71, %dma_start3A_99] : memref<100352x16xf32, #tpu.memory_space<vmem_shared>> -> memref<1568x16xf32, #tpu.memory_space<vmem_shared>>
      %dma_start3A_101 = arith.constant 0 : i32
      %dma_start3A_102 = arith.constant 0 : i32
      %dma_start3A_103 = tpu.memref_slice %arg8[%dma_start3A_101, %dma_start3A_102] : memref<1600x16xf32, #tpu.memory_space<vmem>> -> memref<1568x16xf32, #tpu.memory_space<vmem>>
      %dma_start3A_104 = arith.constant 0 : i32
      %dma_start3A_105 = tpu.memref_slice %arg9[%add3A_71, %dma_start3A_104] : memref<100352x16xf32, #tpu.memory_space<vmem_shared>> -> memref<1568x16xf32, #tpu.memory_space<vmem_shared>>
      tpu.enqueue_dma source(%dma_start3A_105 : memref<1568x16xf32, #tpu.memory_space<vmem_shared>>) target(%dma_start3A_103 : memref<1568x16xf32, #tpu.memory_space<vmem>>) target_semaphore(%run_scoped3A_96 : memref<!tpu.dma_semaphore, #tpu.memory_space<semaphore_mem>>)
      %dma_wait3A = arith.constant 0 : i32
      %dma_wait3A_106 = arith.constant 0 : i32
      %dma_wait3A_107 = tpu.memref_slice %arg8[%dma_wait3A, %dma_wait3A_106] : memref<1600x16xf32, #tpu.memory_space<vmem>> -> memref<1568x16xf32, #tpu.memory_space<vmem>>
      %dma_wait3A_108 = arith.constant 0 : i32
      %dma_wait3A_109 = tpu.memref_slice %arg9[%add3A_71, %dma_wait3A_108] : memref<100352x16xf32, #tpu.memory_space<vmem_shared>> -> memref<1568x16xf32, #tpu.memory_space<vmem_shared>>
      %dma_wait3A_110 = arith.constant 0 : i32
      %dma_wait3A_111 = arith.constant 0 : i32
      %dma_wait3A_112 = tpu.memref_slice %arg8[%dma_wait3A_110, %dma_wait3A_111] : memref<1600x16xf32, #tpu.memory_space<vmem>> -> memref<1568x16xf32, #tpu.memory_space<vmem>>
      %dma_wait3A_113 = arith.constant 0 : i32
      %dma_wait3A_114 = tpu.memref_slice %arg9[%add3A_71, %dma_wait3A_113] : memref<100352x16xf32, #tpu.memory_space<vmem_shared>> -> memref<1568x16xf32, #tpu.memory_space<vmem_shared>>
      tpu.wait_dma2 semaphore(%run_scoped3A_96 : memref<!tpu.dma_semaphore, #tpu.memory_space<semaphore_mem>>) src(%dma_wait3A_114 : memref<1568x16xf32, #tpu.memory_space<vmem_shared>>) dst(%dma_wait3A_112 : memref<1568x16xf32, #tpu.memory_space<vmem>>)
      tpu.yield
    }) : () -> ()
    %eq3A_72 = arith.constant 0 : i32
    %eq3A_73 = arith.cmpi eq, %arg0, %eq3A_72 : i32
    %convert_element_type3A_74 = arith.extui %eq3A_73 : i1 to i32
    %cond3A_75 = arith.constant 0 : i32
    %cond3A_76 = arith.cmpi ne, %convert_element_type3A_74, %cond3A_75 : i32
    scf.if %cond3A_76 {
      %mul3A_96 = arith.constant 6272 : i32
      %mul3A_97 = arith.muli %arg1, %mul3A_96 : i32
      %add3A_98 = arith.constant 3136 : i32
      %add3A_99 = arith.addi %mul3A_97, %add3A_98 : i32
      "tpu.region"() ({
        %run_scoped3A_100 = tpu.sem_alloc : memref<!tpu.dma_semaphore, #tpu.memory_space<semaphore_mem>>
        %dma_start3A = arith.constant 0 : i32
        %dma_start3A_101 = arith.constant 0 : i32
        %dma_start3A_102 = tpu.memref_slice %arg8[%dma_start3A, %dma_start3A_101] : memref<1600x16xf32, #tpu.memory_space<vmem>> -> memref<1568x16xf32, #tpu.memory_space<vmem>>
        %dma_start3A_103 = arith.constant 0 : i32
        %dma_start3A_104 = tpu.memref_slice %arg4[%add3A_99, %dma_start3A_103] : memref<100352x16xf32, #tpu.memory_space<hbm>> -> memref<1568x16xf32, #tpu.memory_space<hbm>>
        %dma_start3A_105 = arith.constant 0 : i32
        %dma_start3A_106 = tpu.memref_slice %arg4[%add3A_99, %dma_start3A_105] : memref<100352x16xf32, #tpu.memory_space<hbm>> -> memref<1568x16xf32, #tpu.memory_space<hbm>>
        %dma_start3A_107 = arith.constant 0 : i32
        %dma_start3A_108 = arith.constant 0 : i32
        %dma_start3A_109 = tpu.memref_slice %arg8[%dma_start3A_107, %dma_start3A_108] : memref<1600x16xf32, #tpu.memory_space<vmem>> -> memref<1568x16xf32, #tpu.memory_space<vmem>>
        tpu.enqueue_dma source(%dma_start3A_109 : memref<1568x16xf32, #tpu.memory_space<vmem>>) target(%dma_start3A_106 : memref<1568x16xf32, #tpu.memory_space<hbm>>) target_semaphore(%run_scoped3A_100 : memref<!tpu.dma_semaphore, #tpu.memory_space<semaphore_mem>>)
        %dma_wait3A = arith.constant 0 : i32
        %dma_wait3A_110 = arith.constant 0 : i32
        %dma_wait3A_111 = tpu.memref_slice %arg8[%dma_wait3A, %dma_wait3A_110] : memref<1600x16xf32, #tpu.memory_space<vmem>> -> memref<1568x16xf32, #tpu.memory_space<vmem>>
        %dma_wait3A_112 = arith.constant 0 : i32
        %dma_wait3A_113 = tpu.memref_slice %arg4[%add3A_99, %dma_wait3A_112] : memref<100352x16xf32, #tpu.memory_space<hbm>> -> memref<1568x16xf32, #tpu.memory_space<hbm>>
        %dma_wait3A_114 = arith.constant 0 : i32
        %dma_wait3A_115 = tpu.memref_slice %arg4[%add3A_99, %dma_wait3A_114] : memref<100352x16xf32, #tpu.memory_space<hbm>> -> memref<1568x16xf32, #tpu.memory_space<hbm>>
        %dma_wait3A_116 = arith.constant 0 : i32
        %dma_wait3A_117 = arith.constant 0 : i32
        %dma_wait3A_118 = tpu.memref_slice %arg8[%dma_wait3A_116, %dma_wait3A_117] : memref<1600x16xf32, #tpu.memory_space<vmem>> -> memref<1568x16xf32, #tpu.memory_space<vmem>>
        tpu.wait_dma2 semaphore(%run_scoped3A_100 : memref<!tpu.dma_semaphore, #tpu.memory_space<semaphore_mem>>) src(%dma_wait3A_118 : memref<1568x16xf32, #tpu.memory_space<vmem>>) dst(%dma_wait3A_115 : memref<1568x16xf32, #tpu.memory_space<hbm>>)
        tpu.yield
      }) : () -> ()
    } else {
    }
    %eq3A_77 = arith.constant 1 : i32
    %eq3A_78 = arith.cmpi eq, %arg0, %eq3A_77 : i32
    %convert_element_type3A_79 = arith.extui %eq3A_78 : i1 to i32
    %cond3A_80 = arith.constant 0 : i32
    %cond3A_81 = arith.cmpi ne, %convert_element_type3A_79, %cond3A_80 : i32
    scf.if %cond3A_81 {
      %mul3A_96 = arith.constant 6272 : i32
      %mul3A_97 = arith.muli %arg1, %mul3A_96 : i32
      %add3A_98 = arith.constant 3136 : i32
      %add3A_99 = arith.addi %mul3A_97, %add3A_98 : i32
      "tpu.region"() ({
        %run_scoped3A_100 = tpu.sem_alloc : memref<!tpu.dma_semaphore, #tpu.memory_space<semaphore_mem>>
        %dma_start3A = arith.constant 0 : i32
        %dma_start3A_101 = arith.constant 0 : i32
        %dma_start3A_102 = tpu.memref_slice %arg8[%dma_start3A, %dma_start3A_101] : memref<1600x16xf32, #tpu.memory_space<vmem>> -> memref<1568x16xf32, #tpu.memory_space<vmem>>
        %dma_start3A_103 = arith.constant 0 : i32
        %dma_start3A_104 = tpu.memref_slice %arg5[%add3A_99, %dma_start3A_103] : memref<100352x16xf32, #tpu.memory_space<hbm>> -> memref<1568x16xf32, #tpu.memory_space<hbm>>
        %dma_start3A_105 = arith.constant 0 : i32
        %dma_start3A_106 = tpu.memref_slice %arg5[%add3A_99, %dma_start3A_105] : memref<100352x16xf32, #tpu.memory_space<hbm>> -> memref<1568x16xf32, #tpu.memory_space<hbm>>
        %dma_start3A_107 = arith.constant 0 : i32
        %dma_start3A_108 = arith.constant 0 : i32
        %dma_start3A_109 = tpu.memref_slice %arg8[%dma_start3A_107, %dma_start3A_108] : memref<1600x16xf32, #tpu.memory_space<vmem>> -> memref<1568x16xf32, #tpu.memory_space<vmem>>
        tpu.enqueue_dma source(%dma_start3A_109 : memref<1568x16xf32, #tpu.memory_space<vmem>>) target(%dma_start3A_106 : memref<1568x16xf32, #tpu.memory_space<hbm>>) target_semaphore(%run_scoped3A_100 : memref<!tpu.dma_semaphore, #tpu.memory_space<semaphore_mem>>)
        %dma_wait3A = arith.constant 0 : i32
        %dma_wait3A_110 = arith.constant 0 : i32
        %dma_wait3A_111 = tpu.memref_slice %arg8[%dma_wait3A, %dma_wait3A_110] : memref<1600x16xf32, #tpu.memory_space<vmem>> -> memref<1568x16xf32, #tpu.memory_space<vmem>>
        %dma_wait3A_112 = arith.constant 0 : i32
        %dma_wait3A_113 = tpu.memref_slice %arg5[%add3A_99, %dma_wait3A_112] : memref<100352x16xf32, #tpu.memory_space<hbm>> -> memref<1568x16xf32, #tpu.memory_space<hbm>>
        %dma_wait3A_114 = arith.constant 0 : i32
        %dma_wait3A_115 = tpu.memref_slice %arg5[%add3A_99, %dma_wait3A_114] : memref<100352x16xf32, #tpu.memory_space<hbm>> -> memref<1568x16xf32, #tpu.memory_space<hbm>>
        %dma_wait3A_116 = arith.constant 0 : i32
        %dma_wait3A_117 = arith.constant 0 : i32
        %dma_wait3A_118 = tpu.memref_slice %arg8[%dma_wait3A_116, %dma_wait3A_117] : memref<1600x16xf32, #tpu.memory_space<vmem>> -> memref<1568x16xf32, #tpu.memory_space<vmem>>
        tpu.wait_dma2 semaphore(%run_scoped3A_100 : memref<!tpu.dma_semaphore, #tpu.memory_space<semaphore_mem>>) src(%dma_wait3A_118 : memref<1568x16xf32, #tpu.memory_space<vmem>>) dst(%dma_wait3A_115 : memref<1568x16xf32, #tpu.memory_space<hbm>>)
        tpu.yield
      }) : () -> ()
    } else {
    }
    %mul3A_82 = arith.constant 6272 : i32
    %mul3A_83 = arith.muli %arg1, %mul3A_82 : i32
    %add3A_84 = arith.constant 4704 : i32
    %add3A_85 = arith.addi %mul3A_83, %add3A_84 : i32
    "tpu.region"() ({
      %run_scoped3A_96 = tpu.sem_alloc : memref<!tpu.dma_semaphore, #tpu.memory_space<semaphore_mem>>
      %dma_start3A = arith.constant 0 : i32
      %dma_start3A_97 = arith.constant 0 : i32
      %dma_start3A_98 = tpu.memref_slice %arg8[%dma_start3A, %dma_start3A_97] : memref<1600x16xf32, #tpu.memory_space<vmem>> -> memref<1568x16xf32, #tpu.memory_space<vmem>>
      %dma_start3A_99 = arith.constant 0 : i32
      %dma_start3A_100 = tpu.memref_slice %arg9[%add3A_85, %dma_start3A_99] : memref<100352x16xf32, #tpu.memory_space<vmem_shared>> -> memref<1568x16xf32, #tpu.memory_space<vmem_shared>>
      %dma_start3A_101 = arith.constant 0 : i32
      %dma_start3A_102 = arith.constant 0 : i32
      %dma_start3A_103 = tpu.memref_slice %arg8[%dma_start3A_101, %dma_start3A_102] : memref<1600x16xf32, #tpu.memory_space<vmem>> -> memref<1568x16xf32, #tpu.memory_space<vmem>>
      %dma_start3A_104 = arith.constant 0 : i32
      %dma_start3A_105 = tpu.memref_slice %arg9[%add3A_85, %dma_start3A_104] : memref<100352x16xf32, #tpu.memory_space<vmem_shared>> -> memref<1568x16xf32, #tpu.memory_space<vmem_shared>>
      tpu.enqueue_dma source(%dma_start3A_105 : memref<1568x16xf32, #tpu.memory_space<vmem_shared>>) target(%dma_start3A_103 : memref<1568x16xf32, #tpu.memory_space<vmem>>) target_semaphore(%run_scoped3A_96 : memref<!tpu.dma_semaphore, #tpu.memory_space<semaphore_mem>>)
      %dma_wait3A = arith.constant 0 : i32
      %dma_wait3A_106 = arith.constant 0 : i32
      %dma_wait3A_107 = tpu.memref_slice %arg8[%dma_wait3A, %dma_wait3A_106] : memref<1600x16xf32, #tpu.memory_space<vmem>> -> memref<1568x16xf32, #tpu.memory_space<vmem>>
      %dma_wait3A_108 = arith.constant 0 : i32
      %dma_wait3A_109 = tpu.memref_slice %arg9[%add3A_85, %dma_wait3A_108] : memref<100352x16xf32, #tpu.memory_space<vmem_shared>> -> memref<1568x16xf32, #tpu.memory_space<vmem_shared>>
      %dma_wait3A_110 = arith.constant 0 : i32
      %dma_wait3A_111 = arith.constant 0 : i32
      %dma_wait3A_112 = tpu.memref_slice %arg8[%dma_wait3A_110, %dma_wait3A_111] : memref<1600x16xf32, #tpu.memory_space<vmem>> -> memref<1568x16xf32, #tpu.memory_space<vmem>>
      %dma_wait3A_113 = arith.constant 0 : i32
      %dma_wait3A_114 = tpu.memref_slice %arg9[%add3A_85, %dma_wait3A_113] : memref<100352x16xf32, #tpu.memory_space<vmem_shared>> -> memref<1568x16xf32, #tpu.memory_space<vmem_shared>>
      tpu.wait_dma2 semaphore(%run_scoped3A_96 : memref<!tpu.dma_semaphore, #tpu.memory_space<semaphore_mem>>) src(%dma_wait3A_114 : memref<1568x16xf32, #tpu.memory_space<vmem_shared>>) dst(%dma_wait3A_112 : memref<1568x16xf32, #tpu.memory_space<vmem>>)
      tpu.yield
    }) : () -> ()
    %eq3A_86 = arith.constant 0 : i32
    %eq3A_87 = arith.cmpi eq, %arg0, %eq3A_86 : i32
    %convert_element_type3A_88 = arith.extui %eq3A_87 : i1 to i32
    %cond3A_89 = arith.constant 0 : i32
    %cond3A_90 = arith.cmpi ne, %convert_element_type3A_88, %cond3A_89 : i32
    scf.if %cond3A_90 {
      %mul3A_96 = arith.constant 6272 : i32
      %mul3A_97 = arith.muli %arg1, %mul3A_96 : i32
      %add3A_98 = arith.constant 4704 : i32
      %add3A_99 = arith.addi %mul3A_97, %add3A_98 : i32
      "tpu.region"() ({
        %run_scoped3A_100 = tpu.sem_alloc : memref<!tpu.dma_semaphore, #tpu.memory_space<semaphore_mem>>
        %dma_start3A = arith.constant 0 : i32
        %dma_start3A_101 = arith.constant 0 : i32
        %dma_start3A_102 = tpu.memref_slice %arg8[%dma_start3A, %dma_start3A_101] : memref<1600x16xf32, #tpu.memory_space<vmem>> -> memref<1568x16xf32, #tpu.memory_space<vmem>>
        %dma_start3A_103 = arith.constant 0 : i32
        %dma_start3A_104 = tpu.memref_slice %arg4[%add3A_99, %dma_start3A_103] : memref<100352x16xf32, #tpu.memory_space<hbm>> -> memref<1568x16xf32, #tpu.memory_space<hbm>>
        %dma_start3A_105 = arith.constant 0 : i32
        %dma_start3A_106 = tpu.memref_slice %arg4[%add3A_99, %dma_start3A_105] : memref<100352x16xf32, #tpu.memory_space<hbm>> -> memref<1568x16xf32, #tpu.memory_space<hbm>>
        %dma_start3A_107 = arith.constant 0 : i32
        %dma_start3A_108 = arith.constant 0 : i32
        %dma_start3A_109 = tpu.memref_slice %arg8[%dma_start3A_107, %dma_start3A_108] : memref<1600x16xf32, #tpu.memory_space<vmem>> -> memref<1568x16xf32, #tpu.memory_space<vmem>>
        tpu.enqueue_dma source(%dma_start3A_109 : memref<1568x16xf32, #tpu.memory_space<vmem>>) target(%dma_start3A_106 : memref<1568x16xf32, #tpu.memory_space<hbm>>) target_semaphore(%run_scoped3A_100 : memref<!tpu.dma_semaphore, #tpu.memory_space<semaphore_mem>>)
        %dma_wait3A = arith.constant 0 : i32
        %dma_wait3A_110 = arith.constant 0 : i32
        %dma_wait3A_111 = tpu.memref_slice %arg8[%dma_wait3A, %dma_wait3A_110] : memref<1600x16xf32, #tpu.memory_space<vmem>> -> memref<1568x16xf32, #tpu.memory_space<vmem>>
        %dma_wait3A_112 = arith.constant 0 : i32
        %dma_wait3A_113 = tpu.memref_slice %arg4[%add3A_99, %dma_wait3A_112] : memref<100352x16xf32, #tpu.memory_space<hbm>> -> memref<1568x16xf32, #tpu.memory_space<hbm>>
        %dma_wait3A_114 = arith.constant 0 : i32
        %dma_wait3A_115 = tpu.memref_slice %arg4[%add3A_99, %dma_wait3A_114] : memref<100352x16xf32, #tpu.memory_space<hbm>> -> memref<1568x16xf32, #tpu.memory_space<hbm>>
        %dma_wait3A_116 = arith.constant 0 : i32
        %dma_wait3A_117 = arith.constant 0 : i32
        %dma_wait3A_118 = tpu.memref_slice %arg8[%dma_wait3A_116, %dma_wait3A_117] : memref<1600x16xf32, #tpu.memory_space<vmem>> -> memref<1568x16xf32, #tpu.memory_space<vmem>>
        tpu.wait_dma2 semaphore(%run_scoped3A_100 : memref<!tpu.dma_semaphore, #tpu.memory_space<semaphore_mem>>) src(%dma_wait3A_118 : memref<1568x16xf32, #tpu.memory_space<vmem>>) dst(%dma_wait3A_115 : memref<1568x16xf32, #tpu.memory_space<hbm>>)
        tpu.yield
      }) : () -> ()
    } else {
    }
    %eq3A_91 = arith.constant 1 : i32
    %eq3A_92 = arith.cmpi eq, %arg0, %eq3A_91 : i32
    %convert_element_type3A_93 = arith.extui %eq3A_92 : i1 to i32
    %cond3A_94 = arith.constant 0 : i32
    %cond3A_95 = arith.cmpi ne, %convert_element_type3A_93, %cond3A_94 : i32
    scf.if %cond3A_95 {
      %mul3A_96 = arith.constant 6272 : i32
      %mul3A_97 = arith.muli %arg1, %mul3A_96 : i32
      %add3A_98 = arith.constant 4704 : i32
      %add3A_99 = arith.addi %mul3A_97, %add3A_98 : i32
      "tpu.region"() ({
        %run_scoped3A_100 = tpu.sem_alloc : memref<!tpu.dma_semaphore, #tpu.memory_space<semaphore_mem>>
        %dma_start3A = arith.constant 0 : i32
        %dma_start3A_101 = arith.constant 0 : i32
        %dma_start3A_102 = tpu.memref_slice %arg8[%dma_start3A, %dma_start3A_101] : memref<1600x16xf32, #tpu.memory_space<vmem>> -> memref<1568x16xf32, #tpu.memory_space<vmem>>
        %dma_start3A_103 = arith.constant 0 : i32
        %dma_start3A_104 = tpu.memref_slice %arg5[%add3A_99, %dma_start3A_103] : memref<100352x16xf32, #tpu.memory_space<hbm>> -> memref<1568x16xf32, #tpu.memory_space<hbm>>
        %dma_start3A_105 = arith.constant 0 : i32
        %dma_start3A_106 = tpu.memref_slice %arg5[%add3A_99, %dma_start3A_105] : memref<100352x16xf32, #tpu.memory_space<hbm>> -> memref<1568x16xf32, #tpu.memory_space<hbm>>
        %dma_start3A_107 = arith.constant 0 : i32
        %dma_start3A_108 = arith.constant 0 : i32
        %dma_start3A_109 = tpu.memref_slice %arg8[%dma_start3A_107, %dma_start3A_108] : memref<1600x16xf32, #tpu.memory_space<vmem>> -> memref<1568x16xf32, #tpu.memory_space<vmem>>
        tpu.enqueue_dma source(%dma_start3A_109 : memref<1568x16xf32, #tpu.memory_space<vmem>>) target(%dma_start3A_106 : memref<1568x16xf32, #tpu.memory_space<hbm>>) target_semaphore(%run_scoped3A_100 : memref<!tpu.dma_semaphore, #tpu.memory_space<semaphore_mem>>)
        %dma_wait3A = arith.constant 0 : i32
        %dma_wait3A_110 = arith.constant 0 : i32
        %dma_wait3A_111 = tpu.memref_slice %arg8[%dma_wait3A, %dma_wait3A_110] : memref<1600x16xf32, #tpu.memory_space<vmem>> -> memref<1568x16xf32, #tpu.memory_space<vmem>>
        %dma_wait3A_112 = arith.constant 0 : i32
        %dma_wait3A_113 = tpu.memref_slice %arg5[%add3A_99, %dma_wait3A_112] : memref<100352x16xf32, #tpu.memory_space<hbm>> -> memref<1568x16xf32, #tpu.memory_space<hbm>>
        %dma_wait3A_114 = arith.constant 0 : i32
        %dma_wait3A_115 = tpu.memref_slice %arg5[%add3A_99, %dma_wait3A_114] : memref<100352x16xf32, #tpu.memory_space<hbm>> -> memref<1568x16xf32, #tpu.memory_space<hbm>>
        %dma_wait3A_116 = arith.constant 0 : i32
        %dma_wait3A_117 = arith.constant 0 : i32
        %dma_wait3A_118 = tpu.memref_slice %arg8[%dma_wait3A_116, %dma_wait3A_117] : memref<1600x16xf32, #tpu.memory_space<vmem>> -> memref<1568x16xf32, #tpu.memory_space<vmem>>
        tpu.wait_dma2 semaphore(%run_scoped3A_100 : memref<!tpu.dma_semaphore, #tpu.memory_space<semaphore_mem>>) src(%dma_wait3A_118 : memref<1568x16xf32, #tpu.memory_space<vmem>>) dst(%dma_wait3A_115 : memref<1568x16xf32, #tpu.memory_space<hbm>>)
        tpu.yield
      }) : () -> ()
    } else {
    }
    return
  }
}

module attributes {stable_mosaic.version = 14 : i64} {
  func.func @body(%arg0: i32, %arg1: memref<1024x40xf32, #tpu.memory_space<vmem>>, %arg2: memref<40x128xf32, #tpu.memory_space<vmem>>, %arg3: memref<1x128xf32, #tpu.memory_space<vmem>>, %arg4: memref<128x128xf32, #tpu.memory_space<vmem>>, %arg5: memref<1024x128xf32, #tpu.memory_space<vmem>>) attributes {dimension_semantics = [#tpu.dimension_semantics<arbitrary>], iteration_bounds = array<i64: 13>, scalar_prefetch = 0 : i64, scratch_operands = 0 : i64, tpu.core_type = #tpu.core_type<tc>, window_params = [{transform_indices = @transform_0, window_bounds = array<i64: 1024, 40>}, {pipeline_mode = #tpu.pipeline_mode<synchronous>, transform_indices = @transform_1, window_bounds = array<i64: 40, 128>}, {pipeline_mode = #tpu.pipeline_mode<synchronous>, transform_indices = @transform_2, window_bounds = array<i64: 1, 128>}, {pipeline_mode = #tpu.pipeline_mode<synchronous>, transform_indices = @transform_3, window_bounds = array<i64: 128, 128>}, {transform_indices = @transform_4, window_bounds = array<i64: 1024, 128>}]} {
    %get3A = arith.constant 0 : index
    %get3A_0 = arith.constant 0 : index
    %get3A_1 = vector.load %arg1[%get3A, %get3A_0] : memref<1024x40xf32, #tpu.memory_space<vmem>>, vector<1024x40xf32>
    %get3A_2 = arith.constant 0 : index
    %get3A_3 = arith.constant 0 : index
    %get3A_4 = vector.load %arg2[%get3A_2, %get3A_3] : memref<40x128xf32, #tpu.memory_space<vmem>>, vector<40x128xf32>
    %dot_general3A = arith.constant dense<0.000000e+00> : vector<1024x128xf32>
    %dot_general3A_5 = tpu.matmul %get3A_1, %get3A_4, %dot_general3A {dimension_numbers = #tpu.dot_dimension_numbers<[1], [0], [0], [1], [0, 0, 1, 1], [], []>, precision = #tpu.contract_precision<fp32>, transpose_lhs_hint = false} : vector<1024x40xf32>, vector<40x128xf32>, vector<1024x128xf32> -> vector<1024x128xf32>
    %get3A_6 = arith.constant 0 : index
    %get3A_7 = arith.constant 0 : index
    %get3A_8 = vector.load %arg3[%get3A_6, %get3A_7] : memref<1x128xf32, #tpu.memory_space<vmem>>, vector<1x128xf32>
    %add3A = vector.broadcast %get3A_8 : vector<1x128xf32> to vector<1024x128xf32>
    %add3A_9 = arith.addf %dot_general3A_5, %add3A : vector<1024x128xf32>
    %tanh3A = math.tanh %add3A_9 : vector<1024x128xf32>
    %get3A_10 = arith.constant 0 : index
    %get3A_11 = arith.constant 0 : index
    %get3A_12 = vector.load %arg4[%get3A_10, %get3A_11] : memref<128x128xf32, #tpu.memory_space<vmem>>, vector<128x128xf32>
    %dot_general3A_13 = arith.constant dense<0.000000e+00> : vector<1024x128xf32>
    %dot_general3A_14 = tpu.matmul %tanh3A, %get3A_12, %dot_general3A_13 {dimension_numbers = #tpu.dot_dimension_numbers<[1], [0], [0], [1], [0, 0, 1, 1], [], []>, precision = #tpu.contract_precision<fp32>, transpose_lhs_hint = false} : vector<1024x128xf32>, vector<128x128xf32>, vector<1024x128xf32> -> vector<1024x128xf32>
    %swap3A = arith.constant 0 : index
    %swap3A_15 = arith.constant 0 : index
    %swap3A_16 = vector.load %arg5[%swap3A, %swap3A_15] : memref<1024x128xf32, #tpu.memory_space<vmem>>, vector<1024x128xf32>
    tpu.vector_store %arg5[%swap3A, %swap3A_15], %dot_general3A_14 {strides = array<i32>} : memref<1024x128xf32, #tpu.memory_space<vmem>>, vector<1024x128xf32>,
    return
  }
  func.func @transform_0(%arg0: i32) -> (i32, i32) {
    %c0_i32 = arith.constant 0 : i32
    %c0_i32_0 = arith.constant 0 : i32
    return %arg0, %c0_i32 : i32, i32
  }
  func.func @transform_1(%arg0: i32) -> (i32, i32) {
    %c0_i32 = arith.constant 0 : i32
    %c0_i32_0 = arith.constant 0 : i32
    %c0_i32_1 = arith.constant 0 : i32
    return %c0_i32, %c0_i32_0 : i32, i32
  }
  func.func @transform_2(%arg0: i32) -> (i32, i32) {
    %c0_i32 = arith.constant 0 : i32
    %c0_i32_0 = arith.constant 0 : i32
    %c0_i32_1 = arith.constant 0 : i32
    return %c0_i32, %c0_i32_0 : i32, i32
  }
  func.func @transform_3(%arg0: i32) -> (i32, i32) {
    %c0_i32 = arith.constant 0 : i32
    %c0_i32_0 = arith.constant 0 : i32
    %c0_i32_1 = arith.constant 0 : i32
    return %c0_i32, %c0_i32_0 : i32, i32
  }
  func.func @transform_4(%arg0: i32) -> (i32, i32) {
    %c0_i32 = arith.constant 0 : i32
    %c0_i32_0 = arith.constant 0 : i32
    return %arg0, %c0_i32 : i32, i32
  }
}

module attributes {stable_mosaic.version = 14 : i64} {
  func.func @body(%arg0: i32, %arg1: memref<1024x128xf32, #tpu.memory_space<vmem>>, %arg2: memref<2x1024x8xf32, #tpu.memory_space<vmem>>, %arg3: memref<8x128xf32, #tpu.memory_space<vmem>>, %arg4: memref<1024x128xf32, #tpu.memory_space<vmem>>) attributes {dimension_semantics = [#tpu.dimension_semantics<arbitrary>], iteration_bounds = array<i64: 13>, scalar_prefetch = 0 : i64, scratch_operands = 0 : i64, tpu.core_type = #tpu.core_type<tc>, window_params = [{transform_indices = @transform_0, window_bounds = array<i64: 1024, 128>}, {transform_indices = @transform_1, window_bounds = array<i64: 2, 1024, 8>}, {pipeline_mode = #tpu.pipeline_mode<synchronous>, transform_indices = @transform_2, window_bounds = array<i64: 8, 128>}, {transform_indices = @transform_3, window_bounds = array<i64: 1024, 128>}]} {
    %get3A = arith.constant 0 : index
    %get3A_0 = arith.constant 0 : index
    %get3A_1 = arith.constant 0 : index
    %get3A_2 = vector.load %arg2[%get3A, %get3A_0, %get3A_1] : memref<2x1024x8xf32, #tpu.memory_space<vmem>>, vector<1x1024x8xf32>
    %get3A_3 = vector.shape_cast %get3A_2 : vector<1x1024x8xf32> to vector<1024x8xf32>
    %get3A_4 = arith.constant 1 : index
    %get3A_5 = arith.constant 0 : index
    %get3A_6 = arith.constant 0 : index
    %get3A_7 = vector.load %arg2[%get3A_4, %get3A_5, %get3A_6] : memref<2x1024x8xf32, #tpu.memory_space<vmem>>, vector<1x1024x8xf32>
    %get3A_8 = vector.shape_cast %get3A_7 : vector<1x1024x8xf32> to vector<1024x8xf32>
    %add3A = arith.addf %get3A_3, %get3A_8 : vector<1024x8xf32>
    %add3A_9 = arith.constant 1.000000e+00 : f32
    %add3A_10 = vector.broadcast %add3A_9 : f32 to vector<1024x8xf32>
    %add3A_11 = arith.addf %add3A, %add3A_10 : vector<1024x8xf32>
    %rsqrt3A = math.rsqrt %add3A_11 : vector<1024x8xf32>
    %get3A_12 = arith.constant 0 : index
    %get3A_13 = arith.constant 0 : index
    %get3A_14 = vector.load %arg3[%get3A_12, %get3A_13] : memref<8x128xf32, #tpu.memory_space<vmem>>, vector<8x128xf32>
    %dot_general3A = arith.constant dense<0.000000e+00> : vector<1024x128xf32>
    %dot_general3A_15 = tpu.matmul %rsqrt3A, %get3A_14, %dot_general3A {dimension_numbers = #tpu.dot_dimension_numbers<[1], [0], [0], [1], [0, 0, 1, 1], [], []>, precision = #tpu.contract_precision<fp32>, transpose_lhs_hint = false} : vector<1024x8xf32>, vector<8x128xf32>, vector<1024x128xf32> -> vector<1024x128xf32>
    %get3A_16 = arith.constant 0 : index
    %get3A_17 = arith.constant 0 : index
    %get3A_18 = vector.load %arg1[%get3A_16, %get3A_17] : memref<1024x128xf32, #tpu.memory_space<vmem>>, vector<1024x128xf32>
    %mul3A = arith.mulf %get3A_18, %dot_general3A_15 : vector<1024x128xf32>
    %swap3A = arith.constant 0 : index
    %swap3A_19 = arith.constant 0 : index
    %swap3A_20 = vector.load %arg4[%swap3A, %swap3A_19] : memref<1024x128xf32, #tpu.memory_space<vmem>>, vector<1024x128xf32>
    tpu.vector_store %arg4[%swap3A, %swap3A_19], %mul3A {strides = array<i32>} : memref<1024x128xf32, #tpu.memory_space<vmem>>, vector<1024x128xf32>,
    return
  }
  func.func @transform_0(%arg0: i32) -> (i32, i32) {
    %c0_i32 = arith.constant 0 : i32
    %c0_i32_0 = arith.constant 0 : i32
    return %arg0, %c0_i32 : i32, i32
  }
  func.func @transform_1(%arg0: i32) -> (i32, i32, i32) {
    %c0_i32 = arith.constant 0 : i32
    %c0_i32_0 = arith.constant 0 : i32
    %c0_i32_1 = arith.constant 0 : i32
    return %c0_i32, %arg0, %c0_i32_0 : i32, i32, i32
  }
  func.func @transform_2(%arg0: i32) -> (i32, i32) {
    %c0_i32 = arith.constant 0 : i32
    %c0_i32_0 = arith.constant 0 : i32
    %c0_i32_1 = arith.constant 0 : i32
    return %c0_i32, %c0_i32_0 : i32, i32
  }
  func.func @transform_3(%arg0: i32) -> (i32, i32) {
    %c0_i32 = arith.constant 0 : i32
    %c0_i32_0 = arith.constant 0 : i32
    return %arg0, %c0_i32 : i32, i32
  }
}

module attributes {stable_mosaic.version = 14 : i64} {
  func.func @body(%arg0: i32, %arg1: memref<1024x128xf32, #tpu.memory_space<vmem>>, %arg2: memref<1024x128xf32, #tpu.memory_space<vmem>>, %arg3: memref<1024x128xf32, #tpu.memory_space<vmem>>, %arg4: memref<2x1024x8xf32, #tpu.memory_space<vmem>>, %arg5: memref<8x128xf32, #tpu.memory_space<vmem>>, %arg6: memref<128x8xf32, #tpu.memory_space<vmem>>, %arg7: memref<1x128xf32, #tpu.memory_space<vmem>>, %arg8: memref<1x8xf32, #tpu.memory_space<vmem>>, %arg9: memref<1024x8xf32, #tpu.memory_space<vmem>>) attributes {dimension_semantics = [#tpu.dimension_semantics<arbitrary>], iteration_bounds = array<i64: 13>, scalar_prefetch = 0 : i64, scratch_operands = 0 : i64, tpu.core_type = #tpu.core_type<tc>, window_params = [{transform_indices = @transform_0, window_bounds = array<i64: 1024, 128>}, {transform_indices = @transform_1, window_bounds = array<i64: 1024, 128>}, {transform_indices = @transform_2, window_bounds = array<i64: 1024, 128>}, {transform_indices = @transform_3, window_bounds = array<i64: 2, 1024, 8>}, {pipeline_mode = #tpu.pipeline_mode<synchronous>, transform_indices = @transform_4, window_bounds = array<i64: 8, 128>}, {pipeline_mode = #tpu.pipeline_mode<synchronous>, transform_indices = @transform_5, window_bounds = array<i64: 128, 8>}, {pipeline_mode = #tpu.pipeline_mode<synchronous>, transform_indices = @transform_6, window_bounds = array<i64: 1, 128>}, {pipeline_mode = #tpu.pipeline_mode<synchronous>, transform_indices = @transform_7, window_bounds = array<i64: 1, 8>}, {transform_indices = @transform_8, window_bounds = array<i64: 1024, 8>}]} {
    %get3A = arith.constant 0 : index
    %get3A_0 = arith.constant 0 : index
    %get3A_1 = vector.load %arg1[%get3A, %get3A_0] : memref<1024x128xf32, #tpu.memory_space<vmem>>, vector<1024x128xf32>
    %get3A_2 = arith.constant 0 : index
    %get3A_3 = arith.constant 0 : index
    %get3A_4 = vector.load %arg2[%get3A_2, %get3A_3] : memref<1024x128xf32, #tpu.memory_space<vmem>>, vector<1024x128xf32>
    %add3A = arith.addf %get3A_1, %get3A_4 : vector<1024x128xf32>
    %get3A_5 = arith.constant 0 : index
    %get3A_6 = arith.constant 0 : index
    %get3A_7 = vector.load %arg3[%get3A_5, %get3A_6] : memref<1024x128xf32, #tpu.memory_space<vmem>>, vector<1024x128xf32>
    %add3A_8 = arith.addf %add3A, %get3A_7 : vector<1024x128xf32>
    %get3A_9 = arith.constant 0 : index
    %get3A_10 = arith.constant 0 : index
    %get3A_11 = arith.constant 0 : index
    %get3A_12 = vector.load %arg4[%get3A_9, %get3A_10, %get3A_11] : memref<2x1024x8xf32, #tpu.memory_space<vmem>>, vector<1x1024x8xf32>
    %get3A_13 = vector.shape_cast %get3A_12 : vector<1x1024x8xf32> to vector<1024x8xf32>
    %get3A_14 = arith.constant 1 : index
    %get3A_15 = arith.constant 0 : index
    %get3A_16 = arith.constant 0 : index
    %get3A_17 = vector.load %arg4[%get3A_14, %get3A_15, %get3A_16] : memref<2x1024x8xf32, #tpu.memory_space<vmem>>, vector<1x1024x8xf32>
    %get3A_18 = vector.shape_cast %get3A_17 : vector<1x1024x8xf32> to vector<1024x8xf32>
    %add3A_19 = arith.addf %get3A_13, %get3A_18 : vector<1024x8xf32>
    %add3A_20 = arith.constant 1.000000e+00 : f32
    %add3A_21 = vector.broadcast %add3A_20 : f32 to vector<1024x8xf32>
    %add3A_22 = arith.addf %add3A_19, %add3A_21 : vector<1024x8xf32>
    %rsqrt3A = math.rsqrt %add3A_22 : vector<1024x8xf32>
    %get3A_23 = arith.constant 0 : index
    %get3A_24 = arith.constant 0 : index
    %get3A_25 = vector.load %arg5[%get3A_23, %get3A_24] : memref<8x128xf32, #tpu.memory_space<vmem>>, vector<8x128xf32>
    %dot_general3A = arith.constant dense<0.000000e+00> : vector<1024x128xf32>
    %dot_general3A_26 = tpu.matmul %rsqrt3A, %get3A_25, %dot_general3A {dimension_numbers = #tpu.dot_dimension_numbers<[1], [0], [0], [1], [0, 0, 1, 1], [], []>, precision = #tpu.contract_precision<fp32>, transpose_lhs_hint = false} : vector<1024x8xf32>, vector<8x128xf32>, vector<1024x128xf32> -> vector<1024x128xf32>
    %mul3A = arith.mulf %add3A_8, %dot_general3A_26 : vector<1024x128xf32>
    %get3A_27 = arith.constant 0 : index
    %get3A_28 = arith.constant 0 : index
    %get3A_29 = vector.load %arg7[%get3A_27, %get3A_28] : memref<1x128xf32, #tpu.memory_space<vmem>>, vector<1x128xf32>
    %add3A_30 = vector.broadcast %get3A_29 : vector<1x128xf32> to vector<1024x128xf32>
    %add3A_31 = arith.addf %mul3A, %add3A_30 : vector<1024x128xf32>
    %tanh3A = math.tanh %add3A_31 : vector<1024x128xf32>
    %get3A_32 = arith.constant 0 : index
    %get3A_33 = arith.constant 0 : index
    %get3A_34 = vector.load %arg6[%get3A_32, %get3A_33] : memref<128x8xf32, #tpu.memory_space<vmem>>, vector<128x8xf32>
    %dot_general3A_35 = arith.constant dense<0.000000e+00> : vector<1024x8xf32>
    %dot_general3A_36 = tpu.matmul %tanh3A, %get3A_34, %dot_general3A_35 {dimension_numbers = #tpu.dot_dimension_numbers<[1], [0], [0], [1], [0, 0, 1, 1], [], []>, precision = #tpu.contract_precision<fp32>, transpose_lhs_hint = false} : vector<1024x128xf32>, vector<128x8xf32>, vector<1024x8xf32> -> vector<1024x8xf32>
    %get3A_37 = arith.constant 0 : index
    %get3A_38 = arith.constant 0 : index
    %get3A_39 = vector.load %arg8[%get3A_37, %get3A_38] : memref<1x8xf32, #tpu.memory_space<vmem>>, vector<1x8xf32>
    %add3A_40 = vector.broadcast %get3A_39 : vector<1x8xf32> to vector<1024x8xf32>
    %add3A_41 = arith.addf %dot_general3A_36, %add3A_40 : vector<1024x8xf32>
    %swap3A = arith.constant 0 : index
    %swap3A_42 = arith.constant 0 : index
    %swap3A_43 = vector.load %arg9[%swap3A, %swap3A_42] : memref<1024x8xf32, #tpu.memory_space<vmem>>, vector<1024x8xf32>
    tpu.vector_store %arg9[%swap3A, %swap3A_42], %add3A_41 {strides = array<i32>} : memref<1024x8xf32, #tpu.memory_space<vmem>>, vector<1024x8xf32>,
    return
  }
  func.func @transform_0(%arg0: i32) -> (i32, i32) {
    %c0_i32 = arith.constant 0 : i32
    %c0_i32_0 = arith.constant 0 : i32
    return %arg0, %c0_i32 : i32, i32
  }
  func.func @transform_1(%arg0: i32) -> (i32, i32) {
    %c0_i32 = arith.constant 0 : i32
    %c0_i32_0 = arith.constant 0 : i32
    return %arg0, %c0_i32 : i32, i32
  }
  func.func @transform_2(%arg0: i32) -> (i32, i32) {
    %c0_i32 = arith.constant 0 : i32
    %c0_i32_0 = arith.constant 0 : i32
    return %arg0, %c0_i32 : i32, i32
  }
  func.func @transform_3(%arg0: i32) -> (i32, i32, i32) {
    %c0_i32 = arith.constant 0 : i32
    %c0_i32_0 = arith.constant 0 : i32
    %c0_i32_1 = arith.constant 0 : i32
    return %c0_i32, %arg0, %c0_i32_0 : i32, i32, i32
  }
  func.func @transform_4(%arg0: i32) -> (i32, i32) {
    %c0_i32 = arith.constant 0 : i32
    %c0_i32_0 = arith.constant 0 : i32
    %c0_i32_1 = arith.constant 0 : i32
    return %c0_i32, %c0_i32_0 : i32, i32
  }
  func.func @transform_5(%arg0: i32) -> (i32, i32) {
    %c0_i32 = arith.constant 0 : i32
    %c0_i32_0 = arith.constant 0 : i32
    %c0_i32_1 = arith.constant 0 : i32
    return %c0_i32, %c0_i32_0 : i32, i32
  }
  func.func @transform_6(%arg0: i32) -> (i32, i32) {
    %c0_i32 = arith.constant 0 : i32
    %c0_i32_0 = arith.constant 0 : i32
    %c0_i32_1 = arith.constant 0 : i32
    return %c0_i32, %c0_i32_0 : i32, i32
  }
  func.func @transform_7(%arg0: i32) -> (i32, i32) {
    %c0_i32 = arith.constant 0 : i32
    %c0_i32_0 = arith.constant 0 : i32
    %c0_i32_1 = arith.constant 0 : i32
    return %c0_i32, %c0_i32_0 : i32, i32
  }
  func.func @transform_8(%arg0: i32) -> (i32, i32) {
    %c0_i32 = arith.constant 0 : i32
    %c0_i32_0 = arith.constant 0 : i32
    return %arg0, %c0_i32 : i32, i32
  }
}

</mosaic_0001>

<sc_bundles>
// kernel: kernel.10.cloned.1.call-start
scs
__scs_entry_jumppad:
0x0: {  	(pc) =	sbr.rel $0x88, $3  }
0x1: {  	(tag) =	ssettag $0x0;
	lr =	simm.s32 $0x1  }
0x2: {  	[smem:$0x3F99] =	sst lr;
	_ =	strace $0xD0000000  }
0x3: {  	_ = 	snop  }
0x4: {  	_ = 	snop  }
0x5: {  	_ = 	snop  }
0x6: {  	_ = 	snop  }
0x7: {  	_ = 	snop  }
__scs_overlays_trampoline_lowered:
0x8: {  	[smem:$0x3FA8] =	sst s0  }
0x9: {  	[smem:$0x3FA9] =	sst s1  }
0xa: {  	[smem:$0x3FAA] =	sst s2  }
0xb: {  	[smem:$0x3FAB] =	sst s3  }
0xc: {  	[smem:$0x3FAC] =	sst s4  }
0xd: {  	[smem:$0x3FAD] =	sst s5  }
0xe: {  	[smem:$0x3FAE] =	sst s6  }
0xf: {  	[smem:$0x3FAF] =	sst s7  }
0x10: {  	[smem:$0x3FB0] =	sst s8  }
0x11: {  	[smem:$0x3FB1] =	sst s9;
	s0 =	simm.s32 @!p0 $0x0  }
0x12: {  	s1 =	sld [smem:$0x3F97];
	s0 =	simm.s32 @p0 $0x1  }
0x13: {  	[smem:$0x3FB2] =	sst s0;
	s0 =	simm.s32 @!p1 $0x0  }
0x14: {  	s2 =	sld [smem:$0x3F96];
	s0 =	simm.s32 @p1 $0x1  }
0x15: {  	[smem:$0x3FB3] =	sst s0;
	s0 =	simm.s32 @!p2 $0x0  }
0x16: {  	s3 =	sld [smem:$0x3FDB];
	s0 =	simm.s32 @p2 $0x1  }
0x17: {  	s4 =	simm.s32 $0x1BF5;
	[smem:$0x3FB5] =	sst s0  }
0x18: {  	s0 =	sld [smem:$0x3F98];
	_ =	swait.ge [sflag:s4], $0x0  }
0x19: {  	s7 =	sld [smem:$0x3F99]  }
0x1a: {  	s8 =	sadd.s32 $0xFFFFE003, lr  }
0x1b: {  	s9 =	sadd.s32 $0xFFFFFEF7, lr;
	s5 =	simm.s32 $0xFFFFFFFF;
	p2 =	slt.u32 s8, $0xFFFFF086  }
0x1c: {  	p1 =	slt.u32 s9, $0xF7A;
	s5 =	simm.s32 @!p2 $0x0  }
0x1d: {  	s5 =	simm.s32 @p1 $0x1;
	p0 =	seq.s32 s7, s2  }
0x1e: {  	s7 =	smul.u32 @!p0 $0xF7A, s2;
	p2 =	seq.s32 @!p0 s5, $0x0  }
0x1f: {  	s9 =	smul.u32 $0xF7A, s1;
	s8 =	simm.s32 @!p0 $0x1BF5;
	p2 =	por !p2, p0  }
0x20: {  	[sflag:s8] =	ssyncset.s32 @!p0 $0xFFFFF086;
	s6 =	sadd.s32 @!p0 s3, s7;
	s7 =	simm.s32 @!p0 $0x108  }
0x21: {  	s3 =	sadd.s32 s3, s9;
	s6 =	sadd.s32 @!p0 $0x88, s6;
	s7 =	simm.s32 @p2 $0x1082  }
0x22: {  	[simem:s7], [sflag:s8] =	dma.local @!p0 [hbm:s6], $0xF7A  }
0x23: {  	s9 =	sor.u32 $0xD0000000, s2;
	s6 =	simm.s32 $0x108;
	_ =	swait.ge @!p0 [sflag:s8], $0x0  }
0x24: {  	s3 =	sadd.s32 $0x88, s3;
	s6 =	simm.s32 @!p1 $0x1082;
	[sflag:s4] =	ssyncset.s32 $0xFFFFF086  }
0x25: {  	[simem:s6], [sflag:s4] =	dma.local [hbm:s3], $0xF7A  }
0x26: {  	[smem:$0x3F99] =	sst s1;
	(tag) =	ssettag s2;
	_ =	strace s9  }
0x27: {  	s1 =	sld [smem:$0x3FA9]  }
0x28: {  	s2 =	sld [smem:$0x3FAA]  }
0x29: {  	s4 =	sld [smem:$0x3FAC]  }
0x2a: {  	p0 =	seq.s32 s5, $0x0;
	s5 =	sld [smem:$0x3FAD]  }
0x2b: {  	s6 =	sld [smem:$0x3FAE]  }
0x2c: {  	s7 =	sld [smem:$0x3FAF]  }
0x2d: {  	s3 =	simm.s32 $0x108;
	s8 =	sld [smem:$0x3FB0]  }
0x2e: {  	s3 =	simm.s32 @!p0 $0x1082;
	s9 =	sld [smem:$0x3FB1]  }
0x2f: {  	lr =	sadd.s32 s0, s3;
	s0 =	sld [smem:$0x3FA8]  }
0x30: {  	s3 =	sld [smem:$0x3FAB]  }
0x31: {  	[smem:$0x3FB4] =	sst s10  }
0x32: {  	s10 =	sld [smem:$0x3FB2];
	_ =	sdelay $0x3  }
0x33: {  	p0 =	seq.s32 s10, $0x1;
	s10 =	sld [smem:$0x3FB4];
	_ =	sdelay $0x3  }
0x34: {  	[smem:$0x3FB4] =	sst s10  }
0x35: {  	s10 =	sld [smem:$0x3FB3];
	_ =	sdelay $0x3  }
0x36: {  	p1 =	seq.s32 s10, $0x1;
	s10 =	sld [smem:$0x3FB4];
	_ =	sdelay $0x3  }
0x37: {  	[smem:$0x3FB4] =	sst s10  }
0x38: {  	s10 =	sld [smem:$0x3FB5]  }
0x39: {  	_ = 	snop;
	(pc) =	sbr.ind lr, $3  }
0x3a: {  	_ = 	snop  }
0x3b: {  	_ = 	snop  }
0x3c: {  	p2 =	seq.s32 s10, $0x1;
	s10 =	sld [smem:$0x3FB4]  }
0x3d: {  	_ =	shalt  }
0x3e: {  	_ =	shalt  }
0x3f: {  	_ =	shalt  }
0x40: {  	_ =	shalt  }
0x41: {  	_ =	shalt  }
0x42: {  	_ =	shalt  }
0x43: {  	_ =	shalt  }
0x44: {  	_ =	shalt  }
0x45: {  	_ =	shalt  }
0x46: {  	_ =	shalt  }
0x47: {  	_ =	shalt  }
0x48: {  	_ =	shalt  }
0x49: {  	_ =	shalt  }
0x4a: {  	_ =	shalt  }
0x4b: {  	_ =	shalt  }
0x4c: {  	_ =	shalt  }
0x4d: {  	_ =	shalt  }
0x4e: {  	_ =	shalt  }
0x4f: {  	_ =	shalt  }
0x50: {  	_ =	shalt  }
0x51: {  	_ =	shalt  }
0x52: {  	_ =	shalt  }
0x53: {  	_ =	shalt  }
0x54: {  	_ =	shalt  }
0x55: {  	_ =	shalt  }
0x56: {  	_ =	shalt  }
0x57: {  	_ =	shalt  }
0x58: {  	_ =	shalt  }
0x59: {  	_ =	shalt  }
0x5a: {  	_ =	shalt  }
0x5b: {  	_ =	shalt  }
0x5c: {  	_ =	shalt  }
0x5d: {  	_ =	shalt  }
0x5e: {  	_ =	shalt  }
0x5f: {  	_ =	shalt  }
0x60: {  	_ =	shalt  }
0x61: {  	_ =	shalt  }
0x62: {  	_ =	shalt  }
0x63: {  	_ =	shalt  }
0x64: {  	_ =	shalt  }
0x65: {  	_ =	shalt  }
0x66: {  	_ =	shalt  }
0x67: {  	_ =	shalt  }
0x68: {  	_ =	shalt  }
0x69: {  	_ =	shalt  }
0x6a: {  	_ =	shalt  }
0x6b: {  	_ =	shalt  }
0x6c: {  	_ =	shalt  }
0x6d: {  	_ =	shalt  }
0x6e: {  	_ =	shalt  }
0x6f: {  	_ =	shalt  }
0x70: {  	_ =	shalt  }
0x71: {  	_ =	shalt  }
0x72: {  	_ =	shalt  }
0x73: {  	_ =	shalt  }
0x74: {  	_ =	shalt  }
0x75: {  	_ =	shalt  }
0x76: {  	_ =	shalt  }
0x77: {  	_ =	shalt  }
0x78: {  	_ =	shalt  }
0x79: {  	_ =	shalt  }
0x7a: {  	_ =	shalt  }
0x7b: {  	_ =	shalt  }
0x7c: {  	_ =	shalt  }
0x7d: {  	_ =	shalt  }
0x7e: {  	_ =	shalt  }
0x7f: {  	_ =	shalt  }
0x80: {  	_ =	shalt  }
0x81: {  	_ =	shalt  }
0x82: {  	_ =	shalt  }
0x83: {  	_ =	shalt  }
0x84: {  	_ =	shalt  }
0x85: {  	_ =	shalt  }
0x86: {  	_ =	shalt  }
0x87: {  	_ =	shalt  }
.Lfunc_end0:
.L_simem_size_0:
called_computation.2_lowered:
.L_overlay_start_0:
0x88: {  	s2 =	sld [smem:$0x3FD9]  }
0x89: {  	s3 =	sld [smem:$0x3FFE];
	_ =	sdelay $0x1  }
0x8a: {  	s1 =	srdreg.scid  }
0x8b: {  	s0 =	sand.u32 $0x1, s1  }
0x8c: {  	s16 =	sshll.u32 s0, $0xA;
	s2 =	sadd.s32 s3, s2  }
0x8d: {  	s2 =	sadd.s32 s2, s16  }
0x8e: {  	[smem:$0x3FC0] =	sst s2  }
0x8f: {  	_ = 	snop  }
0x90: {  	(tm) =	ssettm $0x1  }
0x91: {  	s17 =	sld [smem:$0x3FFB];
	_ =	sdelay $0x3  }
0x92: {  	_ =	strace s17  }
0x93: {  	s2 =	sld [smem:$0x3FFC];
	_ =	sdelay $0x3  }
0x94: {  	_ =	strace s2  }
0x95: {  	s2 =	sld [smem:$0x3FFD];
	_ =	sdelay $0x3  }
0x96: {  	_ =	strace s2  }
0x97: {  	_ =	strace $0x8FFFFFFF  }
0x98: {  	s18 =	sld [smem:$0x3FDB];
	_ =	sdelay $0x1  }
0x99: {  	s19 =	simm.s32 $_scs_section_size  }
0x9a: {  	s4 =	simm.s32 $_size__tile_overlayer_lowered;
	s5 =	simm.s32 $_tile_overlayer_lowered  }
0x9b: {  	s22 =	simm.s32 $0x1BFF;
	s21 =	sshll.u32 s5, $0x1;
	s2 =	sadd.s32 s19, s18  }
0x9c: {  	s6 =	simm.s32 $0x0;
	s20 =	sshll.u32 s4, $0x1;
	s4 =	sadd.s32 s21, s2  }
0x9d: {  	[timem:s6], [sflag:s22] =	dma.local [hbm:s4], s20  }
0x9e: {  	_ =	swait.ge [sflag:s22], s20  }
0x9f: {  	s3 =	ssub.s32 $0x0, s20;
	[sflag:s22] =	ssyncset.done $0x0  }
0xa0: {  	[sflag:s22] =	ssyncadd.s32 s3;
	_ =	sdelay $0x1  }
0xa1: {  	s23 =	simm.s32 $0x1B8B  }
0xa2: {  	_ =	swait.ge [sflag:s23], $0x1  }
0xa3: {  	[sflag:s23] =	ssyncset.done $0x0  }
0xa4: {  	s25 =	simm.s32 $0x1B8E;
	s24 =	sld [smem:$0x3FFE];
	[sflag:s23] =	ssyncadd.s32 $0xFFFFFFFF  }
0xa5: {  	s26 =	simm.s32 $execute0_lowered;
	[smem:$0x3FD2] =	sst s25  }
0xa6: {  	s4 =	sshll.u32 s26, $0x1;
	_ =	strace $0x8000004C;
	[dreg:$0x1] =	wrdreg $0xFFFFFFFF  }
0xa7: {  	s28 =	simm.s32 $_size_execute0_lowered;
	s2 =	sadd.s32 s2, s4;
	[dreg:$0x0] =	wrdreg $0x0  }
0xa8: {  	s4 =	sshll.u32 s28, $0x1;
	[dreg:$0x2] =	wrdreg s2  }
0xa9: {  	[dreg:$0x3] =	wrdreg s4  }
0xaa: {  	[dreg:$0x4] =	wrdreg $0xC0  }
0xab: {  	_ =	task [dreg:s6], $0x5FFFF  }
0xac: {  	[dreg:$0x1] =	wrdreg $0xFFFFFFFF  }
0xad: {  	[dreg:$0x0] =	wrdreg $0x60  }
0xae: {  	[dreg:$0x2] =	wrdreg s24  }
0xaf: {  	[dreg:$0x3] =	wrdreg $0x70800  }
0xb0: {  	[dreg:$0x4] =	wrdreg $0x9  }
0xb1: {  	_ =	task.clear_ibuf [dreg:s6], $0x5FFFF;
	_ =	strace $0x9000004C  }
0xb2: {  	s29 =	simm.s32 $0x9;
	_ =	strace $0x8000004E  }
0xb3: {  	_ =	swait.ge [sflag:s29], $0x1  }
0xb4: {  	[sflag:s29] =	ssyncadd.s32 $0xFFFFFFFF  }
0xb5: {  	_ =	strace $0x9000004E  }
0xb6: {  	_ =	sfence  }
0xb7: {  	s30 =	sld [smem:$0x0];
	_ =	sdelay $0x2  }
0xb8: {  	s31 =	sshll.u32 s1, $0xD;
	s1 =	sshrl.u32 s1, $0x2  }
0xb9: {  	s3 =	sand.u32 $0x4000, s31;
	s1 =	sadd.s32 s1, s30  }
0xba: {  	s0 =	sor.u32 s3, s0;
	s1 =	sshll.u32 s1, $0x11  }
0xbb: {  	s0 =	sor.u32 s1, s0  }
0xbc: {  	s0 =	sadd.s32 $0x8F2B, s0  }
0xbd: {  	[sflag:s0] =	ssyncadd.remote.s32 $0x1  }
0xbe: {  	_ =	sfence.sel $0xFFFF  }
0xbf: {  	[dreg:$0x0] =	wrdreg $0xFFFFFFFF;
	(pc) =	sbr.abs _section_cstart, $3  }
0xc0: {  	[dreg:$0x1] =	wrdreg $0xFFFFFFFF  }
0xc1: {  	_ =	task.clear_ibuf [dreg:s6], $0x2FFFF;
	_ =	strace $0x9FFFFFFF  }
0xc2: {  	(tm) =	ssettm $0x7FFFFFFF  }
0xc3: {  	_ =	shalt  }
tec
execute0_lowered:
.L_overlay_start_1:
0x0: {  	(tag) =	ssettag $0x1  }
0x1: {  	s1 =	rddreg [dreg:$0x0]  }
0x2: {  	s2 =	rddreg [dreg:$0x1];
	s4 =	simm.s32 $0x0;
	s0 =	srdreg.scid  }
0x3: {  	s10 =	stileid.u32;
	s20 =	simm.s32 $0x4;
	s22 =	simm.s32 $0x50  }
0x4: {  	s30 =	simm.s32 $0x2;
	s31 =	simm.s32 $0x3;
	[smem:$0x7FF] =	sst s4  }
0x5: {  	s0 =	sand.u32 $0x1, s0;
	s12 =	smul.u32 $0x18800, s10;
	s5 =	sadd.s32 $0x1F0400, s1  }
0x6: {  	s3 =	sshll.u32 s10, $0x1;
	s23 =	smul.u32 $0x61A80, s10;
	_ =	strace $0x8000004D  }
0x7: {  	s6 =	ssub.s32 $0x2, s0;
	s3 =	sor.u32 s0, s3;
	p0 =	seq.s32 s0, $0x0  }
0x8: {  	s0 =	smul.u32 $0x30D40, s0;
	s7 =	sshrl.u32 s6, $0x1;
	s13 =	sadd.s32 $0x6200, s12  }
0x9: {  	s3 =	smul.u32 $0x30D40, s3;
	s15 =	sadd.s32 $0xC400, s12;
	s16 =	sadd.s32 $0x12600, s12  }
0xa: {  	s17 =	sshrl.u32 s12, $0x3;
	s14 =	ssub.s32 s6, s7;
	s6 =	sadd.s32 s12, s2  }
0xb: {  	s7 =	sadd.s32 s13, s2;
	s8 =	sadd.s32 s15, s2;
	s9 =	sadd.s32 s16, s2  }
0xc: {  	s12 =	simm.s32 $0x221200;
	s18 =	sshrl.u32 s13, $0x3;
	s15 =	sshrl.u32 s15, $0x3  }
0xd: {  	s16 =	sshrl.u32 s16, $0x3;
	s0 =	sadd.s32 s0, s23;
	s3 =	sshrl.u32 s3, $0x3  }
0xe: {  	s12 =	simm.s32 @!p0 $0x252200;
	s24 =	smax.u32 s14, $0x1;
	s26 =	sadd.s32 $0x61AB20, s0  }
0xf: {  	s3 =	sadd.s32 s1, s3;
	s19 =	sadd.s32 s12, s1;
	[dreg:$0x5] =	wrdreg s24  }
0x10: {  	[dreg:$0x3] =	wrdreg s3;
	s3 =	sadd.s32 $0xC3500, s3;
	s25 =	sadd.s32 s19, s17  }
0x11: {  	s28 =	sadd.s32 s19, s18;
	s29 =	sadd.s32 s19, s15;
	[dreg:$0x4] =	wrdreg s3  }
0x12: {  	s16 =	sadd.s32 s19, s16;
	s17 =	sadd.s32 $0x320, s0;
	[dreg:$0x6] =	wrdreg s25  }
0x13: {  	s19 =	simm.s32 $0xC80;
	[dreg:$0x7] =	wrdreg s28;
	s3 =	sshrl.u32 s26, $0x3  }
0x14: {  	v0 =	vimm.f32 $0.0e+00;
	s0 =	simm.s32 $0x0;
	[dreg:$0x8] =	wrdreg s29;
	s18 =	sadd.s32 s3, s1  }
.LBB2_1:
0x15: {  	s3 =	simm.s32 $0x40;
	s21 =	simm.s32 $0x0  }
.LBB2_2:
0x16: {  	p0 =	sne.s32 s3, $0x187C0;
	[tilespmem:s21+$0xC80] =	vst v0;
	s21 =	smov.u32 s3;
	s3 =	sadd.s32 $0x40, s3  }
.Ltmp0:
0x17: {  	(pc) =	sbr.rel @p0 .LBB2_2-.Ltmp0, $2  }
0x18: {  	_ =	sdelay $0x2  }
0x19: {  	s21 =	sshra.s32 s21, $0x2  }
0x1a: {  	[tilespmem:s21+$0xC80] =	vst v0  }
0x1b: {  	[spmem:s6] =	stream.linear.scatter [tilespmem:s19], [sflag:$0x4], $0x6200, $0x38;
	[tilespmem:$0x1F880] =	vst v63  }
0x1c: {  	_ =	swait.ge [sflag:s20], $0x6200  }
0x1d: {  	[sflag:s20] =	ssyncset.done $0x0  }
0x1e: {  	[sflag:s20] =	ssyncadd.s32 $0xFFFF9E00  }
0x1f: {  	[spmem:s7] =	stream.linear.scatter [tilespmem:s19], [sflag:$0x4], $0x6200, $0x38;
	[tilespmem:$0x1F880] =	vst v63  }
0x20: {  	_ =	swait.ge [sflag:s20], $0x6200  }
0x21: {  	[sflag:s20] =	ssyncset.done $0x0  }
0x22: {  	[sflag:s20] =	ssyncadd.s32 $0xFFFF9E00  }
0x23: {  	[spmem:s8] =	stream.linear.scatter [tilespmem:s19], [sflag:$0x4], $0x6200, $0x38;
	[tilespmem:$0x1F880] =	vst v63  }
0x24: {  	_ =	swait.ge [sflag:s20], $0x6200  }
0x25: {  	[sflag:s20] =	ssyncset.done $0x0  }
0x26: {  	[sflag:s20] =	ssyncadd.s32 $0xFFFF9E00  }
0x27: {  	[spmem:s9] =	stream.linear.scatter [tilespmem:s19], [sflag:$0x4], $0x6200, $0x38;
	[tilespmem:$0x1F880] =	vst v63  }
0x28: {  	_ =	swait.ge [sflag:s20], $0x6200  }
0x29: {  	[sflag:s20] =	ssyncset.done $0x0  }
0x2a: {  	[sflag:s20] =	ssyncadd.s32 $0xFFFF9E00  }
0x2b: {  	[bflag:$0x0] =	sbarrier.arrive $0xFFFF  }
0x2c: {  	s3 =	simm.s32 $0x0;
	s10 =	rddreg [dreg:$0x3]  }
0x2d: {  	[tilespmem:s3], [sflag:$0x4] =	stream.linear.gather [hbm4b:s10+s3], $0x320, $0x38;
	[tilespmem:$0x1F880] =	vst v63  }
0x2e: {  	_ =	swait.ge [sflag:s20], $0x320  }
0x2f: {  	[sflag:s20] =	ssyncset.done $0x0  }
0x30: {  	s11 =	simm.s32 $0x640;
	s12 =	rddreg [dreg:$0x4];
	[sflag:s20] =	ssyncadd.s32 $0xFFFFFCE0  }
0x31: {  	[tilespmem:s11], [sflag:$0x4] =	stream.linear.gather [hbm4b:s12+s3], $0x320, $0x38;
	[tilespmem:$0x1F880] =	vst v63  }
0x32: {  	_ =	swait.ge [sflag:s20], $0x320  }
0x33: {  	[sflag:s20] =	ssyncset.done $0x0  }
0x34: {  	[sflag:s20] =	ssyncadd.s32 $0xFFFFFCE0  }
0x35: {  	[tilespmem:s19], [sflag:$0x2] =	stream.indirect.gather [hbm4b:s5+s22], $0x10, s3, s22, $0xb8;
	[tilespmem:$0x1F880] =	vst v63  }
0x36: {  	s13 =	simm.s32 $0x1180  }
0x37: {  	[tilespmem:s13], [sflag:$0x2] =	stream.indirect.gather [hbm4b:s5+s22], $0x10, s22, s22, $0xb8;
	[tilespmem:$0x1F880] =	vst v63  }
0x38: {  	s14 =	simm.s32 $0xA0;
	s15 =	simm.s32 $0x1680  }
0x39: {  	[tilespmem:s15], [sflag:$0x2] =	stream.indirect.gather [hbm4b:s5+s22], $0x10, s14, s22, $0xb8;
	[tilespmem:$0x1F880] =	vst v63  }
0x3a: {  	s21 =	simm.s32 $0xF0;
	s23 =	simm.s32 $0x1B80  }
0x3b: {  	[tilespmem:s23], [sflag:$0x2] =	stream.indirect.gather [hbm4b:s5+s22], $0x10, s21, s22, $0xb8;
	[tilespmem:$0x1F880] =	vst v63  }
0x3c: {  	s24 =	simm.s32 $0x140;
	s25 =	simm.s32 $0x2080  }
0x3d: {  	[tilespmem:s25], [sflag:$0x2] =	stream.indirect.gather [hbm4b:s5+s22], $0x10, s24, s22, $0xb8;
	[tilespmem:$0x1F880] =	vst v63  }
0x3e: {  	s26 =	simm.s32 $0x190;
	s29 =	simm.s32 $0x2580  }
0x3f: {  	[tilespmem:s29], [sflag:$0x2] =	stream.indirect.gather [hbm4b:s5+s22], $0x10, s26, s22, $0xb8;
	[tilespmem:$0x1F880] =	vst v63  }
0x40: {  	s12 =	simm.s32 $0x1E0;
	s13 =	simm.s32 $0x2A80  }
0x41: {  	[tilespmem:s13], [sflag:$0x2] =	stream.indirect.gather [hbm4b:s5+s22], $0x10, s12, s22, $0xb8;
	[tilespmem:$0x1F880] =	vst v63  }
0x42: {  	s14 =	simm.s32 $0x230;
	s15 =	simm.s32 $0x2F80  }
0x43: {  	[tilespmem:s15], [sflag:$0x2] =	stream.indirect.gather [hbm4b:s5+s22], $0x10, s14, s22, $0xb8;
	[tilespmem:$0x1F880] =	vst v63  }
0x44: {  	s21 =	simm.s32 $0x280;
	s23 =	simm.s32 $0x3480  }
0x45: {  	[tilespmem:s23], [sflag:$0x2] =	stream.indirect.gather [hbm4b:s5+s22], $0x10, s21, s22, $0xb8;
	[tilespmem:$0x1F880] =	vst v63  }
0x46: {  	p0 =	por $0x0, $0x0;
	s21 =	sand.u32 $0x1, s3  }
0x47: {  	s24 =	simm.s32 $0x2D0;
	s25 =	simm.s32 $0x3980;
	s3 =	sxor.u32 @!p0 $0x1, s21  }
0x48: {  	[tilespmem:s25], [sflag:$0x2] =	stream.indirect.gather [hbm4b:s5+s22], $0x10, s24, s22, $0xb8;
	[tilespmem:$0x1F880] =	vst v63  }
0x49: {  	s23 =	sshrl.u32 @!p0 s17, $0x3;
	s24 =	smul.u32 @!p0 $0x320, s3  }
0x4a: {  	s23 =	sadd.s32 @!p0 s1, s23;
	s26 =	smul.u32 $0xC80, s21;
	s25 =	simm.s32 @!p0 $0x0  }
0x4b: {  	[tilespmem:s24], [sflag:$0x1] =	stream.linear.gather @!p0 [hbm4b:s23+s25], $0x320, $0x38;
	[tilespmem:$0x1F880] =	vst v63  }
0x4c: {  	s21 =	smul.u32 $0xC800, s21;
	s23 =	sadd.s32 @!p0 $0x640, s24  }
0x4d: {  	[tilespmem:s23], [sflag:$0x1] =	stream.linear.gather @!p0 [hbm4b:s18+s25], $0x320, $0x38;
	[tilespmem:$0x1F880] =	vst v63  }
0x4e: {  	_ =	swait.ge [sflag:s30], $0x500  }
0x4f: {  	s21 =	sshrl.u32 s21, $0x2;
	s23 =	sshrl.u32 s26, $0x2;
	[sflag:s30] =	ssyncset.done $0x0  }
0x50: {  	s29 =	sadd.s32 $0xC80, s21;
	s26 =	sadd.s32 $0x640, s23;
	[sflag:s30] =	ssyncadd.s32 $0xFFFFFB00  }
0x51: {  	[spmem:s2] =	stream.indirect.scatter.add.f32 [tilespmem:s29], [sflag:$0x3], $0x10, s26, s22, $0xb8;
	[tilespmem:$0x1F880] =	vst v63  }
0x52: {  	_ =	swait.ge [sflag:s30], $0x500  }
0x53: {  	[sflag:s30] =	ssyncset.done $0x0  }
0x54: {  	s10 =	sadd.s32 $0x1180, s21;
	s11 =	sadd.s32 $0x690, s23;
	[sflag:s30] =	ssyncadd.s32 $0xFFFFFB00  }
0x55: {  	[spmem:s2] =	stream.indirect.scatter.add.f32 [tilespmem:s10], [sflag:$0x3], $0x10, s11, s22, $0xb8;
	[tilespmem:$0x1F880] =	vst v63  }
0x56: {  	_ =	swait.ge [sflag:s30], $0x500  }
0x57: {  	[sflag:s30] =	ssyncset.done $0x0  }
0x58: {  	s12 =	sadd.s32 $0x1680, s21;
	s13 =	sadd.s32 $0x6E0, s23;
	[sflag:s30] =	ssyncadd.s32 $0xFFFFFB00  }
0x59: {  	[spmem:s2] =	stream.indirect.scatter.add.f32 [tilespmem:s12], [sflag:$0x3], $0x10, s13, s22, $0xb8;
	[tilespmem:$0x1F880] =	vst v63  }
0x5a: {  	_ =	swait.ge [sflag:s30], $0x500  }
0x5b: {  	[sflag:s30] =	ssyncset.done $0x0  }
0x5c: {  	s14 =	sadd.s32 $0x1B80, s21;
	s15 =	sadd.s32 $0x730, s23;
	[sflag:s30] =	ssyncadd.s32 $0xFFFFFB00  }
0x5d: {  	[spmem:s2] =	stream.indirect.scatter.add.f32 [tilespmem:s14], [sflag:$0x3], $0x10, s15, s22, $0xb8;
	[tilespmem:$0x1F880] =	vst v63  }
0x5e: {  	_ =	swait.ge [sflag:s30], $0x500  }
0x5f: {  	[sflag:s30] =	ssyncset.done $0x0  }
0x60: {  	s26 =	sadd.s32 $0x2080, s21;
	s29 =	sadd.s32 $0x780, s23;
	[sflag:s30] =	ssyncadd.s32 $0xFFFFFB00  }
0x61: {  	[spmem:s2] =	stream.indirect.scatter.add.f32 [tilespmem:s26], [sflag:$0x3], $0x10, s29, s22, $0xb8;
	[tilespmem:$0x1F880] =	vst v63  }
0x62: {  	_ =	swait.ge [sflag:s30], $0x500  }
0x63: {  	[sflag:s30] =	ssyncset.done $0x0  }
0x64: {  	s10 =	sadd.s32 $0x2580, s21;
	s11 =	sadd.s32 $0x7D0, s23;
	[sflag:s30] =	ssyncadd.s32 $0xFFFFFB00  }
0x65: {  	[spmem:s2] =	stream.indirect.scatter.add.f32 [tilespmem:s10], [sflag:$0x3], $0x10, s11, s22, $0xb8;
	[tilespmem:$0x1F880] =	vst v63  }
0x66: {  	_ =	swait.ge [sflag:s30], $0x500  }
0x67: {  	[sflag:s30] =	ssyncset.done $0x0  }
0x68: {  	s12 =	sadd.s32 $0x2A80, s21;
	s13 =	sadd.s32 $0x820, s23;
	[sflag:s30] =	ssyncadd.s32 $0xFFFFFB00  }
0x69: {  	[spmem:s2] =	stream.indirect.scatter.add.f32 [tilespmem:s12], [sflag:$0x3], $0x10, s13, s22, $0xb8;
	[tilespmem:$0x1F880] =	vst v63  }
0x6a: {  	_ =	swait.ge [sflag:s30], $0x500  }
0x6b: {  	[sflag:s30] =	ssyncset.done $0x0  }
0x6c: {  	s14 =	sadd.s32 $0x2F80, s21;
	s15 =	sadd.s32 $0x870, s23;
	[sflag:s30] =	ssyncadd.s32 $0xFFFFFB00  }
0x6d: {  	[spmem:s2] =	stream.indirect.scatter.add.f32 [tilespmem:s14], [sflag:$0x3], $0x10, s15, s22, $0xb8;
	[tilespmem:$0x1F880] =	vst v63  }
0x6e: {  	_ =	swait.ge [sflag:s30], $0x500  }
0x6f: {  	[sflag:s30] =	ssyncset.done $0x0  }
0x70: {  	s25 =	sadd.s32 $0x3480, s21;
	s26 =	sadd.s32 $0x8C0, s23;
	[sflag:s30] =	ssyncadd.s32 $0xFFFFFB00  }
0x71: {  	[spmem:s2] =	stream.indirect.scatter.add.f32 [tilespmem:s25], [sflag:$0x3], $0x10, s26, s22, $0xb8;
	[tilespmem:$0x1F880] =	vst v63  }
0x72: {  	_ =	swait.ge [sflag:s30], $0x500  }
0x73: {  	s24 =	simm.s32 @!p0 $0x1;
	[sflag:s30] =	ssyncset.done $0x0  }
0x74: {  	s21 =	sadd.s32 $0x3980, s21;
	s23 =	sadd.s32 $0x910, s23;
	[sflag:s30] =	ssyncadd.s32 $0xFFFFFB00  }
0x75: {  	[spmem:s2] =	stream.indirect.scatter.add.f32 [tilespmem:s21], [sflag:$0x3], $0x10, s23, s22, $0xb8;
	[tilespmem:$0x1F880] =	vst v63  }
0x76: {  	_ =	swait.ge @!p0 [sflag:s24], $0x320  }
0x77: {  	[sflag:s24] =	ssyncset.done @!p0 $0x0  }
0x78: {  	s21 =	smul.u32 @!p0 $0xC800, s3;
	[sflag:s24] =	ssyncadd.s32 @!p0 $0xFFFFFCE0  }
0x79: {  	s3 =	smul.u32 @!p0 $0xC80, s3;
	_ =	swait.ge @!p0 [sflag:s24], $0x320  }
0x7a: {  	s23 =	simm.s32 @!p0 $0x50;
	s21 =	sshrl.u32 @!p0 s21, $0x2;
	[sflag:s24] =	ssyncset.done @!p0 $0x0  }
0x7b: {  	s3 =	sshrl.u32 @!p0 s3, $0x2;
	[sflag:s24] =	ssyncadd.s32 @!p0 $0xFFFFFCE0;
	s24 =	sadd.s32 @!p0 $0xC80, s21  }
0x7c: {  	[tilespmem:s24], [sflag:$0x2] =	stream.indirect.gather @!p0 [hbm4b:s5+s23], $0x10, s3, s23, $0xb8;
	[tilespmem:$0x1F880] =	vst v63  }
0x7d: {  	s25 =	sadd.s32 @!p0 $0x50, s3;
	s24 =	sadd.s32 @!p0 $0x1180, s21  }
0x7e: {  	[tilespmem:s24], [sflag:$0x2] =	stream.indirect.gather @!p0 [hbm4b:s5+s23], $0x10, s25, s23, $0xb8;
	[tilespmem:$0x1F880] =	vst v63  }
0x7f: {  	s24 =	sadd.s32 @!p0 $0x1680, s21;
	s25 =	sadd.s32 @!p0 $0xA0, s3  }
0x80: {  	[tilespmem:s24], [sflag:$0x2] =	stream.indirect.gather @!p0 [hbm4b:s5+s23], $0x10, s25, s23, $0xb8;
	[tilespmem:$0x1F880] =	vst v63  }
0x81: {  	s24 =	sadd.s32 @!p0 $0xF0, s3;
	s25 =	sadd.s32 @!p0 $0x1B80, s21  }
0x82: {  	[tilespmem:s25], [sflag:$0x2] =	stream.indirect.gather @!p0 [hbm4b:s5+s23], $0x10, s24, s23, $0xb8;
	[tilespmem:$0x1F880] =	vst v63  }
0x83: {  	s24 =	sadd.s32 @!p0 $0x2080, s21;
	s25 =	sadd.s32 @!p0 $0x140, s3  }
0x84: {  	[tilespmem:s24], [sflag:$0x2] =	stream.indirect.gather @!p0 [hbm4b:s5+s23], $0x10, s25, s23, $0xb8;
	[tilespmem:$0x1F880] =	vst v63  }
0x85: {  	s24 =	sadd.s32 @!p0 $0x2580, s21;
	s25 =	sadd.s32 @!p0 $0x190, s3  }
0x86: {  	[tilespmem:s24], [sflag:$0x2] =	stream.indirect.gather @!p0 [hbm4b:s5+s23], $0x10, s25, s23, $0xb8;
	[tilespmem:$0x1F880] =	vst v63  }
0x87: {  	s24 =	sadd.s32 @!p0 $0x1E0, s3;
	s25 =	sadd.s32 @!p0 $0x2A80, s21  }
0x88: {  	[tilespmem:s25], [sflag:$0x2] =	stream.indirect.gather @!p0 [hbm4b:s5+s23], $0x10, s24, s23, $0xb8;
	[tilespmem:$0x1F880] =	vst v63  }
0x89: {  	s24 =	sadd.s32 @!p0 $0x2F80, s21;
	s25 =	sadd.s32 @!p0 $0x230, s3  }
0x8a: {  	[tilespmem:s24], [sflag:$0x2] =	stream.indirect.gather @!p0 [hbm4b:s5+s23], $0x10, s25, s23, $0xb8;
	[tilespmem:$0x1F880] =	vst v63  }
0x8b: {  	s24 =	sadd.s32 @!p0 $0x3480, s21;
	s25 =	sadd.s32 @!p0 $0x280, s3  }
0x8c: {  	[tilespmem:s24], [sflag:$0x2] =	stream.indirect.gather @!p0 [hbm4b:s5+s23], $0x10, s25, s23, $0xb8;
	[tilespmem:$0x1F880] =	vst v63  }
0x8d: {  	s29 =	simm.s32 $0x1;
	s21 =	sadd.s32 @!p0 $0x3980, s21;
	s3 =	sadd.s32 @!p0 $0x2D0, s3  }
0x8e: {  	[tilespmem:s21], [sflag:$0x2] =	stream.indirect.gather @!p0 [hbm4b:s5+s23], $0x10, s3, s23, $0xb8;
	[tilespmem:$0x1F880] =	vst v63  }
0x8f: {  	s28 =	sand.u32 $0x1, s29;
	s24 =	sadd.s32 $0x320, s17;
	s23 =	simm.s32 $0x2  }
0x90: {  	s21 =	sadd.s32 $0x64, s18;
	p0 =	por $0x0, $0x0;
	_ =	swait.ge [sflag:s31], $0x3200  }
0x91: {  	s3 =	sxor.u32 @!p0 $0x1, s28;
	s26 =	sshrl.u32 @!p0 s24, $0x3;
	[sflag:s31] =	ssyncset.done $0x0  }
.LBB2_4:
0x92: {  	s29 =	smul.u32 @!p0 $0x320, s3  }
0x93: {  	[sflag:s31] =	ssyncadd.s32 $0xFFFFCE00;
	s25 =	smov.u32 s23;
	s23 =	sadd.s32 $0x1, s23  }
0x94: {  	s26 =	sadd.s32 @!p0 s1, s26;
	s11 =	simm.s32 @!p0 $0x0;
	s12 =	smul.u32 $0xC80, s28  }
0x95: {  	[tilespmem:s29], [sflag:$0x1] =	stream.linear.gather @!p0 [hbm4b:s26+s11], $0x320, $0x38;
	[tilespmem:$0x1F880] =	vst v63  }
0x96: {  	s29 =	sadd.s32 @!p0 $0x640, s29;
	s26 =	sshrl.u32 s12, $0x2;
	s12 =	smul.u32 $0xC800, s28  }
0x97: {  	[tilespmem:s29], [sflag:$0x1] =	stream.linear.gather @!p0 [hbm4b:s21+s11], $0x320, $0x38;
	[tilespmem:$0x1F880] =	vst v63  }
0x98: {  	p1 =	sne.s32 s23, $0xFA;
	s28 =	sshrl.u32 s12, $0x2;
	_ =	swait.ge [sflag:s30], $0x500  }
0x99: {  	[sflag:s30] =	ssyncset.done $0x0  }
0x9a: {  	s11 =	sadd.s32 $0x640, s26;
	s12 =	sadd.s32 $0xC80, s28;
	[sflag:s30] =	ssyncadd.s32 $0xFFFFFB00  }
0x9b: {  	[spmem:s2] =	stream.indirect.scatter.add.f32 [tilespmem:s12], [sflag:$0x3], $0x10, s11, s22, $0xb8;
	[tilespmem:$0x1F880] =	vst v63  }
0x9c: {  	_ =	swait.ge [sflag:s30], $0x500  }
0x9d: {  	[sflag:s30] =	ssyncset.done $0x0  }
0x9e: {  	s11 =	sadd.s32 $0x1180, s28;
	s12 =	sadd.s32 $0x690, s26;
	[sflag:s30] =	ssyncadd.s32 $0xFFFFFB00  }
0x9f: {  	[spmem:s2] =	stream.indirect.scatter.add.f32 [tilespmem:s11], [sflag:$0x3], $0x10, s12, s22, $0xb8;
	[tilespmem:$0x1F880] =	vst v63  }
0xa0: {  	_ =	swait.ge [sflag:s30], $0x500  }
0xa1: {  	[sflag:s30] =	ssyncset.done $0x0  }
0xa2: {  	s11 =	sadd.s32 $0x1680, s28;
	s12 =	sadd.s32 $0x6E0, s26;
	[sflag:s30] =	ssyncadd.s32 $0xFFFFFB00  }
0xa3: {  	[spmem:s2] =	stream.indirect.scatter.add.f32 [tilespmem:s11], [sflag:$0x3], $0x10, s12, s22, $0xb8;
	[tilespmem:$0x1F880] =	vst v63  }
0xa4: {  	_ =	swait.ge [sflag:s30], $0x500  }
0xa5: {  	[sflag:s30] =	ssyncset.done $0x0  }
0xa6: {  	s11 =	sadd.s32 $0x1B80, s28;
	s12 =	sadd.s32 $0x730, s26;
	[sflag:s30] =	ssyncadd.s32 $0xFFFFFB00  }
0xa7: {  	[spmem:s2] =	stream.indirect.scatter.add.f32 [tilespmem:s11], [sflag:$0x3], $0x10, s12, s22, $0xb8;
	[tilespmem:$0x1F880] =	vst v63  }
0xa8: {  	_ =	swait.ge [sflag:s30], $0x500  }
0xa9: {  	[sflag:s30] =	ssyncset.done $0x0  }
0xaa: {  	s11 =	sadd.s32 $0x2080, s28;
	s12 =	sadd.s32 $0x780, s26;
	[sflag:s30] =	ssyncadd.s32 $0xFFFFFB00  }
0xab: {  	[spmem:s2] =	stream.indirect.scatter.add.f32 [tilespmem:s11], [sflag:$0x3], $0x10, s12, s22, $0xb8;
	[tilespmem:$0x1F880] =	vst v63  }
0xac: {  	_ =	swait.ge [sflag:s30], $0x500  }
0xad: {  	[sflag:s30] =	ssyncset.done $0x0  }
0xae: {  	s11 =	sadd.s32 $0x2580, s28;
	s12 =	sadd.s32 $0x7D0, s26;
	[sflag:s30] =	ssyncadd.s32 $0xFFFFFB00  }
0xaf: {  	[spmem:s2] =	stream.indirect.scatter.add.f32 [tilespmem:s11], [sflag:$0x3], $0x10, s12, s22, $0xb8;
	[tilespmem:$0x1F880] =	vst v63  }
0xb0: {  	_ =	swait.ge [sflag:s30], $0x500  }
0xb1: {  	[sflag:s30] =	ssyncset.done $0x0  }
0xb2: {  	s11 =	sadd.s32 $0x2A80, s28;
	s12 =	sadd.s32 $0x820, s26;
	[sflag:s30] =	ssyncadd.s32 $0xFFFFFB00  }
0xb3: {  	[spmem:s2] =	stream.indirect.scatter.add.f32 [tilespmem:s11], [sflag:$0x3], $0x10, s12, s22, $0xb8;
	[tilespmem:$0x1F880] =	vst v63  }
0xb4: {  	_ =	swait.ge [sflag:s30], $0x500  }
0xb5: {  	[sflag:s30] =	ssyncset.done $0x0  }
0xb6: {  	s11 =	sadd.s32 $0x2F80, s28;
	s12 =	sadd.s32 $0x870, s26;
	[sflag:s30] =	ssyncadd.s32 $0xFFFFFB00  }
0xb7: {  	[spmem:s2] =	stream.indirect.scatter.add.f32 [tilespmem:s11], [sflag:$0x3], $0x10, s12, s22, $0xb8;
	[tilespmem:$0x1F880] =	vst v63  }
0xb8: {  	_ =	swait.ge [sflag:s30], $0x500  }
0xb9: {  	[sflag:s30] =	ssyncset.done $0x0  }
0xba: {  	s11 =	sadd.s32 $0x3480, s28;
	s12 =	sadd.s32 $0x8C0, s26;
	[sflag:s30] =	ssyncadd.s32 $0xFFFFFB00  }
0xbb: {  	[spmem:s2] =	stream.indirect.scatter.add.f32 [tilespmem:s11], [sflag:$0x3], $0x10, s12, s22, $0xb8;
	[tilespmem:$0x1F880] =	vst v63  }
0xbc: {  	_ =	swait.ge [sflag:s30], $0x500  }
0xbd: {  	s11 =	sadd.s32 $0x910, s26;
	[sflag:s30] =	ssyncset.done $0x0  }
0xbe: {  	s12 =	sadd.s32 $0x3980, s28;
	s26 =	simm.s32 @!p0 $0x1;
	[sflag:s30] =	ssyncadd.s32 $0xFFFFFB00  }
0xbf: {  	[spmem:s2] =	stream.indirect.scatter.add.f32 [tilespmem:s12], [sflag:$0x3], $0x10, s11, s22, $0xb8;
	[tilespmem:$0x1F880] =	vst v63  }
0xc0: {  	_ =	swait.ge @!p0 [sflag:s26], $0x320  }
0xc1: {  	[sflag:s26] =	ssyncset.done @!p0 $0x0  }
0xc2: {  	s11 =	smul.u32 @!p0 $0xC800, s3;
	[sflag:s26] =	ssyncadd.s32 @!p0 $0xFFFFFCE0  }
0xc3: {  	s3 =	smul.u32 @!p0 $0xC80, s3;
	_ =	swait.ge @!p0 [sflag:s26], $0x320  }
0xc4: {  	s12 =	simm.s32 @!p0 $0x50;
	s11 =	sshrl.u32 @!p0 s11, $0x2;
	[sflag:s26] =	ssyncset.done @!p0 $0x0  }
0xc5: {  	s3 =	sshrl.u32 @!p0 s3, $0x2;
	[sflag:s26] =	ssyncadd.s32 @!p0 $0xFFFFFCE0;
	s26 =	sadd.s32 @!p0 $0xC80, s11  }
0xc6: {  	[tilespmem:s26], [sflag:$0x2] =	stream.indirect.gather @!p0 [hbm4b:s5+s12], $0x10, s3, s12, $0xb8;
	[tilespmem:$0x1F880] =	vst v63  }
0xc7: {  	s28 =	sadd.s32 @!p0 $0x50, s3;
	s29 =	sadd.s32 @!p0 $0x3980, s11;
	s26 =	sadd.s32 @!p0 $0x1180, s11  }
0xc8: {  	[tilespmem:s26], [sflag:$0x2] =	stream.indirect.gather @!p0 [hbm4b:s5+s12], $0x10, s28, s12, $0xb8;
	[tilespmem:$0x1F880] =	vst v63  }
0xc9: {  	s13 =	sadd.s32 @!p0 $0xF0, s3;
	s26 =	sadd.s32 @!p0 $0x1680, s11;
	s28 =	sadd.s32 @!p0 $0xA0, s3  }
0xca: {  	[tilespmem:s26], [sflag:$0x2] =	stream.indirect.gather @!p0 [hbm4b:s5+s12], $0x10, s28, s12, $0xb8;
	[tilespmem:$0x1F880] =	vst v63  }
0xcb: {  	s14 =	sadd.s32 @!p0 $0x140, s3;
	s26 =	sadd.s32 @!p0 $0x1B80, s11;
	s28 =	sadd.s32 @!p0 $0x2080, s11  }
0xcc: {  	[tilespmem:s26], [sflag:$0x2] =	stream.indirect.gather @!p0 [hbm4b:s5+s12], $0x10, s13, s12, $0xb8;
	[tilespmem:$0x1F880] =	vst v63  }
0xcd: {  	s15 =	sadd.s32 @!p0 $0x1E0, s3;
	s13 =	sadd.s32 @!p0 $0x2580, s11;
	s26 =	sadd.s32 @!p0 $0x190, s3  }
0xce: {  	[tilespmem:s28], [sflag:$0x2] =	stream.indirect.gather @!p0 [hbm4b:s5+s12], $0x10, s14, s12, $0xb8;
	[tilespmem:$0x1F880] =	vst v63  }
0xcf: {  	s10 =	sadd.s32 @!p0 $0x230, s3;
	s14 =	sadd.s32 @!p0 $0x2A80, s11;
	s28 =	sadd.s32 @!p0 $0x2F80, s11  }
0xd0: {  	[tilespmem:s13], [sflag:$0x2] =	stream.indirect.gather @!p0 [hbm4b:s5+s12], $0x10, s26, s12, $0xb8;
	[tilespmem:$0x1F880] =	vst v63  }
0xd1: {  	s11 =	sadd.s32 @!p0 $0x3480, s11;
	s13 =	sadd.s32 @!p0 $0x280, s3;
	s3 =	sadd.s32 @!p0 $0x2D0, s3  }
0xd2: {  	[tilespmem:s14], [sflag:$0x2] =	stream.indirect.gather @!p0 [hbm4b:s5+s12], $0x10, s15, s12, $0xb8;
	[tilespmem:$0x1F880] =	vst v63  }
0xd3: {  	_ = 	snop  }
0xd4: {  	[tilespmem:s28], [sflag:$0x2] =	stream.indirect.gather @!p0 [hbm4b:s5+s12], $0x10, s10, s12, $0xb8;
	[tilespmem:$0x1F880] =	vst v63  }
0xd5: {  	_ = 	snop  }
0xd6: {  	[tilespmem:s11], [sflag:$0x2] =	stream.indirect.gather @!p0 [hbm4b:s5+s12], $0x10, s13, s12, $0xb8;
	[tilespmem:$0x1F880] =	vst v63  }
.Ltmp1:
0xd7: {  	_ = 	snop;
	(pc) =	sbr.rel @p1 .LBB2_4-.Ltmp1, $4  }
0xd8: {  	s24 =	sadd.s32 $0x320, s24;
	s21 =	sadd.s32 $0x64, s21  }
0xd9: {  	[tilespmem:s29], [sflag:$0x2] =	stream.indirect.gather @!p0 [hbm4b:s5+s12], $0x10, s3, s12, $0xb8;
	[tilespmem:$0x1F880] =	vst v63  }
0xda: {  	s28 =	sand.u32 $0x1, s25;
	p0 =	seq.s32 s25, $0xF9;
	_ =	swait.ge [sflag:s31], $0x3200  }
0xdb: {  	s3 =	sxor.u32 @!p0 $0x1, s28;
	s26 =	sshrl.u32 @!p0 s24, $0x3;
	[sflag:s31] =	ssyncset.done $0x0  }
0xdc: {  	s10 =	smul.u32 @!p0 $0x320, s3;
	[sflag:s31] =	ssyncadd.s32 $0xFFFFCE00  }
0xdd: {  	s11 =	sadd.s32 @!p0 s1, s26;
	s12 =	simm.s32 @!p0 $0x0;
	s26 =	smul.u32 $0xC80, s28  }
0xde: {  	[tilespmem:s10], [sflag:$0x1] =	stream.linear.gather @!p0 [hbm4b:s11+s12], $0x320, $0x38;
	[tilespmem:$0x1F880] =	vst v63  }
0xdf: {  	s28 =	smul.u32 $0xC800, s28;
	s10 =	sadd.s32 @!p0 $0x640, s10  }
0xe0: {  	[tilespmem:s10], [sflag:$0x1] =	stream.linear.gather @!p0 [hbm4b:s21+s12], $0x320, $0x38;
	[tilespmem:$0x1F880] =	vst v63  }
0xe1: {  	_ =	swait.ge [sflag:s30], $0x500  }
0xe2: {  	s11 =	sshrl.u32 s28, $0x2;
	s10 =	sshrl.u32 s26, $0x2;
	[sflag:s30] =	ssyncset.done $0x0  }
0xe3: {  	s13 =	sadd.s32 $0xC80, s11;
	s29 =	sadd.s32 $0x640, s10;
	[sflag:s30] =	ssyncadd.s32 $0xFFFFFB00  }
0xe4: {  	[spmem:s2] =	stream.indirect.scatter.add.f32 [tilespmem:s13], [sflag:$0x3], $0x10, s29, s22, $0xb8;
	[tilespmem:$0x1F880] =	vst v63  }
0xe5: {  	_ =	swait.ge [sflag:s30], $0x500  }
0xe6: {  	[sflag:s30] =	ssyncset.done $0x0  }
0xe7: {  	s14 =	sadd.s32 $0x690, s10;
	s13 =	sadd.s32 $0x1180, s11;
	[sflag:s30] =	ssyncadd.s32 $0xFFFFFB00  }
0xe8: {  	[spmem:s2] =	stream.indirect.scatter.add.f32 [tilespmem:s13], [sflag:$0x3], $0x10, s14, s22, $0xb8;
	[tilespmem:$0x1F880] =	vst v63  }
0xe9: {  	_ =	swait.ge [sflag:s30], $0x500  }
0xea: {  	[sflag:s30] =	ssyncset.done $0x0  }
0xeb: {  	s15 =	sadd.s32 $0x1680, s11;
	s21 =	sadd.s32 $0x6E0, s10;
	[sflag:s30] =	ssyncadd.s32 $0xFFFFFB00  }
0xec: {  	[spmem:s2] =	stream.indirect.scatter.add.f32 [tilespmem:s15], [sflag:$0x3], $0x10, s21, s22, $0xb8;
	[tilespmem:$0x1F880] =	vst v63  }
0xed: {  	_ =	swait.ge [sflag:s30], $0x500  }
0xee: {  	[sflag:s30] =	ssyncset.done $0x0  }
0xef: {  	s23 =	sadd.s32 $0x1B80, s11;
	s24 =	sadd.s32 $0x730, s10;
	[sflag:s30] =	ssyncadd.s32 $0xFFFFFB00  }
0xf0: {  	[spmem:s2] =	stream.indirect.scatter.add.f32 [tilespmem:s23], [sflag:$0x3], $0x10, s24, s22, $0xb8;
	[tilespmem:$0x1F880] =	vst v63  }
0xf1: {  	_ =	swait.ge [sflag:s30], $0x500  }
0xf2: {  	[sflag:s30] =	ssyncset.done $0x0  }
0xf3: {  	s25 =	sadd.s32 $0x2080, s11;
	s26 =	sadd.s32 $0x780, s10;
	[sflag:s30] =	ssyncadd.s32 $0xFFFFFB00  }
0xf4: {  	[spmem:s2] =	stream.indirect.scatter.add.f32 [tilespmem:s25], [sflag:$0x3], $0x10, s26, s22, $0xb8;
	[tilespmem:$0x1F880] =	vst v63  }
0xf5: {  	_ =	swait.ge [sflag:s30], $0x500  }
0xf6: {  	[sflag:s30] =	ssyncset.done $0x0  }
0xf7: {  	s28 =	sadd.s32 $0x2580, s11;
	s29 =	sadd.s32 $0x7D0, s10;
	[sflag:s30] =	ssyncadd.s32 $0xFFFFFB00  }
0xf8: {  	[spmem:s2] =	stream.indirect.scatter.add.f32 [tilespmem:s28], [sflag:$0x3], $0x10, s29, s22, $0xb8;
	[tilespmem:$0x1F880] =	vst v63  }
0xf9: {  	_ =	swait.ge [sflag:s30], $0x500  }
0xfa: {  	[sflag:s30] =	ssyncset.done $0x0  }
0xfb: {  	s13 =	sadd.s32 $0x2A80, s11;
	s14 =	sadd.s32 $0x820, s10;
	[sflag:s30] =	ssyncadd.s32 $0xFFFFFB00  }
0xfc: {  	[spmem:s2] =	stream.indirect.scatter.add.f32 [tilespmem:s13], [sflag:$0x3], $0x10, s14, s22, $0xb8;
	[tilespmem:$0x1F880] =	vst v63  }
0xfd: {  	_ =	swait.ge [sflag:s30], $0x500  }
0xfe: {  	[sflag:s30] =	ssyncset.done $0x0  }
0xff: {  	s15 =	sadd.s32 $0x2F80, s11;
	s21 =	sadd.s32 $0x870, s10;
	[sflag:s30] =	ssyncadd.s32 $0xFFFFFB00  }
0x100: {  	[spmem:s2] =	stream.indirect.scatter.add.f32 [tilespmem:s15], [sflag:$0x3], $0x10, s21, s22, $0xb8;
	[tilespmem:$0x1F880] =	vst v63  }
0x101: {  	_ =	swait.ge [sflag:s30], $0x500  }
0x102: {  	[sflag:s30] =	ssyncset.done $0x0  }
0x103: {  	s23 =	sadd.s32 $0x3480, s11;
	s24 =	sadd.s32 $0x8C0, s10;
	[sflag:s30] =	ssyncadd.s32 $0xFFFFFB00  }
0x104: {  	[spmem:s2] =	stream.indirect.scatter.add.f32 [tilespmem:s23], [sflag:$0x3], $0x10, s24, s22, $0xb8;
	[tilespmem:$0x1F880] =	vst v63  }
0x105: {  	_ =	swait.ge [sflag:s30], $0x500  }
0x106: {  	s12 =	simm.s32 @!p0 $0x1;
	[sflag:s30] =	ssyncset.done $0x0  }
0x107: {  	s10 =	sadd.s32 $0x910, s10;
	s11 =	sadd.s32 $0x3980, s11;
	[sflag:s30] =	ssyncadd.s32 $0xFFFFFB00  }
0x108: {  	[spmem:s2] =	stream.indirect.scatter.add.f32 [tilespmem:s11], [sflag:$0x3], $0x10, s10, s22, $0xb8;
	[tilespmem:$0x1F880] =	vst v63  }
0x109: {  	_ =	swait.ge @!p0 [sflag:s12], $0x320  }
0x10a: {  	[sflag:s12] =	ssyncset.done @!p0 $0x0  }
0x10b: {  	s10 =	smul.u32 @!p0 $0xC800, s3;
	[sflag:s12] =	ssyncadd.s32 @!p0 $0xFFFFFCE0  }
0x10c: {  	s3 =	smul.u32 @!p0 $0xC80, s3;
	_ =	swait.ge @!p0 [sflag:s12], $0x320  }
0x10d: {  	s11 =	simm.s32 @!p0 $0x50;
	s10 =	sshrl.u32 @!p0 s10, $0x2;
	[sflag:s12] =	ssyncset.done @!p0 $0x0  }
0x10e: {  	s3 =	sshrl.u32 @!p0 s3, $0x2;
	[sflag:s12] =	ssyncadd.s32 @!p0 $0xFFFFFCE0;
	s12 =	sadd.s32 @!p0 $0xC80, s10  }
0x10f: {  	[tilespmem:s12], [sflag:$0x2] =	stream.indirect.gather @!p0 [hbm4b:s5+s11], $0x10, s3, s11, $0xb8;
	[tilespmem:$0x1F880] =	vst v63  }
0x110: {  	s13 =	sadd.s32 @!p0 $0x50, s3;
	s12 =	sadd.s32 @!p0 $0x1180, s10  }
0x111: {  	[tilespmem:s12], [sflag:$0x2] =	stream.indirect.gather @!p0 [hbm4b:s5+s11], $0x10, s13, s11, $0xb8;
	[tilespmem:$0x1F880] =	vst v63  }
0x112: {  	s12 =	sadd.s32 @!p0 $0x1680, s10;
	s13 =	sadd.s32 @!p0 $0xA0, s3  }
0x113: {  	[tilespmem:s12], [sflag:$0x2] =	stream.indirect.gather @!p0 [hbm4b:s5+s11], $0x10, s13, s11, $0xb8;
	[tilespmem:$0x1F880] =	vst v63  }
0x114: {  	s12 =	sadd.s32 @!p0 $0xF0, s3;
	s13 =	sadd.s32 @!p0 $0x1B80, s10  }
0x115: {  	[tilespmem:s13], [sflag:$0x2] =	stream.indirect.gather @!p0 [hbm4b:s5+s11], $0x10, s12, s11, $0xb8;
	[tilespmem:$0x1F880] =	vst v63  }
0x116: {  	s12 =	sadd.s32 @!p0 $0x2080, s10;
	s13 =	sadd.s32 @!p0 $0x140, s3  }
0x117: {  	[tilespmem:s12], [sflag:$0x2] =	stream.indirect.gather @!p0 [hbm4b:s5+s11], $0x10, s13, s11, $0xb8;
	[tilespmem:$0x1F880] =	vst v63  }
0x118: {  	s12 =	sadd.s32 @!p0 $0x2580, s10;
	s13 =	sadd.s32 @!p0 $0x190, s3  }
0x119: {  	[tilespmem:s12], [sflag:$0x2] =	stream.indirect.gather @!p0 [hbm4b:s5+s11], $0x10, s13, s11, $0xb8;
	[tilespmem:$0x1F880] =	vst v63  }
0x11a: {  	s12 =	sadd.s32 @!p0 $0x1E0, s3;
	s13 =	sadd.s32 @!p0 $0x2A80, s10  }
0x11b: {  	[tilespmem:s13], [sflag:$0x2] =	stream.indirect.gather @!p0 [hbm4b:s5+s11], $0x10, s12, s11, $0xb8;
	[tilespmem:$0x1F880] =	vst v63  }
0x11c: {  	s12 =	sadd.s32 @!p0 $0x2F80, s10;
	s13 =	sadd.s32 @!p0 $0x230, s3  }
0x11d: {  	[tilespmem:s12], [sflag:$0x2] =	stream.indirect.gather @!p0 [hbm4b:s5+s11], $0x10, s13, s11, $0xb8;
	[tilespmem:$0x1F880] =	vst v63  }
0x11e: {  	s12 =	sadd.s32 @!p0 $0x3480, s10;
	s13 =	sadd.s32 @!p0 $0x280, s3  }
0x11f: {  	[tilespmem:s12], [sflag:$0x2] =	stream.indirect.gather @!p0 [hbm4b:s5+s11], $0x10, s13, s11, $0xb8;
	[tilespmem:$0x1F880] =	vst v63  }
0x120: {  	s10 =	sadd.s32 @!p0 $0x3980, s10;
	s3 =	sadd.s32 @!p0 $0x2D0, s3  }
0x121: {  	[tilespmem:s10], [sflag:$0x2] =	stream.indirect.gather @!p0 [hbm4b:s5+s11], $0x10, s3, s11, $0xb8;
	[tilespmem:$0x1F880] =	vst v63  }
0x122: {  	_ =	swait.ge [sflag:s31], $0x3200  }
0x123: {  	[sflag:s31] =	ssyncset.done $0x0  }
0x124: {  	[sflag:s31] =	ssyncadd.s32 $0xFFFFCE00  }
0x125: {  	[bflag:$0x0] =	sbarrier.arrive $0xFFFF  }
0x126: {  	[tilespmem:s19], [sflag:$0x4] =	stream.linear.gather [spmem:s6], $0x6200, $0x38;
	[tilespmem:$0x1F880] =	vst v63  }
0x127: {  	_ =	swait.ge [sflag:s20], $0x6200  }
0x128: {  	[sflag:s20] =	ssyncset.done $0x0  }
0x129: {  	s25 =	rddreg [dreg:$0x6];
	[sflag:s20] =	ssyncadd.s32 $0xFFFF9E00  }
0x12a: {  	[hbm4b:s25+s4] =	stream.linear.scatter [tilespmem:s19], [sflag:$0x4], $0x6200, $0x38;
	[tilespmem:$0x1F880] =	vst v63  }
0x12b: {  	_ =	swait.ge [sflag:s20], $0x6200  }
0x12c: {  	[sflag:s20] =	ssyncset.done $0x0  }
0x12d: {  	[sflag:s20] =	ssyncadd.s32 $0xFFFF9E00  }
0x12e: {  	[tilespmem:s19], [sflag:$0x4] =	stream.linear.gather [spmem:s7], $0x6200, $0x38;
	[tilespmem:$0x1F880] =	vst v63  }
0x12f: {  	_ =	swait.ge [sflag:s20], $0x6200  }
0x130: {  	[sflag:s20] =	ssyncset.done $0x0  }
0x131: {  	s26 =	rddreg [dreg:$0x7];
	[sflag:s20] =	ssyncadd.s32 $0xFFFF9E00  }
0x132: {  	[hbm4b:s26+s4] =	stream.linear.scatter [tilespmem:s19], [sflag:$0x4], $0x6200, $0x38;
	[tilespmem:$0x1F880] =	vst v63  }
0x133: {  	_ =	swait.ge [sflag:s20], $0x6200  }
0x134: {  	[sflag:s20] =	ssyncset.done $0x0  }
0x135: {  	[sflag:s20] =	ssyncadd.s32 $0xFFFF9E00  }
0x136: {  	[tilespmem:s19], [sflag:$0x4] =	stream.linear.gather [spmem:s8], $0x6200, $0x38;
	[tilespmem:$0x1F880] =	vst v63  }
0x137: {  	_ =	swait.ge [sflag:s20], $0x6200  }
0x138: {  	[sflag:s20] =	ssyncset.done $0x0  }
0x139: {  	s28 =	rddreg [dreg:$0x8];
	[sflag:s20] =	ssyncadd.s32 $0xFFFF9E00  }
0x13a: {  	[hbm4b:s28+s4] =	stream.linear.scatter [tilespmem:s19], [sflag:$0x4], $0x6200, $0x38;
	[tilespmem:$0x1F880] =	vst v63  }
0x13b: {  	_ =	swait.ge [sflag:s20], $0x6200  }
0x13c: {  	[sflag:s20] =	ssyncset.done $0x0  }
0x13d: {  	[sflag:s20] =	ssyncadd.s32 $0xFFFF9E00  }
0x13e: {  	[tilespmem:s19], [sflag:$0x4] =	stream.linear.gather [spmem:s9], $0x6200, $0x38;
	[tilespmem:$0x1F880] =	vst v63  }
0x13f: {  	_ =	swait.ge [sflag:s20], $0x6200  }
0x140: {  	[sflag:s20] =	ssyncset.done $0x0  }
0x141: {  	[sflag:s20] =	ssyncadd.s32 $0xFFFF9E00  }
0x142: {  	[hbm4b:s16+s4] =	stream.linear.scatter [tilespmem:s19], [sflag:$0x4], $0x6200, $0x38;
	[tilespmem:$0x1F880] =	vst v63  }
0x143: {  	_ =	swait.ge [sflag:s20], $0x6200  }
0x144: {  	s0 =	sadd.s32 $0x1, s0;
	s29 =	rddreg [dreg:$0x5]  }
0x145: {  	p0 =	sne.s32 s0, s29  }
.Ltmp2:
0x146: {  	_ = 	snop;
	(pc) =	sbr.rel @p0 .LBB2_1-.Ltmp2, $3  }
0x147: {  	_ =	sdelay $0x1  }
0x148: {  	[sflag:s20] =	ssyncset.done $0x0  }
0x149: {  	[sflag:s20] =	ssyncadd.s32 $0xFFFF9E00  }
0x14a: {  	_ =	sfence.sel $0x180000  }
0x14b: {  	[bflag:$0x0] =	sbarrier.arrive $0xFFFF  }
0x14c: {  	_ =	strace $0x9000004D  }
0x14d: {  	s0 =	stileid.u32;
	[bflag:$0x2] =	sbarrier.arrive $0xFFFF  }
0x14e: {  	p0 =	sne.s32 s0, $0x0;
	s0 =	rddreg [dreg:$0x2]  }
0x14f: {  	s0 =	sadd.s32 @!p0 $0x100000, s0  }
0x150: {  	[sflag:s0] =	ssyncadd.tile.s32 @!p0 $0x1;
	_ =	shalt  }
.Lfunc_end2:
_tile_overlayer_lowered:
.L_overlay_start_2:
0x151: {  	(tag) =	ssettag $0x2  }
0x152: {  	s0 =	rddreg [dreg:$0x0];
	s2 =	stileid.u32  }
0x153: {  	s1 =	rddreg [dreg:$0x1];
	p0 =	sne.s32 s2, $0x0  }
0x154: {  	s3 =	rddreg [dreg:$0x2];
	[bflag:$0x3] =	sbarrier.arrive $0xFFFF;
	s2 =	simm.s32 @!p0 $0x1C04  }
0x155: {  	[timem:s3], [sflag:s2] =	dma.local @!p0 [hbm:s0], s1  }
0x156: {  	s0 =	simm.s32 @!p0 $0x4  }
0x157: {  	_ =	swait.ge @!p0 [sflag:s0], s1  }
0x158: {  	s1 =	ssub.s32 @!p0 $0x0, s1;
	[sflag:s0] =	ssyncset.done @!p0 $0x0  }
0x159: {  	[sflag:s0] =	ssyncadd.s32 @!p0 s1  }
0x15a: {  	[bflag:$0x3] =	sbarrier.arrive $0xFFFF  }
0x15b: {  	_ =	shalt  }

// kernel: kernel.7.cloned.1.call-start
scs
__scs_entry_jumppad:
0x0: {  	(pc) =	sbr.rel $0x88, $3  }
0x1: {  	(tag) =	ssettag $0x0;
	lr =	simm.s32 $0x1  }
0x2: {  	[smem:$0x3F99] =	sst lr;
	_ =	strace $0xD0000000  }
0x3: {  	_ = 	snop  }
0x4: {  	_ = 	snop  }
0x5: {  	_ = 	snop  }
0x6: {  	_ = 	snop  }
0x7: {  	_ = 	snop  }
__scs_overlays_trampoline_lowered:
0x8: {  	[smem:$0x3FA8] =	sst s0  }
0x9: {  	[smem:$0x3FA9] =	sst s1  }
0xa: {  	[smem:$0x3FAA] =	sst s2  }
0xb: {  	[smem:$0x3FAB] =	sst s3  }
0xc: {  	[smem:$0x3FAC] =	sst s4  }
0xd: {  	[smem:$0x3FAD] =	sst s5  }
0xe: {  	[smem:$0x3FAE] =	sst s6  }
0xf: {  	[smem:$0x3FAF] =	sst s7  }
0x10: {  	[smem:$0x3FB0] =	sst s8  }
0x11: {  	[smem:$0x3FB1] =	sst s9;
	s0 =	simm.s32 @!p0 $0x0  }
0x12: {  	s1 =	sld [smem:$0x3F97];
	s0 =	simm.s32 @p0 $0x1  }
0x13: {  	[smem:$0x3FB2] =	sst s0;
	s0 =	simm.s32 @!p1 $0x0  }
0x14: {  	s2 =	sld [smem:$0x3F96];
	s0 =	simm.s32 @p1 $0x1  }
0x15: {  	[smem:$0x3FB3] =	sst s0;
	s0 =	simm.s32 @!p2 $0x0  }
0x16: {  	s3 =	sld [smem:$0x3FDB];
	s0 =	simm.s32 @p2 $0x1  }
0x17: {  	s4 =	simm.s32 $0x1BF5;
	[smem:$0x3FB5] =	sst s0  }
0x18: {  	s0 =	sld [smem:$0x3F98];
	_ =	swait.ge [sflag:s4], $0x0  }
0x19: {  	s7 =	sld [smem:$0x3F99]  }
0x1a: {  	s8 =	sadd.s32 $0xFFFFE003, lr  }
0x1b: {  	s9 =	sadd.s32 $0xFFFFFEF7, lr;
	s5 =	simm.s32 $0xFFFFFFFF;
	p2 =	slt.u32 s8, $0xFFFFF086  }
0x1c: {  	p1 =	slt.u32 s9, $0xF7A;
	s5 =	simm.s32 @!p2 $0x0  }
0x1d: {  	s5 =	simm.s32 @p1 $0x1;
	p0 =	seq.s32 s7, s2  }
0x1e: {  	s7 =	smul.u32 @!p0 $0xF7A, s2;
	p2 =	seq.s32 @!p0 s5, $0x0  }
0x1f: {  	s9 =	smul.u32 $0xF7A, s1;
	s8 =	simm.s32 @!p0 $0x1BF5;
	p2 =	por !p2, p0  }
0x20: {  	[sflag:s8] =	ssyncset.s32 @!p0 $0xFFFFF086;
	s6 =	sadd.s32 @!p0 s3, s7;
	s7 =	simm.s32 @!p0 $0x108  }
0x21: {  	s3 =	sadd.s32 s3, s9;
	s6 =	sadd.s32 @!p0 $0x88, s6;
	s7 =	simm.s32 @p2 $0x1082  }
0x22: {  	[simem:s7], [sflag:s8] =	dma.local @!p0 [hbm:s6], $0xF7A  }
0x23: {  	s9 =	sor.u32 $0xD0000000, s2;
	s6 =	simm.s32 $0x108;
	_ =	swait.ge @!p0 [sflag:s8], $0x0  }
0x24: {  	s3 =	sadd.s32 $0x88, s3;
	s6 =	simm.s32 @!p1 $0x1082;
	[sflag:s4] =	ssyncset.s32 $0xFFFFF086  }
0x25: {  	[simem:s6], [sflag:s4] =	dma.local [hbm:s3], $0xF7A  }
0x26: {  	[smem:$0x3F99] =	sst s1;
	(tag) =	ssettag s2;
	_ =	strace s9  }
0x27: {  	s1 =	sld [smem:$0x3FA9]  }
0x28: {  	s2 =	sld [smem:$0x3FAA]  }
0x29: {  	s4 =	sld [smem:$0x3FAC]  }
0x2a: {  	p0 =	seq.s32 s5, $0x0;
	s5 =	sld [smem:$0x3FAD]  }
0x2b: {  	s6 =	sld [smem:$0x3FAE]  }
0x2c: {  	s7 =	sld [smem:$0x3FAF]  }
0x2d: {  	s3 =	simm.s32 $0x108;
	s8 =	sld [smem:$0x3FB0]  }
0x2e: {  	s3 =	simm.s32 @!p0 $0x1082;
	s9 =	sld [smem:$0x3FB1]  }
0x2f: {  	lr =	sadd.s32 s0, s3;
	s0 =	sld [smem:$0x3FA8]  }
0x30: {  	s3 =	sld [smem:$0x3FAB]  }
0x31: {  	[smem:$0x3FB4] =	sst s10  }
0x32: {  	s10 =	sld [smem:$0x3FB2];
	_ =	sdelay $0x3  }
0x33: {  	p0 =	seq.s32 s10, $0x1;
	s10 =	sld [smem:$0x3FB4];
	_ =	sdelay $0x3  }
0x34: {  	[smem:$0x3FB4] =	sst s10  }
0x35: {  	s10 =	sld [smem:$0x3FB3];
	_ =	sdelay $0x3  }
0x36: {  	p1 =	seq.s32 s10, $0x1;
	s10 =	sld [smem:$0x3FB4];
	_ =	sdelay $0x3  }
0x37: {  	[smem:$0x3FB4] =	sst s10  }
0x38: {  	s10 =	sld [smem:$0x3FB5]  }
0x39: {  	_ = 	snop;
	(pc) =	sbr.ind lr, $3  }
0x3a: {  	_ = 	snop  }
0x3b: {  	_ = 	snop  }
0x3c: {  	p2 =	seq.s32 s10, $0x1;
	s10 =	sld [smem:$0x3FB4]  }
0x3d: {  	_ =	shalt  }
0x3e: {  	_ =	shalt  }
0x3f: {  	_ =	shalt  }
0x40: {  	_ =	shalt  }
0x41: {  	_ =	shalt  }
0x42: {  	_ =	shalt  }
0x43: {  	_ =	shalt  }
0x44: {  	_ =	shalt  }
0x45: {  	_ =	shalt  }
0x46: {  	_ =	shalt  }
0x47: {  	_ =	shalt  }
0x48: {  	_ =	shalt  }
0x49: {  	_ =	shalt  }
0x4a: {  	_ =	shalt  }
0x4b: {  	_ =	shalt  }
0x4c: {  	_ =	shalt  }
0x4d: {  	_ =	shalt  }
0x4e: {  	_ =	shalt  }
0x4f: {  	_ =	shalt  }
0x50: {  	_ =	shalt  }
0x51: {  	_ =	shalt  }
0x52: {  	_ =	shalt  }
0x53: {  	_ =	shalt  }
0x54: {  	_ =	shalt  }
0x55: {  	_ =	shalt  }
0x56: {  	_ =	shalt  }
0x57: {  	_ =	shalt  }
0x58: {  	_ =	shalt  }
0x59: {  	_ =	shalt  }
0x5a: {  	_ =	shalt  }
0x5b: {  	_ =	shalt  }
0x5c: {  	_ =	shalt  }
0x5d: {  	_ =	shalt  }
0x5e: {  	_ =	shalt  }
0x5f: {  	_ =	shalt  }
0x60: {  	_ =	shalt  }
0x61: {  	_ =	shalt  }
0x62: {  	_ =	shalt  }
0x63: {  	_ =	shalt  }
0x64: {  	_ =	shalt  }
0x65: {  	_ =	shalt  }
0x66: {  	_ =	shalt  }
0x67: {  	_ =	shalt  }
0x68: {  	_ =	shalt  }
0x69: {  	_ =	shalt  }
0x6a: {  	_ =	shalt  }
0x6b: {  	_ =	shalt  }
0x6c: {  	_ =	shalt  }
0x6d: {  	_ =	shalt  }
0x6e: {  	_ =	shalt  }
0x6f: {  	_ =	shalt  }
0x70: {  	_ =	shalt  }
0x71: {  	_ =	shalt  }
0x72: {  	_ =	shalt  }
0x73: {  	_ =	shalt  }
0x74: {  	_ =	shalt  }
0x75: {  	_ =	shalt  }
0x76: {  	_ =	shalt  }
0x77: {  	_ =	shalt  }
0x78: {  	_ =	shalt  }
0x79: {  	_ =	shalt  }
0x7a: {  	_ =	shalt  }
0x7b: {  	_ =	shalt  }
0x7c: {  	_ =	shalt  }
0x7d: {  	_ =	shalt  }
0x7e: {  	_ =	shalt  }
0x7f: {  	_ =	shalt  }
0x80: {  	_ =	shalt  }
0x81: {  	_ =	shalt  }
0x82: {  	_ =	shalt  }
0x83: {  	_ =	shalt  }
0x84: {  	_ =	shalt  }
0x85: {  	_ =	shalt  }
0x86: {  	_ =	shalt  }
0x87: {  	_ =	shalt  }
.Lfunc_end0:
.L_simem_size_0:
called_computation.1_lowered:
.L_overlay_start_0:
0x88: {  	s2 =	sld [smem:$0x3FD9]  }
0x89: {  	s3 =	sld [smem:$0x3FFE];
	_ =	sdelay $0x1  }
0x8a: {  	s1 =	srdreg.scid  }
0x8b: {  	s0 =	sand.u32 $0x1, s1  }
0x8c: {  	s16 =	sshll.u32 s0, $0xA;
	s2 =	sadd.s32 s3, s2  }
0x8d: {  	s2 =	sadd.s32 s2, s16  }
0x8e: {  	[smem:$0x3FC0] =	sst s2  }
0x8f: {  	_ = 	snop  }
0x90: {  	(tm) =	ssettm $0x1  }
0x91: {  	s17 =	sld [smem:$0x3FFB];
	_ =	sdelay $0x3  }
0x92: {  	_ =	strace s17  }
0x93: {  	s2 =	sld [smem:$0x3FFC];
	_ =	sdelay $0x3  }
0x94: {  	_ =	strace s2  }
0x95: {  	s2 =	sld [smem:$0x3FFD];
	_ =	sdelay $0x3  }
0x96: {  	_ =	strace s2  }
0x97: {  	_ =	strace $0x8FFFFFFF  }
0x98: {  	s18 =	sld [smem:$0x3FDB];
	_ =	sdelay $0x1  }
0x99: {  	s19 =	simm.s32 $_scs_section_size  }
0x9a: {  	s4 =	simm.s32 $_size__tile_overlayer_lowered;
	s5 =	simm.s32 $_tile_overlayer_lowered  }
0x9b: {  	s22 =	simm.s32 $0x1BFF;
	s21 =	sshll.u32 s5, $0x1;
	s2 =	sadd.s32 s19, s18  }
0x9c: {  	s6 =	simm.s32 $0x0;
	s20 =	sshll.u32 s4, $0x1;
	s4 =	sadd.s32 s21, s2  }
0x9d: {  	[timem:s6], [sflag:s22] =	dma.local [hbm:s4], s20  }
0x9e: {  	_ =	swait.ge [sflag:s22], s20  }
0x9f: {  	s3 =	ssub.s32 $0x0, s20;
	[sflag:s22] =	ssyncset.done $0x0  }
0xa0: {  	[sflag:s22] =	ssyncadd.s32 s3;
	_ =	sdelay $0x1  }
0xa1: {  	s23 =	simm.s32 $0x1B8B  }
0xa2: {  	_ =	swait.ge [sflag:s23], $0x1  }
0xa3: {  	[sflag:s23] =	ssyncset.done $0x0  }
0xa4: {  	s25 =	simm.s32 $0x1B8E;
	s24 =	sld [smem:$0x3FFE];
	[sflag:s23] =	ssyncadd.s32 $0xFFFFFFFF  }
0xa5: {  	s26 =	simm.s32 $execute0_lowered;
	[smem:$0x3FD2] =	sst s25  }
0xa6: {  	s4 =	sshll.u32 s26, $0x1;
	_ =	strace $0x80000049;
	[dreg:$0x1] =	wrdreg $0xFFFFFFFF  }
0xa7: {  	s28 =	simm.s32 $_size_execute0_lowered;
	s2 =	sadd.s32 s2, s4;
	[dreg:$0x0] =	wrdreg $0x0  }
0xa8: {  	s4 =	sshll.u32 s28, $0x1;
	[dreg:$0x2] =	wrdreg s2  }
0xa9: {  	[dreg:$0x3] =	wrdreg s4  }
0xaa: {  	[dreg:$0x4] =	wrdreg $0xC0  }
0xab: {  	_ =	task [dreg:s6], $0x5FFFF  }
0xac: {  	[dreg:$0x1] =	wrdreg $0xFFFFFFFF  }
0xad: {  	[dreg:$0x0] =	wrdreg $0x60  }
0xae: {  	[dreg:$0x2] =	wrdreg s24  }
0xaf: {  	[dreg:$0x3] =	wrdreg $0x25500  }
0xb0: {  	[dreg:$0x4] =	wrdreg $0x9  }
0xb1: {  	_ =	task.clear_ibuf [dreg:s6], $0x5FFFF;
	_ =	strace $0x90000049  }
0xb2: {  	s29 =	simm.s32 $0x9;
	_ =	strace $0x8000004B  }
0xb3: {  	_ =	swait.ge [sflag:s29], $0x1  }
0xb4: {  	[sflag:s29] =	ssyncadd.s32 $0xFFFFFFFF  }
0xb5: {  	_ =	strace $0x9000004B  }
0xb6: {  	_ =	sfence  }
0xb7: {  	s30 =	sld [smem:$0x0];
	_ =	sdelay $0x2  }
0xb8: {  	s31 =	sshll.u32 s1, $0xD;
	s1 =	sshrl.u32 s1, $0x2  }
0xb9: {  	s3 =	sand.u32 $0x4000, s31;
	s1 =	sadd.s32 s1, s30  }
0xba: {  	s0 =	sor.u32 s3, s0;
	s1 =	sshll.u32 s1, $0x11  }
0xbb: {  	s0 =	sor.u32 s1, s0  }
0xbc: {  	s0 =	sadd.s32 $0x8F2B, s0  }
0xbd: {  	[sflag:s0] =	ssyncadd.remote.s32 $0x1  }
0xbe: {  	_ =	sfence.sel $0xFFFF  }
0xbf: {  	[dreg:$0x0] =	wrdreg $0xFFFFFFFF;
	(pc) =	sbr.abs _section_cstart, $3  }
0xc0: {  	[dreg:$0x1] =	wrdreg $0xFFFFFFFF  }
0xc1: {  	_ =	task.clear_ibuf [dreg:s6], $0x2FFFF;
	_ =	strace $0x9FFFFFFF  }
0xc2: {  	(tm) =	ssettm $0x7FFFFFFF  }
0xc3: {  	_ =	shalt  }
tec
execute0_lowered:
.L_overlay_start_1:
0x0: {  	(tag) =	ssettag $0x1  }
0x1: {  	s0 =	rddreg [dreg:$0x0];
	s1 =	srdreg.scid  }
0x2: {  	s7 =	stileid.u32;
	s2 =	rddreg [dreg:$0x1]  }
0x3: {  	s10 =	simm.s32 $0x3;
	s11 =	simm.s32 $0x50;
	s12 =	simm.s32 $0xC80  }
0x4: {  	s13 =	simm.s32 $0x2;
	s14 =	simm.s32 $0x1;
	s22 =	simm.s32 $0x2D0  }
0x5: {  	s23 =	simm.s32 $0x320;
	s24 =	simm.s32 $0x370;
	s28 =	simm.s32 $0x460  }
0x6: {  	s29 =	simm.s32 $0x4B0;
	s30 =	simm.s32 $0x500;
	s4 =	smul.u32 $0x1880, s7  }
0x7: {  	s1 =	sand.u32 $0x1, s1;
	s3 =	sshll.u32 s7, $0x1;
	s7 =	smul.u32 $0x61A80, s7  }
0x8: {  	s31 =	simm.s32 $0x550;
	s5 =	smul.u32 $0x18800, s1;
	s6 =	sor.u32 s1, s3  }
0x9: {  	s3 =	simm.s32 $0x0;
	s8 =	ssub.s32 $0x2, s1;
	s1 =	smul.u32 $0x30D40, s1  }
0xa: {  	s15 =	simm.s32 $0x0;
	s6 =	smul.u32 $0x30D40, s6;
	[smem:$0x7FF] =	sst s3  }
0xb: {  	s25 =	sshrl.u32 s8, $0x1;
	s5 =	sadd.s32 s4, s5;
	_ =	strace $0x8000004A  }
0xc: {  	s8 =	ssub.s32 s8, s25;
	s1 =	sadd.s32 s1, s7;
	s4 =	sadd.s32 s4, s2  }
0xd: {  	s25 =	simm.s32 $0x3C0;
	s5 =	sshrl.u32 s5, $0x3;
	s26 =	sshrl.u32 s6, $0x3  }
0xe: {  	s1 =	sadd.s32 $0x61AE40, s1;
	s7 =	smax.u32 s8, $0x1;
	s9 =	sadd.s32 s5, s0  }
0xf: {  	s5 =	sadd.s32 s0, s26;
	s1 =	sshrl.u32 s1, $0x3;
	s26 =	simm.s32 $0x410  }
0x10: {  	s5 =	sadd.s32 $0xC3500, s5;
	s6 =	sadd.s32 $0x186A00, s9;
	s8 =	sadd.s32 s1, s0  }
0x11: {  	v0 =	vimm.f32 $1.000000000e+00;
	v1 =	vimm.f32 $0.0e+00;
	s9 =	simm.s32 $0xCD0;
	s1 =	simm.s32 $0x5A0;
	s0 =	simm.s32 $0x5F0  }
.LBB2_1:
0x12: {  	[tilespmem:$0xC80] =	vst v0  }
0x13: {  	[tilespmem:$0xC90] =	vst v0  }
0x14: {  	[tilespmem:$0xCA0] =	vst v0  }
0x15: {  	[tilespmem:$0xCB0] =	vst v0  }
0x16: {  	[tilespmem:$0xCC0] =	vst v0;
	s16 =	simm.s32 $0x40;
	s17 =	simm.s32 $0x0  }
.LBB2_2:
0x17: {  	p0 =	sne.s32 s16, $0x61C0;
	[tilespmem:s17+$0xCD0] =	vst v1;
	s17 =	smov.u32 s16;
	s16 =	sadd.s32 $0x40, s16  }
.Ltmp0:
0x18: {  	(pc) =	sbr.rel @p0 .LBB2_2-.Ltmp0, $2  }
0x19: {  	_ =	sdelay $0x2  }
0x1a: {  	s17 =	sshra.s32 s17, $0x2  }
0x1b: {  	[tilespmem:s17+$0xCD0] =	vst v1  }
0x1c: {  	[spmem:s4] =	stream.linear.scatter [tilespmem:s9], [sflag:$0x3], $0x1880, $0x38;
	[tilespmem:$0x3DD0] =	vst v63  }
0x1d: {  	_ =	swait.ge [sflag:s10], $0x1880  }
0x1e: {  	[sflag:s10] =	ssyncset.done $0x0  }
0x1f: {  	[sflag:s10] =	ssyncadd.s32 $0xFFFFE780  }
0x20: {  	s16 =	simm.s32 $0x0;
	[bflag:$0x0] =	sbarrier.arrive $0xFFFF  }
0x21: {  	[tilespmem:s16], [sflag:$0x3] =	stream.linear.gather [hbm4b:s5+s16], $0x640, $0x38;
	[tilespmem:$0x3DD0] =	vst v63  }
0x22: {  	s16 =	sand.u32 $0x1, s16  }
0x23: {  	s18 =	sxor.u32 $0x1, s16  }
0x24: {  	_ =	swait.ge [sflag:s10], $0x640;
	s17 =	smul.u32 $0x1900, s18  }
0x25: {  	[sflag:s10] =	ssyncset.done $0x0  }
0x26: {  	s16 =	smul.u32 $0x1900, s16;
	[sflag:s10] =	ssyncadd.s32 $0xFFFFF9C0;
	s17 =	sshrl.u32 s17, $0x2  }
0x27: {  	[tilespmem:s17], [sflag:$0x1] =	stream.linear.gather [hbm4b:s8+s3], $0x640, $0x38;
	[tilespmem:$0x3DD0] =	vst v63  }
0x28: {  	s16 =	sshrl.u32 s16, $0x2  }
0x29: {  	[spmem:s2] =	stream.indirect.scatter.add.f32 [tilespmem:s12], [sflag:$0x2], $0x1, s16, s11, $0xb8;
	[tilespmem:$0x3DD0] =	vst v63  }
0x2a: {  	s19 =	sadd.s32 $0x50, s16  }
0x2b: {  	[spmem:s2] =	stream.indirect.scatter.add.f32 [tilespmem:s12], [sflag:$0x2], $0x1, s19, s11, $0xb8;
	[tilespmem:$0x3DD0] =	vst v63  }
0x2c: {  	s20 =	sadd.s32 $0xA0, s16  }
0x2d: {  	[spmem:s2] =	stream.indirect.scatter.add.f32 [tilespmem:s12], [sflag:$0x2], $0x1, s20, s11, $0xb8;
	[tilespmem:$0x3DD0] =	vst v63  }
0x2e: {  	s21 =	sadd.s32 $0xF0, s16  }
0x2f: {  	[spmem:s2] =	stream.indirect.scatter.add.f32 [tilespmem:s12], [sflag:$0x2], $0x1, s21, s11, $0xb8;
	[tilespmem:$0x3DD0] =	vst v63  }
0x30: {  	s18 =	sadd.s32 $0x140, s16  }
0x31: {  	[spmem:s2] =	stream.indirect.scatter.add.f32 [tilespmem:s12], [sflag:$0x2], $0x1, s18, s11, $0xb8;
	[tilespmem:$0x3DD0] =	vst v63  }
0x32: {  	s19 =	sadd.s32 $0x190, s16  }
0x33: {  	[spmem:s2] =	stream.indirect.scatter.add.f32 [tilespmem:s12], [sflag:$0x2], $0x1, s19, s11, $0xb8;
	[tilespmem:$0x3DD0] =	vst v63  }
0x34: {  	s20 =	sadd.s32 $0x1E0, s16  }
0x35: {  	[spmem:s2] =	stream.indirect.scatter.add.f32 [tilespmem:s12], [sflag:$0x2], $0x1, s20, s11, $0xb8;
	[tilespmem:$0x3DD0] =	vst v63  }
0x36: {  	s21 =	sadd.s32 $0x230, s16  }
0x37: {  	[spmem:s2] =	stream.indirect.scatter.add.f32 [tilespmem:s12], [sflag:$0x2], $0x1, s21, s11, $0xb8;
	[tilespmem:$0x3DD0] =	vst v63  }
0x38: {  	s18 =	sadd.s32 $0x280, s16  }
0x39: {  	[spmem:s2] =	stream.indirect.scatter.add.f32 [tilespmem:s12], [sflag:$0x2], $0x1, s18, s11, $0xb8;
	[tilespmem:$0x3DD0] =	vst v63  }
0x3a: {  	s19 =	sadd.s32 $0x2D0, s16  }
0x3b: {  	[spmem:s2] =	stream.indirect.scatter.add.f32 [tilespmem:s12], [sflag:$0x2], $0x1, s19, s11, $0xb8;
	[tilespmem:$0x3DD0] =	vst v63  }
0x3c: {  	s20 =	sadd.s32 $0x320, s16  }
0x3d: {  	[spmem:s2] =	stream.indirect.scatter.add.f32 [tilespmem:s12], [sflag:$0x2], $0x1, s20, s11, $0xb8;
	[tilespmem:$0x3DD0] =	vst v63  }
0x3e: {  	s21 =	sadd.s32 $0x370, s16  }
0x3f: {  	[spmem:s2] =	stream.indirect.scatter.add.f32 [tilespmem:s12], [sflag:$0x2], $0x1, s21, s11, $0xb8;
	[tilespmem:$0x3DD0] =	vst v63  }
0x40: {  	s18 =	sadd.s32 $0x3C0, s16  }
0x41: {  	[spmem:s2] =	stream.indirect.scatter.add.f32 [tilespmem:s12], [sflag:$0x2], $0x1, s18, s11, $0xb8;
	[tilespmem:$0x3DD0] =	vst v63  }
0x42: {  	s19 =	sadd.s32 $0x410, s16  }
0x43: {  	[spmem:s2] =	stream.indirect.scatter.add.f32 [tilespmem:s12], [sflag:$0x2], $0x1, s19, s11, $0xb8;
	[tilespmem:$0x3DD0] =	vst v63  }
0x44: {  	s20 =	sadd.s32 $0x460, s16  }
0x45: {  	[spmem:s2] =	stream.indirect.scatter.add.f32 [tilespmem:s12], [sflag:$0x2], $0x1, s20, s11, $0xb8;
	[tilespmem:$0x3DD0] =	vst v63  }
0x46: {  	s21 =	sadd.s32 $0x4B0, s16  }
0x47: {  	[spmem:s2] =	stream.indirect.scatter.add.f32 [tilespmem:s12], [sflag:$0x2], $0x1, s21, s11, $0xb8;
	[tilespmem:$0x3DD0] =	vst v63  }
0x48: {  	s18 =	sadd.s32 $0x500, s16  }
0x49: {  	[spmem:s2] =	stream.indirect.scatter.add.f32 [tilespmem:s12], [sflag:$0x2], $0x1, s18, s11, $0xb8;
	[tilespmem:$0x3DD0] =	vst v63  }
0x4a: {  	s19 =	sadd.s32 $0x550, s16  }
0x4b: {  	[spmem:s2] =	stream.indirect.scatter.add.f32 [tilespmem:s12], [sflag:$0x2], $0x1, s19, s11, $0xb8;
	[tilespmem:$0x3DD0] =	vst v63  }
0x4c: {  	s20 =	sadd.s32 $0x5A0, s16  }
0x4d: {  	[spmem:s2] =	stream.indirect.scatter.add.f32 [tilespmem:s12], [sflag:$0x2], $0x1, s20, s11, $0xb8;
	[tilespmem:$0x3DD0] =	vst v63  }
0x4e: {  	s16 =	sadd.s32 $0x5F0, s16  }
0x4f: {  	[spmem:s2] =	stream.indirect.scatter.add.f32 [tilespmem:s12], [sflag:$0x2], $0x1, s16, s11, $0xb8;
	[tilespmem:$0x3DD0] =	vst v63  }
0x50: {  	s21 =	simm.s32 $0x1;
	_ =	swait.ge [sflag:s13], $0x640  }
0x51: {  	s16 =	sand.u32 $0x1, s21;
	[sflag:s13] =	ssyncset.done $0x0  }
0x52: {  	s18 =	sxor.u32 $0x1, s16;
	[sflag:s13] =	ssyncadd.s32 $0xFFFFF9C0  }
0x53: {  	s17 =	simm.s32 $0x2;
	s18 =	smul.u32 $0x1900, s18;
	_ =	swait.ge [sflag:s14], $0x640  }
0x54: {  	s19 =	smul.u32 $0x1900, s16;
	s16 =	sadd.s32 $0xC8, s8;
	[sflag:s14] =	ssyncset.done $0x0  }
.LBB2_4:
0x55: {  	s21 =	sshrl.u32 s18, $0x2  }
0x56: {  	[sflag:s14] =	ssyncadd.s32 $0xFFFFF9C0;
	s18 =	smov.u32 s17;
	s20 =	sadd.s32 $0x1, s17  }
0x57: {  	[tilespmem:s21], [sflag:$0x1] =	stream.linear.gather [hbm4b:s16+s3], $0x640, $0x38;
	[tilespmem:$0x3DD0] =	vst v63  }
0x58: {  	p0 =	sne.s32 s17, $0x7B;
	s19 =	sshrl.u32 s19, $0x2  }
0x59: {  	[spmem:s2] =	stream.indirect.scatter.add.f32 [tilespmem:s12], [sflag:$0x2], $0x1, s19, s11, $0xb8;
	[tilespmem:$0x3DD0] =	vst v63  }
0x5a: {  	s17 =	sadd.s32 $0x50, s19  }
0x5b: {  	[spmem:s2] =	stream.indirect.scatter.add.f32 [tilespmem:s12], [sflag:$0x2], $0x1, s17, s11, $0xb8;
	[tilespmem:$0x3DD0] =	vst v63  }
0x5c: {  	s17 =	sadd.s32 $0xA0, s19  }
0x5d: {  	[spmem:s2] =	stream.indirect.scatter.add.f32 [tilespmem:s12], [sflag:$0x2], $0x1, s17, s11, $0xb8;
	[tilespmem:$0x3DD0] =	vst v63  }
0x5e: {  	s17 =	sadd.s32 $0xF0, s19  }
0x5f: {  	[spmem:s2] =	stream.indirect.scatter.add.f32 [tilespmem:s12], [sflag:$0x2], $0x1, s17, s11, $0xb8;
	[tilespmem:$0x3DD0] =	vst v63  }
0x60: {  	s17 =	sadd.s32 $0x140, s19  }
0x61: {  	[spmem:s2] =	stream.indirect.scatter.add.f32 [tilespmem:s12], [sflag:$0x2], $0x1, s17, s11, $0xb8;
	[tilespmem:$0x3DD0] =	vst v63  }
0x62: {  	s17 =	sadd.s32 $0x190, s19  }
0x63: {  	[spmem:s2] =	stream.indirect.scatter.add.f32 [tilespmem:s12], [sflag:$0x2], $0x1, s17, s11, $0xb8;
	[tilespmem:$0x3DD0] =	vst v63  }
0x64: {  	s17 =	sadd.s32 $0x1E0, s19  }
0x65: {  	[spmem:s2] =	stream.indirect.scatter.add.f32 [tilespmem:s12], [sflag:$0x2], $0x1, s17, s11, $0xb8;
	[tilespmem:$0x3DD0] =	vst v63  }
0x66: {  	s17 =	sadd.s32 $0x230, s19  }
0x67: {  	[spmem:s2] =	stream.indirect.scatter.add.f32 [tilespmem:s12], [sflag:$0x2], $0x1, s17, s11, $0xb8;
	[tilespmem:$0x3DD0] =	vst v63  }
0x68: {  	s17 =	sadd.s32 $0x280, s19  }
0x69: {  	[spmem:s2] =	stream.indirect.scatter.add.f32 [tilespmem:s12], [sflag:$0x2], $0x1, s17, s11, $0xb8;
	[tilespmem:$0x3DD0] =	vst v63  }
0x6a: {  	s17 =	sadd.s32 $0x2D0, s19  }
0x6b: {  	[spmem:s2] =	stream.indirect.scatter.add.f32 [tilespmem:s12], [sflag:$0x2], $0x1, s17, s11, $0xb8;
	[tilespmem:$0x3DD0] =	vst v63  }
0x6c: {  	s17 =	sadd.s32 $0x320, s19  }
0x6d: {  	[spmem:s2] =	stream.indirect.scatter.add.f32 [tilespmem:s12], [sflag:$0x2], $0x1, s17, s11, $0xb8;
	[tilespmem:$0x3DD0] =	vst v63  }
0x6e: {  	s17 =	sadd.s32 $0x370, s19  }
0x6f: {  	[spmem:s2] =	stream.indirect.scatter.add.f32 [tilespmem:s12], [sflag:$0x2], $0x1, s17, s11, $0xb8;
	[tilespmem:$0x3DD0] =	vst v63  }
0x70: {  	s17 =	sadd.s32 $0x3C0, s19  }
0x71: {  	[spmem:s2] =	stream.indirect.scatter.add.f32 [tilespmem:s12], [sflag:$0x2], $0x1, s17, s11, $0xb8;
	[tilespmem:$0x3DD0] =	vst v63  }
0x72: {  	s17 =	sadd.s32 $0x410, s19  }
0x73: {  	[spmem:s2] =	stream.indirect.scatter.add.f32 [tilespmem:s12], [sflag:$0x2], $0x1, s17, s11, $0xb8;
	[tilespmem:$0x3DD0] =	vst v63  }
0x74: {  	s17 =	sadd.s32 $0x460, s19  }
0x75: {  	[spmem:s2] =	stream.indirect.scatter.add.f32 [tilespmem:s12], [sflag:$0x2], $0x1, s17, s11, $0xb8;
	[tilespmem:$0x3DD0] =	vst v63  }
0x76: {  	s17 =	sadd.s32 $0x4B0, s19  }
0x77: {  	[spmem:s2] =	stream.indirect.scatter.add.f32 [tilespmem:s12], [sflag:$0x2], $0x1, s17, s11, $0xb8;
	[tilespmem:$0x3DD0] =	vst v63  }
0x78: {  	s17 =	sadd.s32 $0x500, s19  }
0x79: {  	[spmem:s2] =	stream.indirect.scatter.add.f32 [tilespmem:s12], [sflag:$0x2], $0x1, s17, s11, $0xb8;
	[tilespmem:$0x3DD0] =	vst v63  }
0x7a: {  	s17 =	sadd.s32 $0x550, s19  }
0x7b: {  	[spmem:s2] =	stream.indirect.scatter.add.f32 [tilespmem:s12], [sflag:$0x2], $0x1, s17, s11, $0xb8;
	[tilespmem:$0x3DD0] =	vst v63  }
0x7c: {  	s17 =	sadd.s32 $0x5A0, s19  }
0x7d: {  	[spmem:s2] =	stream.indirect.scatter.add.f32 [tilespmem:s12], [sflag:$0x2], $0x1, s17, s11, $0xb8;
	[tilespmem:$0x3DD0] =	vst v63  }
0x7e: {  	s17 =	sadd.s32 $0x5F0, s19  }
0x7f: {  	[spmem:s2] =	stream.indirect.scatter.add.f32 [tilespmem:s12], [sflag:$0x2], $0x1, s17, s11, $0xb8;
	[tilespmem:$0x3DD0] =	vst v63  }
.Ltmp1:
0x80: {  	_ =	swait.ge [sflag:s13], $0x640;
	(pc) =	sbr.rel @p0 .LBB2_4-.Ltmp1, $4  }
0x81: {  	s17 =	sand.u32 $0x1, s18;
	[sflag:s13] =	ssyncset.done $0x0  }
0x82: {  	s18 =	sxor.u32 $0x1, s17;
	s19 =	smul.u32 $0x1900, s17;
	[sflag:s13] =	ssyncadd.s32 $0xFFFFF9C0  }
0x83: {  	s18 =	smul.u32 $0x1900, s18;
	_ =	swait.ge [sflag:s14], $0x640  }
0x84: {  	s16 =	sadd.s32 $0xC8, s16;
	s17 =	smov.u32 s20;
	[sflag:s14] =	ssyncset.done $0x0  }
0x85: {  	s17 =	sshrl.u32 s18, $0x2;
	[sflag:s14] =	ssyncadd.s32 $0xFFFFF9C0  }
0x86: {  	[tilespmem:s17], [sflag:$0x1] =	stream.linear.gather [hbm4b:s16+s3], $0x640, $0x38;
	[tilespmem:$0x3DD0] =	vst v63  }
0x87: {  	s16 =	sshrl.u32 s19, $0x2  }
0x88: {  	[spmem:s2] =	stream.indirect.scatter.add.f32 [tilespmem:s12], [sflag:$0x2], $0x1, s16, s11, $0xb8;
	[tilespmem:$0x3DD0] =	vst v63  }
0x89: {  	s18 =	sadd.s32 $0x50, s16  }
0x8a: {  	[spmem:s2] =	stream.indirect.scatter.add.f32 [tilespmem:s12], [sflag:$0x2], $0x1, s18, s11, $0xb8;
	[tilespmem:$0x3DD0] =	vst v63  }
0x8b: {  	s19 =	sadd.s32 $0xA0, s16  }
0x8c: {  	[spmem:s2] =	stream.indirect.scatter.add.f32 [tilespmem:s12], [sflag:$0x2], $0x1, s19, s11, $0xb8;
	[tilespmem:$0x3DD0] =	vst v63  }
0x8d: {  	s20 =	sadd.s32 $0xF0, s16  }
0x8e: {  	[spmem:s2] =	stream.indirect.scatter.add.f32 [tilespmem:s12], [sflag:$0x2], $0x1, s20, s11, $0xb8;
	[tilespmem:$0x3DD0] =	vst v63  }
0x8f: {  	s21 =	sadd.s32 $0x140, s16  }
0x90: {  	[spmem:s2] =	stream.indirect.scatter.add.f32 [tilespmem:s12], [sflag:$0x2], $0x1, s21, s11, $0xb8;
	[tilespmem:$0x3DD0] =	vst v63  }
0x91: {  	s18 =	sadd.s32 $0x190, s16  }
0x92: {  	[spmem:s2] =	stream.indirect.scatter.add.f32 [tilespmem:s12], [sflag:$0x2], $0x1, s18, s11, $0xb8;
	[tilespmem:$0x3DD0] =	vst v63  }
0x93: {  	s19 =	sadd.s32 $0x1E0, s16  }
0x94: {  	[spmem:s2] =	stream.indirect.scatter.add.f32 [tilespmem:s12], [sflag:$0x2], $0x1, s19, s11, $0xb8;
	[tilespmem:$0x3DD0] =	vst v63  }
0x95: {  	s20 =	sadd.s32 $0x230, s16  }
0x96: {  	[spmem:s2] =	stream.indirect.scatter.add.f32 [tilespmem:s12], [sflag:$0x2], $0x1, s20, s11, $0xb8;
	[tilespmem:$0x3DD0] =	vst v63  }
0x97: {  	s21 =	sadd.s32 $0x280, s16  }
0x98: {  	[spmem:s2] =	stream.indirect.scatter.add.f32 [tilespmem:s12], [sflag:$0x2], $0x1, s21, s11, $0xb8;
	[tilespmem:$0x3DD0] =	vst v63  }
0x99: {  	s18 =	sadd.s32 $0x2D0, s16  }
0x9a: {  	[spmem:s2] =	stream.indirect.scatter.add.f32 [tilespmem:s12], [sflag:$0x2], $0x1, s18, s11, $0xb8;
	[tilespmem:$0x3DD0] =	vst v63  }
0x9b: {  	s19 =	sadd.s32 $0x320, s16  }
0x9c: {  	[spmem:s2] =	stream.indirect.scatter.add.f32 [tilespmem:s12], [sflag:$0x2], $0x1, s19, s11, $0xb8;
	[tilespmem:$0x3DD0] =	vst v63  }
0x9d: {  	s20 =	sadd.s32 $0x370, s16  }
0x9e: {  	[spmem:s2] =	stream.indirect.scatter.add.f32 [tilespmem:s12], [sflag:$0x2], $0x1, s20, s11, $0xb8;
	[tilespmem:$0x3DD0] =	vst v63  }
0x9f: {  	s21 =	sadd.s32 $0x3C0, s16  }
0xa0: {  	[spmem:s2] =	stream.indirect.scatter.add.f32 [tilespmem:s12], [sflag:$0x2], $0x1, s21, s11, $0xb8;
	[tilespmem:$0x3DD0] =	vst v63  }
0xa1: {  	s18 =	sadd.s32 $0x410, s16  }
0xa2: {  	[spmem:s2] =	stream.indirect.scatter.add.f32 [tilespmem:s12], [sflag:$0x2], $0x1, s18, s11, $0xb8;
	[tilespmem:$0x3DD0] =	vst v63  }
0xa3: {  	s19 =	sadd.s32 $0x460, s16  }
0xa4: {  	[spmem:s2] =	stream.indirect.scatter.add.f32 [tilespmem:s12], [sflag:$0x2], $0x1, s19, s11, $0xb8;
	[tilespmem:$0x3DD0] =	vst v63  }
0xa5: {  	s20 =	sadd.s32 $0x4B0, s16  }
0xa6: {  	[spmem:s2] =	stream.indirect.scatter.add.f32 [tilespmem:s12], [sflag:$0x2], $0x1, s20, s11, $0xb8;
	[tilespmem:$0x3DD0] =	vst v63  }
0xa7: {  	s21 =	sadd.s32 $0x500, s16  }
0xa8: {  	[spmem:s2] =	stream.indirect.scatter.add.f32 [tilespmem:s12], [sflag:$0x2], $0x1, s21, s11, $0xb8;
	[tilespmem:$0x3DD0] =	vst v63  }
0xa9: {  	s18 =	sadd.s32 $0x550, s16  }
0xaa: {  	[spmem:s2] =	stream.indirect.scatter.add.f32 [tilespmem:s12], [sflag:$0x2], $0x1, s18, s11, $0xb8;
	[tilespmem:$0x3DD0] =	vst v63  }
0xab: {  	s19 =	sadd.s32 $0x5A0, s16  }
0xac: {  	[spmem:s2] =	stream.indirect.scatter.add.f32 [tilespmem:s12], [sflag:$0x2], $0x1, s19, s11, $0xb8;
	[tilespmem:$0x3DD0] =	vst v63  }
0xad: {  	s16 =	sadd.s32 $0x5F0, s16  }
0xae: {  	[spmem:s2] =	stream.indirect.scatter.add.f32 [tilespmem:s12], [sflag:$0x2], $0x1, s16, s11, $0xb8;
	[tilespmem:$0x3DD0] =	vst v63  }
0xaf: {  	_ =	swait.ge [sflag:s13], $0x640  }
0xb0: {  	[sflag:s13] =	ssyncset.done $0x0  }
0xb1: {  	[sflag:s13] =	ssyncadd.s32 $0xFFFFF9C0  }
0xb2: {  	_ =	swait.ge [sflag:s14], $0x640  }
0xb3: {  	[sflag:s14] =	ssyncset.done $0x0  }
0xb4: {  	[sflag:s14] =	ssyncadd.s32 $0xFFFFF9C0  }
0xb5: {  	[spmem:s2] =	stream.indirect.scatter.add.f32 [tilespmem:s12], [sflag:$0x2], $0x1, s3, s11, $0xb8;
	[tilespmem:$0x3DD0] =	vst v63  }
0xb6: {  	_ = 	snop  }
0xb7: {  	[spmem:s2] =	stream.indirect.scatter.add.f32 [tilespmem:s12], [sflag:$0x2], $0x1, s11, s11, $0xb8;
	[tilespmem:$0x3DD0] =	vst v63  }
0xb8: {  	s20 =	simm.s32 $0xA0  }
0xb9: {  	[spmem:s2] =	stream.indirect.scatter.add.f32 [tilespmem:s12], [sflag:$0x2], $0x1, s20, s11, $0xb8;
	[tilespmem:$0x3DD0] =	vst v63  }
0xba: {  	s21 =	simm.s32 $0xF0  }
0xbb: {  	[spmem:s2] =	stream.indirect.scatter.add.f32 [tilespmem:s12], [sflag:$0x2], $0x1, s21, s11, $0xb8;
	[tilespmem:$0x3DD0] =	vst v63  }
0xbc: {  	s17 =	simm.s32 $0x140  }
0xbd: {  	[spmem:s2] =	stream.indirect.scatter.add.f32 [tilespmem:s12], [sflag:$0x2], $0x1, s17, s11, $0xb8;
	[tilespmem:$0x3DD0] =	vst v63  }
0xbe: {  	s18 =	simm.s32 $0x190  }
0xbf: {  	[spmem:s2] =	stream.indirect.scatter.add.f32 [tilespmem:s12], [sflag:$0x2], $0x1, s18, s11, $0xb8;
	[tilespmem:$0x3DD0] =	vst v63  }
0xc0: {  	s19 =	simm.s32 $0x1E0  }
0xc1: {  	[spmem:s2] =	stream.indirect.scatter.add.f32 [tilespmem:s12], [sflag:$0x2], $0x1, s19, s11, $0xb8;
	[tilespmem:$0x3DD0] =	vst v63  }
0xc2: {  	s20 =	simm.s32 $0x230  }
0xc3: {  	[spmem:s2] =	stream.indirect.scatter.add.f32 [tilespmem:s12], [sflag:$0x2], $0x1, s20, s11, $0xb8;
	[tilespmem:$0x3DD0] =	vst v63  }
0xc4: {  	s21 =	simm.s32 $0x280  }
0xc5: {  	[spmem:s2] =	stream.indirect.scatter.add.f32 [tilespmem:s12], [sflag:$0x2], $0x1, s21, s11, $0xb8;
	[tilespmem:$0x3DD0] =	vst v63  }
0xc6: {  	_ = 	snop  }
0xc7: {  	[spmem:s2] =	stream.indirect.scatter.add.f32 [tilespmem:s12], [sflag:$0x2], $0x1, s22, s11, $0xb8;
	[tilespmem:$0x3DD0] =	vst v63  }
0xc8: {  	_ = 	snop  }
0xc9: {  	[spmem:s2] =	stream.indirect.scatter.add.f32 [tilespmem:s12], [sflag:$0x2], $0x1, s23, s11, $0xb8;
	[tilespmem:$0x3DD0] =	vst v63  }
0xca: {  	_ = 	snop  }
0xcb: {  	[spmem:s2] =	stream.indirect.scatter.add.f32 [tilespmem:s12], [sflag:$0x2], $0x1, s24, s11, $0xb8;
	[tilespmem:$0x3DD0] =	vst v63  }
0xcc: {  	_ = 	snop  }
0xcd: {  	[spmem:s2] =	stream.indirect.scatter.add.f32 [tilespmem:s12], [sflag:$0x2], $0x1, s25, s11, $0xb8;
	[tilespmem:$0x3DD0] =	vst v63  }
0xce: {  	_ = 	snop  }
0xcf: {  	[spmem:s2] =	stream.indirect.scatter.add.f32 [tilespmem:s12], [sflag:$0x2], $0x1, s26, s11, $0xb8;
	[tilespmem:$0x3DD0] =	vst v63  }
0xd0: {  	_ = 	snop  }
0xd1: {  	[spmem:s2] =	stream.indirect.scatter.add.f32 [tilespmem:s12], [sflag:$0x2], $0x1, s28, s11, $0xb8;
	[tilespmem:$0x3DD0] =	vst v63  }
0xd2: {  	_ = 	snop  }
0xd3: {  	[spmem:s2] =	stream.indirect.scatter.add.f32 [tilespmem:s12], [sflag:$0x2], $0x1, s29, s11, $0xb8;
	[tilespmem:$0x3DD0] =	vst v63  }
0xd4: {  	_ = 	snop  }
0xd5: {  	[spmem:s2] =	stream.indirect.scatter.add.f32 [tilespmem:s12], [sflag:$0x2], $0x1, s30, s11, $0xb8;
	[tilespmem:$0x3DD0] =	vst v63  }
0xd6: {  	_ = 	snop  }
0xd7: {  	[spmem:s2] =	stream.indirect.scatter.add.f32 [tilespmem:s12], [sflag:$0x2], $0x1, s31, s11, $0xb8;
	[tilespmem:$0x3DD0] =	vst v63  }
0xd8: {  	_ = 	snop  }
0xd9: {  	[spmem:s2] =	stream.indirect.scatter.add.f32 [tilespmem:s12], [sflag:$0x2], $0x1, s1, s11, $0xb8;
	[tilespmem:$0x3DD0] =	vst v63  }
0xda: {  	_ = 	snop  }
0xdb: {  	[spmem:s2] =	stream.indirect.scatter.add.f32 [tilespmem:s12], [sflag:$0x2], $0x1, s0, s11, $0xb8;
	[tilespmem:$0x3DD0] =	vst v63  }
0xdc: {  	_ =	swait.ge [sflag:s13], $0x640  }
0xdd: {  	[sflag:s13] =	ssyncset.done $0x0  }
0xde: {  	[sflag:s13] =	ssyncadd.s32 $0xFFFFF9C0  }
0xdf: {  	[bflag:$0x0] =	sbarrier.arrive $0xFFFF  }
0xe0: {  	[tilespmem:s9], [sflag:$0x3] =	stream.linear.gather [spmem:s4], $0x1880, $0x38;
	[tilespmem:$0x3DD0] =	vst v63  }
0xe1: {  	s15 =	sadd.s32 $0x1, s15;
	_ =	swait.ge [sflag:s10], $0x1880  }
0xe2: {  	p0 =	sne.s32 s15, s7;
	[sflag:s10] =	ssyncset.done $0x0  }
.Ltmp2:
0xe3: {  	[sflag:s10] =	ssyncadd.s32 $0xFFFFE780;
	(pc) =	sbr.rel @p0 .LBB2_1-.Ltmp2, $4  }
0xe4: {  	[hbm4b:s6+s3] =	stream.linear.scatter [tilespmem:s9], [sflag:$0x3], $0x1880, $0x38;
	[tilespmem:$0x3DD0] =	vst v63  }
0xe5: {  	_ =	swait.ge [sflag:s10], $0x1880  }
0xe6: {  	[sflag:s10] =	ssyncset.done $0x0  }
0xe7: {  	[sflag:s10] =	ssyncadd.s32 $0xFFFFE780  }
0xe8: {  	_ =	sfence.sel $0x180000  }
0xe9: {  	[bflag:$0x0] =	sbarrier.arrive $0xFFFF  }
0xea: {  	_ =	strace $0x9000004A  }
0xeb: {  	s0 =	stileid.u32;
	[bflag:$0x2] =	sbarrier.arrive $0xFFFF  }
0xec: {  	p0 =	sne.s32 s0, $0x0;
	s0 =	rddreg [dreg:$0x2]  }
0xed: {  	s0 =	sadd.s32 @!p0 $0x100000, s0  }
0xee: {  	[sflag:s0] =	ssyncadd.tile.s32 @!p0 $0x1;
	_ =	shalt  }
.Lfunc_end2:
_tile_overlayer_lowered:
.L_overlay_start_2:
0xef: {  	(tag) =	ssettag $0x2  }
0xf0: {  	s0 =	rddreg [dreg:$0x0];
	s2 =	stileid.u32  }
0xf1: {  	s1 =	rddreg [dreg:$0x1];
	p0 =	sne.s32 s2, $0x0  }
0xf2: {  	s3 =	rddreg [dreg:$0x2];
	[bflag:$0x3] =	sbarrier.arrive $0xFFFF;
	s2 =	simm.s32 @!p0 $0x1C03  }
0xf3: {  	[timem:s3], [sflag:s2] =	dma.local @!p0 [hbm:s0], s1  }
0xf4: {  	s0 =	simm.s32 @!p0 $0x3  }
0xf5: {  	_ =	swait.ge @!p0 [sflag:s0], s1  }
0xf6: {  	s1 =	ssub.s32 @!p0 $0x0, s1;
	[sflag:s0] =	ssyncset.done @!p0 $0x0  }
0xf7: {  	[sflag:s0] =	ssyncadd.s32 @!p0 s1  }
0xf8: {  	[bflag:$0x3] =	sbarrier.arrive $0xFFFF  }
0xf9: {  	_ =	shalt  }

// kernel: sparse-core-data-format-call.cloned.1.call-start
scs
called_computation_lowered:
.L_overlay_start_0:
0x0: {  	s2 =	sld [smem:$0x3FD9]  }
0x1: {  	s3 =	sld [smem:$0x3FFE];
	_ =	sdelay $0x1  }
0x2: {  	s1 =	srdreg.scid  }
0x3: {  	s0 =	sand.u32 $0x1, s1  }
0x4: {  	s18 =	sshll.u32 s0, $0xA;
	s2 =	sadd.s32 s3, s2  }
0x5: {  	s2 =	sadd.s32 s2, s18  }
0x6: {  	[smem:$0x3FC0] =	sst s2  }
0x7: {  	_ = 	snop  }
0x8: {  	s2 =	sld [smem:$0x3FC8];
	(tm) =	ssettm $0x1  }
0x9: {  	s19 =	sld [smem:$0x3FFB];
	_ =	sdelay $0x3  }
0xa: {  	_ =	strace s19  }
0xb: {  	s3 =	sld [smem:$0x3FFC];
	_ =	sdelay $0x3  }
0xc: {  	_ =	strace s3  }
0xd: {  	s3 =	sld [smem:$0x3FFD];
	_ =	sdelay $0x3  }
0xe: {  	_ =	strace s3  }
0xf: {  	_ =	strace $0x8FFFFFFF  }
0x10: {  	s20 =	sld [smem:$0x3FDB];
	_ =	sdelay $0x1  }
0x11: {  	s4 =	simm.s32 $_scs_section_size  }
0x12: {  	s5 =	simm.s32 $_size__tile_overlayer_lowered;
	s6 =	simm.s32 $_tile_overlayer_lowered  }
0x13: {  	s23 =	simm.s32 $0x1BFF;
	s22 =	sshll.u32 s6, $0x1;
	s3 =	sadd.s32 s4, s20  }
0x14: {  	s7 =	simm.s32 $0x0;
	s21 =	sshll.u32 s5, $0x1;
	s5 =	sadd.s32 s22, s3  }
0x15: {  	[timem:s7], [sflag:s23] =	dma.local [hbm:s5], s21  }
0x16: {  	_ =	swait.ge [sflag:s23], s21  }
0x17: {  	s4 =	ssub.s32 $0x0, s21;
	[sflag:s23] =	ssyncset.done $0x0  }
0x18: {  	[sflag:s23] =	ssyncadd.s32 s4;
	_ =	sdelay $0x1  }
0x19: {  	s24 =	simm.s32 $0x1B8B  }
0x1a: {  	_ =	swait.ge [sflag:s24], $0x1  }
0x1b: {  	[sflag:s24] =	ssyncset.done $0x0  }
0x1c: {  	s26 =	simm.s32 $0x1B8E;
	s25 =	sld [smem:$0x3FFE];
	[sflag:s24] =	ssyncadd.s32 $0xFFFFFFFF  }
0x1d: {  	s27 =	simm.s32 $execute0_lowered;
	[smem:$0x3FD2] =	sst s26  }
0x1e: {  	s5 =	sshll.u32 s27, $0x1;
	_ =	strace $0x80000046;
	[dreg:$0x1] =	wrdreg $0xFFFFFFFF  }
0x1f: {  	s28 =	simm.s32 $_size_execute0_lowered;
	s3 =	sadd.s32 s3, s5;
	[dreg:$0x0] =	wrdreg $0x0  }
0x20: {  	s5 =	sshll.u32 s28, $0x1;
	[dreg:$0x2] =	wrdreg s3  }
0x21: {  	[dreg:$0x3] =	wrdreg s5  }
0x22: {  	[dreg:$0x4] =	wrdreg $0xC0  }
0x23: {  	_ =	task [dreg:s7], $0x5FFFF  }
0x24: {  	[dreg:$0x1] =	wrdreg $0xFFFFFFFF  }
0x25: {  	[dreg:$0x0] =	wrdreg $0x60  }
0x26: {  	[dreg:$0x2] =	wrdreg s2  }
0x27: {  	[dreg:$0x3] =	wrdreg s25  }
0x28: {  	[dreg:$0x4] =	wrdreg $0x9  }
0x29: {  	_ =	task.clear_ibuf [dreg:s7], $0x5FFFF;
	_ =	strace $0x90000046  }
0x2a: {  	s29 =	simm.s32 $0x9;
	_ =	strace $0x80000048  }
0x2b: {  	_ =	swait.ge [sflag:s29], $0x1  }
0x2c: {  	[sflag:s29] =	ssyncadd.s32 $0xFFFFFFFF  }
0x2d: {  	_ =	strace $0x90000048  }
0x2e: {  	_ =	sfence  }
0x2f: {  	s30 =	sld [smem:$0x0];
	_ =	sdelay $0x2  }
0x30: {  	s31 =	sshll.u32 s1, $0xD;
	s1 =	sshrl.u32 s1, $0x2  }
0x31: {  	s3 =	sand.u32 $0x4000, s31;
	s1 =	sadd.s32 s1, s30  }
0x32: {  	s0 =	sor.u32 s3, s0;
	s1 =	sshll.u32 s1, $0x11  }
0x33: {  	s0 =	sor.u32 s1, s0  }
0x34: {  	s0 =	sadd.s32 $0x8F2B, s0  }
0x35: {  	[sflag:s0] =	ssyncadd.remote.s32 $0x1  }
0x36: {  	_ =	sfence.sel $0xFFFF  }
0x37: {  	[dreg:$0x0] =	wrdreg $0xFFFFFFFF;
	(pc) =	sbr.abs _section_cstart, $3  }
0x38: {  	[dreg:$0x1] =	wrdreg $0xFFFFFFFF  }
0x39: {  	_ =	task.clear_ibuf [dreg:s7], $0x2FFFF;
	_ =	strace $0x9FFFFFFF  }
0x3a: {  	(tm) =	ssettm $0x7FFFFFFF  }
0x3b: {  	_ =	shalt  }
tec
execute0_lowered:
.L_overlay_start_1:
0x0: {  	(tag) =	ssettag $0x1  }
0x1: {  	s0 =	stileid.u32  }
0x2: {  	s1 =	srdreg.scid;
	s7 =	rddreg [dreg:$0x0]  }
0x3: {  	s4 =	rddreg [dreg:$0x1];
	s31 =	simm.s32 $0x2;
	s10 =	simm.s32 $0x0  }
0x4: {  	s14 =	simm.s32 $0x0;
	s15 =	simm.s32 $0x0;
	s11 =	simm.s32 $0x0  }
0x5: {  	s13 =	simm.s32 $0x0;
	s2 =	sand.u32 $0x1, s1;
	s3 =	sshll.u32 s0, $0x7  }
0x6: {  	s1 =	rddreg [dreg:$0x2];
	s30 =	ssub.s32 $0xC300, s3;
	s5 =	ssub.s32 $0x2, s2  }
.Ltmp0:
0x7: {  	s6 =	sshrl.u32 s30, $0xB;
	s8 =	sshrl.u32 s5, $0x1;
	(pc) =	sbr.rel .LBB1_1-.Ltmp0, $4  }
0x8: {  	_ =	strace $0x80000047;
	s6 =	sadd.s32 $0x1, s6;
	s8 =	ssub.s32 s5, s8  }
0x9: {  	s9 =	sshll.u32 s2, $0x4;
	s5 =	simm.s32 $0x1;
	s6 =	smul.u32 s6, s8  }
0xa: {  	s12 =	smov.u32 s3;
	s7 =	sadd.s32 s7, s9;
	[sflag:s5] =	ssyncpa.u1 $0x0  }
0xb: {  	s9 =	simm.s32 $0x0;
	[sflag:s31] =	ssyncpa.u1 $0x0;
	s8 =	sadd.s32 $0x1, s6  }
.LBB1_4:
0xc: {  	s21 =	simm.s32 $0x0  }
.LBB1_8:
0xd: {  	_ =	sdelay $0x3  }
0xe: {  	v6 =	vld [tilespmem:s18+$0xFFFFFFC0];
	[tilespmem:v0+s20+$0x30 ss:$0x1] =	vst.idx.msk @p0 $0xffff, v2  }
0xf: {  	v58 =	vld [tilespmem:s18+$0xFFFFFFD0];
	[tilespmem:v0+s20+$0x40 ss:$0x1] =	vst.idx.msk @p0 $0xffff, v3;
	s21 =	sadd.s32 @p0 $0x80, s21  }
0x10: {  	v59 =	vld [tilespmem:s18+$0xFFFFFFE0];
	[tilespmem:v0+s20+$0x50 ss:$0x1] =	vst.idx.msk @p0 $0xffff, v5;
	s19 =	smov.u32 @p0 s21  }
0x11: {  	v60 =	vld [tilespmem:s18+$0xFFFFFFF0];
	[tilespmem:v0+s20+$0x60 ss:$0x1] =	vst.idx.msk @p0 $0xffff, v4;
	s19 =	sand.u32 $0x3F80, s19  }
0x12: {  	v61 =	vld [tilespmem:s18+$0x0];
	[tilespmem:v0+s19+$0x70 ss:$0x1] =	vst.idx.msk $0xffff, v1  }
0x13: {  	v62 =	vld [tilespmem:s18+$0x10];
	[tilespmem:v0+s19+$0x0 ss:$0x1] =	vst.idx.msk $0xffff, v6  }
0x14: {  	v63 =	vld [tilespmem:s18+$0x20];
	[tilespmem:v0+s19+$0x10 ss:$0x1] =	vst.idx.msk $0xffff, v58  }
0x15: {  	[tilespmem:v0+s19+$0x20 ss:$0x1] =	vst.idx.msk $0xffff, v59  }
0x16: {  	[tilespmem:v0+s19+$0x30 ss:$0x1] =	vst.idx.msk $0xffff, v60  }
0x17: {  	[tilespmem:v0+s19+$0x40 ss:$0x1] =	vst.idx.msk $0xffff, v61  }
0x18: {  	[tilespmem:v0+s19+$0x50 ss:$0x1] =	vst.idx.msk $0xffff, v62  }
0x19: {  	[tilespmem:v0+s19+$0x60 ss:$0x1] =	vst.idx.msk $0xffff, v63  }
.LBB1_9:
0x1a: {  	s18 =	sand.u32 $0x1FFFFFF, s11  }
0x1b: {  	s19 =	smulhi.u32 $0x14F8B59, s18;
	_ =	sdelay $0x1  }
0x1c: {  	s19 =	sshrl.u32 s19, $0x8  }
0x1d: {  	s19 =	smul.u32 $0xC350, s19  }
0x1e: {  	s15 =	smul.u32 $0xC3500, s15  }
0x1f: {  	s18 =	ssub.s32 s18, s19  }
0x20: {  	s15 =	sadd.s32 s4, s15;
	s18 =	sshll.u32 s18, $0x4  }
0x21: {  	s15 =	sadd.s32 s18, s15  }
0x22: {  	[hbm4b:s15+s9] =	stream.linear.scatter [tilespmem:s17], [sflag:$0x2], s16, $0x38;
	[tilespmem:$0x10000] =	vst v63  }
.LBB1_10:
0x23: {  	p0 =	slt.u32 s13, $0x2  }
0x24: {  	p1 =	sgt.s32 @!p0 s14, $0xC2D0  }
0x25: {  	s15 =	smov.u32 s14;
	s16 =	sshra.s32 @!p0 s14, $0x1F;
	p1 =	por !p1, p0  }
0x26: {  	s14 =	sand.u32 @!p0 s16, s14;
	s15 =	simm.s32 @p1 $0xC2D0  }
0x27: {  	s14 =	ssub.s32 @!p0 s15, s14  }
0x28: {  	s14 =	sadd.s32 @!p0 $0xFFFF3D30, s14  }
0x29: {  	s15 =	sshll.u32 @!p0 s14, $0x7  }
0x2a: {  	p1 =	sgt.s32 @!p0 s14, $0x7F;
	s14 =	ssub.s32 @!p0 $0x4000, s15  }
0x2b: {  	s16 =	sadd.s32 $0x800, s12;
	p1 =	por !p1, p0;
	s14 =	sand.u32 @!p0 $0x3FFFFF80, s14  }
0x2c: {  	s14 =	simm.s32 @!p1 $0x0;
	p1 =	sgt.s32 s16, $0xC34F  }
0x2d: {  	s16 =	smov.u32 @p1 s3;
	p1 =	sne.s32 s13, s8  }
.Ltmp1:
0x2e: {  	_ = 	snop;
	(pc) =	sbr.rel @!p1 .LBB1_11-.Ltmp1, $4  }
0x2f: {  	s10 =	sadd.s32 $0x4000, s10;
	s15 =	simm.s32 @!p0 $0x2  }
0x30: {  	_ =	swait.ge @!p0 [sflag:s15], s14;
	s17 =	ssub.s32 @!p0 $0x0, s14;
	s14 =	smov.u32 s11  }
0x31: {  	s13 =	sadd.s32 $0x1, s13;
	s11 =	smov.u32 s12;
	[sflag:s15] =	ssyncset.done @!p0 $0x0  }
0x32: {  	s12 =	smov.u32 s16;
	[sflag:s15] =	ssyncadd.s32 @!p0 s17;
	s15 =	smov.u32 s2  }
.LBB1_1:
0x33: {  	p0 =	sge.u32 s13, s6  }
0x34: {  	p1 =	sgt.s32 @!p0 s12, $0xC2D0  }
0x35: {  	s16 =	smov.u32 s12;
	s17 =	sshra.s32 @!p0 s12, $0x1F;
	p1 =	por !p1, p0  }
0x36: {  	s17 =	sand.u32 @!p0 s17, s12;
	s16 =	simm.s32 @p1 $0xC2D0  }
0x37: {  	s16 =	ssub.s32 @!p0 s16, s17  }
0x38: {  	s31 =	sadd.s32 $0xFFFFFFFF, s13;
	s18 =	sxor.u32 @!p0 $0xFFFFFFFF, s13;
	s16 =	sadd.s32 @!p0 $0xFFFF3D30, s16  }
0x39: {  	s19 =	simm.s32 @!p0 $0x80;
	s20 =	simm.s32 @!p0 $0x100;
	s17 =	sshll.u32 @!p0 s16, $0x7  }
0x3a: {  	p1 =	sgt.s32 @!p0 s16, $0x7F;
	s16 =	ssub.s32 @!p0 $0x4000, s17;
	s17 =	sshll.u32 @!p0 s18, $0xE  }
0x3b: {  	p1 =	por !p1, p0;
	s18 =	sshll.u32 @!p0 s12, $0x5;
	s16 =	sand.u32 @!p0 $0x3FFFFF80, s16  }
0x3c: {  	s17 =	sand.u32 @!p0 $0x4000, s17;
	s18 =	sadd.s32 @!p0 s18, s7;
	s16 =	simm.s32 @!p1 $0x0  }
0x3d: {  	[tilespmem:s17], [sflag:$0x1] =	stream.strided.gather @!p0 [hbm4b:s18+s19], s16, s20, s19, $0x38;
	[tilespmem:$0x10000] =	vst v63  }
0x3e: {  	p0 =	sge.u32 s31, s6  }
.Ltmp2:
0x3f: {  	_ = 	snop;
	(pc) =	sbr.rel @p0 .LBB1_10-.Ltmp2, $1  }
0x40: {  	_ =	sdelay $0x3  }
0x41: {  	p0 =	sgt.s32 s11, $0xC2D0;
	s16 =	smov.u32 s11;
	s17 =	sshra.s32 s11, $0x1F  }
0x42: {  	s16 =	simm.s32 @!p0 $0xC2D0;
	s17 =	sand.u32 s17, s11  }
0x43: {  	s16 =	ssub.s32 s16, s17  }
0x44: {  	s16 =	sadd.s32 $0xFFFF3D30, s16  }
0x45: {  	s30 =	sshll.u32 s16, $0x7  }
0x46: {  	s17 =	ssub.s32 $0x4000, s30  }
0x47: {  	p0 =	sgt.s32 s16, $0x7F;
	s16 =	sand.u32 $0x3FFFFF80, s17;
	s17 =	sadd.s32 $0x80, s11  }
0x48: {  	s16 =	simm.s32 @p0 $0x0;
	p0 =	slt.s32 s17, $0xC350  }
0x49: {  	s17 =	simm.s32 @!p0 $0xC350  }
0x4a: {  	s20 =	ssub.s32 s17, s11  }
0x4b: {  	p0 =	slt.s32 s20, $0x1  }
.Ltmp3:
0x4c: {  	_ = 	snop;
	(pc) =	sbr.rel @p0 .LBB1_9-.Ltmp3, $4  }
0x4d: {  	_ = 	snop  }
0x4e: {  	s19 =	sshll.u32 s13, $0xE;
	_ =	swait.ge [sflag:s5], s16  }
0x4f: {  	s31 =	sand.u32 $0x4000, s19;
	s18 =	ssub.s32 $0x0, s16;
	[sflag:s5] =	ssyncset.done $0x0  }
0x50: {  	s17 =	sor.u32 $0x8000, s31;
	[sflag:s5] =	ssyncadd.s32 s18  }
0x51: {  	p1 =	sne.s32 s20, $0x1  }
.Ltmp4:
0x52: {  	v0 =	vmov s17;
	(pc) =	sbr.rel @!p1 .LBB1_4-.Ltmp4, $4  }
0x53: {  	_ = 	snop  }
0x54: {  	s18 =	sand.u32 $0x4000, s10  }
0x55: {  	s18 =	sor.u32 $0x40, s18  }
0x56: {  	s19 =	simm.s32 $0x0;
	s21 =	sadd.s32 $0xFFFFFFFF, s20;
	p0 =	por $0x0, $0x0;
	v1 =	vld [tilespmem:s18+$0x30]  }
0x57: {  	v4 =	vld [tilespmem:s18+$0xFFFFFFC0]  }
0x58: {  	v6 =	vld [tilespmem:s18+$0xFFFFFFD0]  }
0x59: {  	v7 =	vld [tilespmem:s18+$0xFFFFFFE0];
	p1 =	sne.s32 s21, $0x1  }
.Ltmp5:
0x5a: {  	v2 =	vld [tilespmem:s18+$0xFFFFFFF0];
	s20 =	sand.u32 $0x3F80, s19;
	(pc) =	sbr.rel @!p1 .LBB1_6-.Ltmp5, $4  }
0x5b: {  	v3 =	vld [tilespmem:s18+$0x0];
	[tilespmem:v0+s20+$0x70 ss:$0x1] =	vst.idx.msk $0xffff, v1  }
0x5c: {  	v5 =	vld [tilespmem:s18+$0x10];
	[tilespmem:v0+s20+$0x0 ss:$0x1] =	vst.idx.msk $0xffff, v4  }
0x5d: {  	v4 =	vld [tilespmem:s18+$0x20];
	[tilespmem:v0+s20+$0x10 ss:$0x1] =	vst.idx.msk $0xffff, v6;
	s18 =	sadd.s32 $0x80, s18  }
0x5e: {  	s22 =	sadd.s32 $0xFFFFFFFF, s21;
	p0 =	por $0x1, $0x1;
	s21 =	simm.s32 $0x0;
	[tilespmem:v0+s20+$0x20 ss:$0x1] =	vst.idx.msk $0xffff, v7;
	v1 =	vld [tilespmem:s18+$0x30]  }
.LBB1_7:
0x5f: {  	p1 =	sne.s32 s22, $0x1;
	v6 =	vld [tilespmem:s18+$0xFFFFFFC0];
	[tilespmem:v0+s20+$0x30 ss:$0x1] =	vst.idx.msk $0xffff, v2  }
0x60: {  	v7 =	vld [tilespmem:s18+$0xFFFFFFD0];
	[tilespmem:v0+s20+$0x40 ss:$0x1] =	vst.idx.msk $0xffff, v3  }
0x61: {  	s21 =	sadd.s32 $0x80, s21;
	v8 =	vld [tilespmem:s18+$0xFFFFFFE0];
	[tilespmem:v0+s20+$0x50 ss:$0x1] =	vst.idx.msk $0xffff, v5  }
.Ltmp6:
0x62: {  	v2 =	vld [tilespmem:s18+$0xFFFFFFF0];
	[tilespmem:v0+s20+$0x60 ss:$0x1] =	vst.idx.msk $0xffff, v4;
	s20 =	sand.u32 $0x3F80, s21;
	(pc) =	sbr.rel @p1 .LBB1_7-.Ltmp6, $4  }
0x63: {  	v3 =	vld [tilespmem:s18+$0x0];
	[tilespmem:v0+s20+$0x70 ss:$0x1] =	vst.idx.msk $0xffff, v1  }
0x64: {  	[tilespmem:v0+s20+$0x0 ss:$0x1] =	vst.idx.msk $0xffff, v6;
	v5 =	vld [tilespmem:s18+$0x10]  }
0x65: {  	[tilespmem:v0+s20+$0x10 ss:$0x1] =	vst.idx.msk $0xffff, v7;
	v4 =	vld [tilespmem:s18+$0x20];
	s18 =	sadd.s32 $0x80, s18  }
0x66: {  	s22 =	sadd.s32 $0xFFFFFFFF, s22;
	v1 =	vld [tilespmem:s18+$0x30];
	[tilespmem:v0+s20+$0x20 ss:$0x1] =	vst.idx.msk $0xffff, v8  }
.Ltmp7:
0x67: {  	_ = 	snop;
	(pc) =	sbr.rel .LBB1_8-.Ltmp7, $1  }
0x68: {  	_ =	sdelay $0x3  }
.LBB1_6:
.Ltmp8:
0x69: {  	(pc) =	sbr.rel .LBB1_8-.Ltmp8, $2  }
0x6a: {  	_ =	sdelay $0x2  }
0x6b: {  	s21 =	simm.s32 $0x0  }
.LBB1_11:
0x6c: {  	_ =	sfence.sel $0x180000  }
0x6d: {  	s2 =	simm.s32 $0x1;
	[bflag:$0x0] =	sbarrier.arrive $0xFFFF  }
0x6e: {  	s31 =	simm.s32 $0x2;
	[sflag:s2] =	ssyncpa.u1 $0x1  }
0x6f: {  	[sflag:s31] =	ssyncpa.u1 $0x1  }
0x70: {  	p0 =	sne.s32 s0, $0x0;
	_ =	strace $0x90000047  }
0x71: {  	s0 =	sadd.s32 @!p0 $0x100000, s1;
	[bflag:$0x2] =	sbarrier.arrive $0xFFFF  }
0x72: {  	[sflag:s0] =	ssyncadd.tile.s32 @!p0 $0x1;
	_ =	shalt  }
.Lfunc_end1:
_tile_overlayer_lowered:
.L_overlay_start_2:
0x73: {  	(tag) =	ssettag $0x2  }
0x74: {  	s0 =	rddreg [dreg:$0x0];
	s2 =	stileid.u32  }
0x75: {  	s1 =	rddreg [dreg:$0x1];
	p0 =	sne.s32 s2, $0x0  }
0x76: {  	s3 =	rddreg [dreg:$0x2];
	[bflag:$0x3] =	sbarrier.arrive $0xFFFF;
	s2 =	simm.s32 @!p0 $0x1C01  }
0x77: {  	[timem:s3], [sflag:s2] =	dma.local @!p0 [hbm:s0], s1  }
0x78: {  	s0 =	simm.s32 @!p0 $0x1  }
0x79: {  	_ =	swait.ge @!p0 [sflag:s0], s1  }
0x7a: {  	s1 =	ssub.s32 @!p0 $0x0, s1;
	[sflag:s0] =	ssyncset.done @!p0 $0x0  }
0x7b: {  	[sflag:s0] =	ssyncadd.s32 @!p0 s1  }
0x7c: {  	[bflag:$0x3] =	sbarrier.arrive $0xFFFF  }
0x7d: {  	_ =	shalt  }

</sc_bundles>
